<compile_context>
chip_gen: v7x
topology: tpu7x:2x2x1
jax: 0.10.2.dev20260603
libtpu: 0.0.44.dev20260713+nightly
codegen_flags: <defaults>
</compile_context>

<pallas_src>
import functools

import jax
import jax.numpy as jnp
import numpy as np
from jax import lax
from jax.experimental import pallas as pl
from jax.experimental.pallas import tpu as pltpu
from jax.experimental.pallas import tpu_sc as plsc

N = 10000
E = 320000
DF = 128
NC, NS = 2, 16
NW = NC * NS
CH = 112
CPT0 = 64
CPT1 = 116
SLOTS = NS * (CPT0 + CPT1)
EPAD = SLOTS * CH - E
NACC = 10008
RPT = 624
TAIL = N - NS * RPT
ATAIL = NACC - NS * RPT
NBUF = 2
NIB = 4
HCPT = 79
HPAD = NW * HCPT * 128 - E

_mesh = plsc.VectorSubcoreMesh(
    core_axis_name="c", subcore_axis_name="s", num_cores=NC, num_subcores=NS
)

_sc_params = pltpu.CompilerParams(use_tc_tiling_on_sc=False)


@functools.partial(
    pl.kernel,
    out_type=jax.ShapeDtypeStruct((NC, N, 16), jnp.float32),
    mesh=_mesh,
    scratch_types=[
        pltpu.VMEM_SHARED((NACC, 16), jnp.float32),
        pltpu.VMEM((128, 16), jnp.float32),
        pltpu.VMEM((HCPT, 128), jnp.int32),
        pltpu.SemaphoreType.DMA,
    ],
    compiler_params=_sc_params,
)
def _hist_kernel(dst_hbm, ones_hbm, zeros_hbm, out_hbm, hist, ones_v, didx, sem):
    c = lax.axis_index("c")
    s = lax.axis_index("s")
    wid = c * NS + s

    pltpu.sync_copy(ones_hbm, ones_v)
    pltpu.sync_copy(dst_hbm.at[wid], didx)
    pltpu.sync_copy(
        zeros_hbm.at[pl.ds(s * RPT, RPT)], hist.at[pl.ds(s * RPT, RPT)]
    )

    @pl.when(s == NS - 1)
    def _():
        pltpu.sync_copy(
            zeros_hbm.at[pl.ds(NS * RPT, TAIL)], hist.at[pl.ds(NS * RPT, TAIL)]
        )

    plsc.subcore_barrier()

    @pl.loop(0, HCPT)
    def _(j):
        pltpu.async_copy(ones_v, hist.at[didx.at[j]], sem, add=True)

    @pl.loop(0, HCPT)
    def _(j):
        pltpu.make_async_copy(ones_v, hist.at[didx.at[j]], sem).wait()

    plsc.subcore_barrier()
    pltpu.sync_copy(
        hist.at[pl.ds(s * RPT, RPT)], out_hbm.at[c, pl.ds(s * RPT, RPT)]
    )

    @pl.when(s == NS - 1)
    def _():
        pltpu.sync_copy(
            hist.at[pl.ds(NS * RPT, TAIL)], out_hbm.at[c, pl.ds(NS * RPT, TAIL)]
        )


@functools.partial(
    pl.kernel,
    out_type=jax.ShapeDtypeStruct((NC, NACC, DF), jnp.float32),
    mesh=_mesh,
    scratch_types=[
        pltpu.VMEM_SHARED((NACC, DF), jnp.float32),
        [pltpu.VMEM((2, CH), jnp.int32)] * NIB,
        [pltpu.VMEM((CH, DF), jnp.float32)] * NBUF,
        [pltpu.SemaphoreType.DMA] * NIB,
        [pltpu.SemaphoreType.DMA] * NBUF,
    ],
    compiler_params=_sc_params,
)
def _agg_kernel(eidx_hbm, g_hbm, out_hbm, acc, ibuf, rows, isems, gsems):
    c = lax.axis_index("c")
    s = lax.axis_index("s")
    wid = c * NS + s
    r0 = s * RPT

    cnt = jnp.where(c == 0, CPT0, CPT1)
    base = jnp.where(c == 0, s * CPT0, NS * CPT0 + s * CPT1)

    def hbm_to_spmem(src, dst_sl, nrows):
        pltpu.sync_copy(src, rows[0].at[pl.ds(0, nrows)])
        pltpu.sync_copy(rows[0].at[pl.ds(0, nrows)], acc.at[dst_sl])

    for q in range(RPT // 104):
        sl = pl.ds(r0 + q * 104, 104)
        hbm_to_spmem(g_hbm.at[sl], sl, 104)

    @pl.when(s == NS - 1)
    def _():
        hbm_to_spmem(
            g_hbm.at[pl.ds(NS * RPT, TAIL)], pl.ds(NS * RPT, TAIL), TAIL
        )

    plsc.subcore_barrier()

    def start_idx(j, k):
        pltpu.async_copy(eidx_hbm.at[base + j], ibuf[k], isems[k])

    def wait_idx(j, k):
        pltpu.make_async_copy(eidx_hbm.at[base + j], ibuf[k], isems[k]).wait()

    def start_gather(k, b):
        pltpu.async_copy(g_hbm.at[ibuf[k].at[0]], rows[b], gsems[b])

    def wait_gather(k, b):
        pltpu.make_async_copy(g_hbm.at[ibuf[k].at[0]], rows[b], gsems[b]).wait()

    for k in range(3):
        start_idx(k, k)
    wait_idx(0, 0)
    start_gather(0, 0)

    @pl.loop(0, cnt, step=NIB)
    def _(j0):
        for u in range(NIB):
            j = j0 + u
            b = u % NBUF
            wait_gather(u, b)

            @pl.when(j + 1 < cnt)
            def _():
                wait_idx(j + 1, (u + 1) % NIB)
                start_gather((u + 1) % NIB, (b + 1) % NBUF)

            @pl.when(j + 3 < cnt)
            def _():
                start_idx(j + 3, (u + 3) % NIB)

            pltpu.sync_copy(rows[b], acc.at[ibuf[u].at[1]], add=True)

    plsc.subcore_barrier()

    def spmem_to_hbm(src_sl, nrows):
        pltpu.sync_copy(acc.at[src_sl], rows[0].at[pl.ds(0, nrows)])
        pltpu.sync_copy(rows[0].at[pl.ds(0, nrows)], out_hbm.at[c, src_sl])

    for q in range(RPT // 104):
        spmem_to_hbm(pl.ds(r0 + q * 104, 104), 104)

    @pl.when(s == NS - 1)
    def _():
        spmem_to_hbm(pl.ds(NS * RPT, ATAIL), ATAIL)


_BR = 1000


def _mm_body(x_ref, w_ref, hist_ref, g_ref):
    h = jnp.dot(x_ref[...], w_ref[...], preferred_element_type=jnp.float32)
    deg = hist_ref[0, :, 0:1] + hist_ref[1, :, 0:1] + 1.0
    g_ref[...] = h * lax.rsqrt(deg)


def _fin_body(p_ref, g_ref, hist_ref, b_ref, o_ref):
    deg = hist_ref[0, :, 0:1] + hist_ref[1, :, 0:1] + 1.0
    dinv = lax.rsqrt(deg)
    agg = p_ref[0] + p_ref[1] - g_ref[...]
    o_ref[...] = jnp.maximum(agg * dinv + b_ref[...], 0.0)


_SRC_PAD = np.zeros((EPAD,), np.int32)
_DST_PAD = np.full((EPAD,), N, np.int32)
_HDST_PAD = np.full((HPAD,), N, np.int32)


def kernel(x, edge_index, W, b):
    src_flat = edge_index[0].astype(jnp.int32)
    dst_flat = edge_index[1].astype(jnp.int32)
    src = jnp.concatenate([src_flat, _SRC_PAD]).reshape(SLOTS, 1, CH)
    dst = jnp.concatenate([dst_flat, _DST_PAD]).reshape(SLOTS, 1, CH)
    eidx = jnp.concatenate([src, dst], axis=1)
    hdst = jnp.concatenate([dst_flat, _HDST_PAD]).reshape(NW, HCPT, 128)

    ones16 = jnp.ones((128, 16), jnp.float32)
    zeros16 = jnp.zeros((N, 16), jnp.float32)
    hist = _hist_kernel(hdst, ones16, zeros16)

    g = pl.pallas_call(
        _mm_body,
        grid=(N // _BR,),
        in_specs=[
            pl.BlockSpec((_BR, DF), lambda i: (i, 0)),
            pl.BlockSpec((DF, DF), lambda i: (0, 0)),
            pl.BlockSpec((NC, _BR, 16), lambda i: (0, i, 0)),
        ],
        out_specs=pl.BlockSpec((_BR, DF), lambda i: (i, 0)),
        out_shape=jax.ShapeDtypeStruct((N, DF), jnp.float32),
    )(x, W, hist)

    p = _agg_kernel(eidx, g)

    out = pl.pallas_call(
        _fin_body,
        grid=(N // _BR,),
        in_specs=[
            pl.BlockSpec((NC, _BR, DF), lambda i: (0, i, 0)),
            pl.BlockSpec((_BR, DF), lambda i: (i, 0)),
            pl.BlockSpec((NC, _BR, 16), lambda i: (0, i, 0)),
            pl.BlockSpec((1, DF), lambda i: (0, 0)),
        ],
        out_specs=pl.BlockSpec((_BR, DF), lambda i: (i, 0)),
        out_shape=jax.ShapeDtypeStruct((N, DF), jnp.float32),
    )(p, g, hist, b.reshape(1, DF))

    return out

# --- scband reference (transcript-rebuilt; emitter-appended) ---
"""Pipeline reference for scband-graph-layer-17368847745175 (READ-ONLY COPY).

The authoritative reference and input builder live on the scoring server;
editing this copy changes nothing except your own understanding.
"""

import jax, jax.numpy as jnp
import numpy as np

N_NODES = 10000
N_EDGES = 320000
D_FEAT = 128
D_OUT = 128


def setup_inputs(seed: int = 0) -> dict:
    key = jax.random.key(seed)
    k1, k2, k3, k4 = jax.random.split(key, 4)
    x = jax.random.normal(k1, (N_NODES, D_FEAT), dtype=jnp.float32)
    edge_index = jax.random.randint(k2, (2, N_EDGES), 0, N_NODES, dtype=jnp.int64)
    # GCNConv learned parameters (glorot-ish init)
    scale = 1.0 / np.sqrt(D_FEAT)
    W = jax.random.normal(k3, (D_FEAT, D_OUT), dtype=jnp.float32) * scale
    b = jnp.zeros((D_OUT,), dtype=jnp.float32)
    return {"x": x, "edge_index": edge_index, "W": W, "b": b}


def reference(x, edge_index, W, b):
    # GraphLayer.forward: relu(GCNConv(x, edge_index))
    N = x.shape[0]
    # GCNConv: add self-loops
    loop = jnp.arange(N, dtype=edge_index.dtype)
    src = jnp.concatenate([edge_index[0], loop])
    dst = jnp.concatenate([edge_index[1], loop])
    # symmetric normalization deg^{-1/2}[src] * deg^{-1/2}[dst]
    ones = jnp.ones(src.shape[0], dtype=x.dtype)
    deg = jax.ops.segment_sum(ones, dst, num_segments=N)
    dinv = jnp.where(deg > 0, 1.0 / jnp.sqrt(deg), 0.0)
    norm = dinv[src] * dinv[dst]
    # linear transform then gather / scatter-add aggregation
    h = x @ W
    msg = h[src] * norm[:, None]
    out = jax.ops.segment_sum(msg, dst, num_segments=N) + b
    return jax.nn.relu(out)

if __name__ == "__main__":
    import jax
    _d = setup_inputs()
    print(jax.jit(kernel)(*tuple(_d.values())))

</pallas_src>

<mosaic_0001>
#map = affine_map<(d0, d1) -> (0, 0, 0)>
#map1 = affine_map<(d0, d1) -> (0, 0)>
module attributes {stable_mosaic.version = 14 : i64} {
  func.func @_agg_kernel(%arg0: i32, %arg1: i32, %arg2: memref<2880x2x112xi32, #tpu.memory_space<hbm>>, %arg3: memref<10000x128xf32, #tpu.memory_space<hbm>>, %arg4: memref<2x10008x128xf32, #tpu.memory_space<hbm>>, %arg5: memref<10008x128xf32, #tpu.memory_space<vmem_shared>>, %arg6: memref<2x112xi32, #tpu.memory_space<vmem>>, %arg7: memref<2x112xi32, #tpu.memory_space<vmem>>, %arg8: memref<2x112xi32, #tpu.memory_space<vmem>>, %arg9: memref<2x112xi32, #tpu.memory_space<vmem>>, %arg10: memref<112x128xf32, #tpu.memory_space<vmem>>, %arg11: memref<112x128xf32, #tpu.memory_space<vmem>>, %arg12: memref<!tpu.dma_semaphore, #tpu.memory_space<semaphore_mem>>, %arg13: memref<!tpu.dma_semaphore, #tpu.memory_space<semaphore_mem>>, %arg14: memref<!tpu.dma_semaphore, #tpu.memory_space<semaphore_mem>>, %arg15: memref<!tpu.dma_semaphore, #tpu.memory_space<semaphore_mem>>, %arg16: memref<!tpu.dma_semaphore, #tpu.memory_space<semaphore_mem>>, %arg17: memref<!tpu.dma_semaphore, #tpu.memory_space<semaphore_mem>>) attributes {dimension_semantics = [#tpu.dimension_semantics<core_parallel>, #tpu.dimension_semantics<subcore_parallel>], iteration_bounds = array<i64: 2, 16>, scalar_prefetch = 0 : i64, scratch_operands = 13 : i64, tpu.core_type = #tpu.core_type<sc_vector_subcore>, window_params = [{transform_indices = #map}, {transform_indices = #map1}, {transform_indices = #map}]} {
    %mul3A = arith.constant 16 : i32
    %mul3A_0 = arith.muli %arg0, %mul3A : i32
    %add3A = arith.addi %mul3A_0, %arg1 : i32
    %mul3A_1 = arith.constant 624 : i32
    %mul3A_2 = arith.muli %arg1, %mul3A_1 : i32
    %eq3A = arith.constant 0 : i32
    %eq3A_3 = arith.cmpi eq, %arg0, %eq3A : i32
    %jit3A = arith.constant 64 : i32
    %jit3A_4 = arith.constant 116 : i32
    %select_n3A = arith.select %eq3A_3, %jit3A, %jit3A_4 : i32
    %eq3A_5 = arith.constant 0 : i32
    %eq3A_6 = arith.cmpi eq, %arg0, %eq3A_5 : i32
    %mul3A_7 = arith.constant 64 : i32
    %mul3A_8 = arith.muli %arg1, %mul3A_7 : i32
    %mul3A_9 = arith.constant 116 : i32
    %mul3A_10 = arith.muli %arg1, %mul3A_9 : i32
    %add3A_11 = arith.constant 1024 : i32
    %add3A_12 = arith.addi %add3A_11, %mul3A_10 : i32
    %select_n3A_13 = arith.select %eq3A_6, %mul3A_8, %add3A_12 : i32
    %add3A_14 = arith.constant 0 : i32
    %add3A_15 = arith.addi %mul3A_2, %add3A_14 : i32
    "tpu.region"() ({
      %run_scoped3A = tpu.sem_alloc : memref<!tpu.dma_semaphore, #tpu.memory_space<semaphore_mem>>
      %dma_start3A_108 = arith.constant 0 : i32
      %dma_start3A_109 = arith.constant 0 : i32
      %dma_start3A_110 = tpu.memref_slice %arg10[%dma_start3A_108, %dma_start3A_109] : memref<112x128xf32, #tpu.memory_space<vmem>> -> memref<104x128xf32, #tpu.memory_space<vmem>>
      %dma_start3A_111 = arith.constant 0 : i32
      %dma_start3A_112 = tpu.memref_slice %arg3[%add3A_15, %dma_start3A_111] : memref<10000x128xf32, #tpu.memory_space<hbm>> -> memref<104x128xf32, #tpu.memory_space<hbm>>
      %dma_start3A_113 = arith.constant 0 : i32
      %dma_start3A_114 = arith.constant 0 : i32
      %dma_start3A_115 = tpu.memref_slice %arg10[%dma_start3A_113, %dma_start3A_114] : memref<112x128xf32, #tpu.memory_space<vmem>> -> memref<104x128xf32, #tpu.memory_space<vmem>>
      %dma_start3A_116 = arith.constant 0 : i32
      %dma_start3A_117 = tpu.memref_slice %arg3[%add3A_15, %dma_start3A_116] : memref<10000x128xf32, #tpu.memory_space<hbm>> -> memref<104x128xf32, #tpu.memory_space<hbm>>
      tpu.enqueue_dma source(%dma_start3A_117 : memref<104x128xf32, #tpu.memory_space<hbm>>) target(%dma_start3A_115 : memref<104x128xf32, #tpu.memory_space<vmem>>) target_semaphore(%run_scoped3A : memref<!tpu.dma_semaphore, #tpu.memory_space<semaphore_mem>>)
      %dma_wait3A_118 = arith.constant 0 : i32
      %dma_wait3A_119 = arith.constant 0 : i32
      %dma_wait3A_120 = tpu.memref_slice %arg10[%dma_wait3A_118, %dma_wait3A_119] : memref<112x128xf32, #tpu.memory_space<vmem>> -> memref<104x128xf32, #tpu.memory_space<vmem>>
      %dma_wait3A_121 = arith.constant 0 : i32
      %dma_wait3A_122 = tpu.memref_slice %arg3[%add3A_15, %dma_wait3A_121] : memref<10000x128xf32, #tpu.memory_space<hbm>> -> memref<104x128xf32, #tpu.memory_space<hbm>>
      %dma_wait3A_123 = arith.constant 0 : i32
      %dma_wait3A_124 = arith.constant 0 : i32
      %dma_wait3A_125 = tpu.memref_slice %arg10[%dma_wait3A_123, %dma_wait3A_124] : memref<112x128xf32, #tpu.memory_space<vmem>> -> memref<104x128xf32, #tpu.memory_space<vmem>>
      %dma_wait3A_126 = arith.constant 0 : i32
      %dma_wait3A_127 = tpu.memref_slice %arg3[%add3A_15, %dma_wait3A_126] : memref<10000x128xf32, #tpu.memory_space<hbm>> -> memref<104x128xf32, #tpu.memory_space<hbm>>
      tpu.wait_dma2 semaphore(%run_scoped3A : memref<!tpu.dma_semaphore, #tpu.memory_space<semaphore_mem>>) src(%dma_wait3A_127 : memref<104x128xf32, #tpu.memory_space<hbm>>) dst(%dma_wait3A_125 : memref<104x128xf32, #tpu.memory_space<vmem>>)
      tpu.yield
    }) : () -> ()
    "tpu.region"() ({
      %run_scoped3A = tpu.sem_alloc : memref<!tpu.dma_semaphore, #tpu.memory_space<semaphore_mem>>
      %dma_start3A_108 = arith.constant 0 : i32
      %dma_start3A_109 = arith.constant 0 : i32
      %dma_start3A_110 = tpu.memref_slice %arg10[%dma_start3A_108, %dma_start3A_109] : memref<112x128xf32, #tpu.memory_space<vmem>> -> memref<104x128xf32, #tpu.memory_space<vmem>>
      %dma_start3A_111 = arith.constant 0 : i32
      %dma_start3A_112 = tpu.memref_slice %arg5[%add3A_15, %dma_start3A_111] : memref<10008x128xf32, #tpu.memory_space<vmem_shared>> -> memref<104x128xf32, #tpu.memory_space<vmem_shared>>
      %dma_start3A_113 = arith.constant 0 : i32
      %dma_start3A_114 = tpu.memref_slice %arg5[%add3A_15, %dma_start3A_113] : memref<10008x128xf32, #tpu.memory_space<vmem_shared>> -> memref<104x128xf32, #tpu.memory_space<vmem_shared>>
      %dma_start3A_115 = arith.constant 0 : i32
      %dma_start3A_116 = arith.constant 0 : i32
      %dma_start3A_117 = tpu.memref_slice %arg10[%dma_start3A_115, %dma_start3A_116] : memref<112x128xf32, #tpu.memory_space<vmem>> -> memref<104x128xf32, #tpu.memory_space<vmem>>
      tpu.enqueue_dma source(%dma_start3A_117 : memref<104x128xf32, #tpu.memory_space<vmem>>) target(%dma_start3A_114 : memref<104x128xf32, #tpu.memory_space<vmem_shared>>) target_semaphore(%run_scoped3A : memref<!tpu.dma_semaphore, #tpu.memory_space<semaphore_mem>>)
      %dma_wait3A_118 = arith.constant 0 : i32
      %dma_wait3A_119 = arith.constant 0 : i32
      %dma_wait3A_120 = tpu.memref_slice %arg10[%dma_wait3A_118, %dma_wait3A_119] : memref<112x128xf32, #tpu.memory_space<vmem>> -> memref<104x128xf32, #tpu.memory_space<vmem>>
      %dma_wait3A_121 = arith.constant 0 : i32
      %dma_wait3A_122 = tpu.memref_slice %arg5[%add3A_15, %dma_wait3A_121] : memref<10008x128xf32, #tpu.memory_space<vmem_shared>> -> memref<104x128xf32, #tpu.memory_space<vmem_shared>>
      %dma_wait3A_123 = arith.constant 0 : i32
      %dma_wait3A_124 = tpu.memref_slice %arg5[%add3A_15, %dma_wait3A_123] : memref<10008x128xf32, #tpu.memory_space<vmem_shared>> -> memref<104x128xf32, #tpu.memory_space<vmem_shared>>
      %dma_wait3A_125 = arith.constant 0 : i32
      %dma_wait3A_126 = arith.constant 0 : i32
      %dma_wait3A_127 = tpu.memref_slice %arg10[%dma_wait3A_125, %dma_wait3A_126] : memref<112x128xf32, #tpu.memory_space<vmem>> -> memref<104x128xf32, #tpu.memory_space<vmem>>
      tpu.wait_dma2 semaphore(%run_scoped3A : memref<!tpu.dma_semaphore, #tpu.memory_space<semaphore_mem>>) src(%dma_wait3A_127 : memref<104x128xf32, #tpu.memory_space<vmem>>) dst(%dma_wait3A_124 : memref<104x128xf32, #tpu.memory_space<vmem_shared>>)
      tpu.yield
    }) : () -> ()
    %add3A_16 = arith.constant 104 : i32
    %add3A_17 = arith.addi %mul3A_2, %add3A_16 : i32
    "tpu.region"() ({
      %run_scoped3A = tpu.sem_alloc : memref<!tpu.dma_semaphore, #tpu.memory_space<semaphore_mem>>
      %dma_start3A_108 = arith.constant 0 : i32
      %dma_start3A_109 = arith.constant 0 : i32
      %dma_start3A_110 = tpu.memref_slice %arg10[%dma_start3A_108, %dma_start3A_109] : memref<112x128xf32, #tpu.memory_space<vmem>> -> memref<104x128xf32, #tpu.memory_space<vmem>>
      %dma_start3A_111 = arith.constant 0 : i32
      %dma_start3A_112 = tpu.memref_slice %arg3[%add3A_17, %dma_start3A_111] : memref<10000x128xf32, #tpu.memory_space<hbm>> -> memref<104x128xf32, #tpu.memory_space<hbm>>
      %dma_start3A_113 = arith.constant 0 : i32
      %dma_start3A_114 = arith.constant 0 : i32
      %dma_start3A_115 = tpu.memref_slice %arg10[%dma_start3A_113, %dma_start3A_114] : memref<112x128xf32, #tpu.memory_space<vmem>> -> memref<104x128xf32, #tpu.memory_space<vmem>>
      %dma_start3A_116 = arith.constant 0 : i32
      %dma_start3A_117 = tpu.memref_slice %arg3[%add3A_17, %dma_start3A_116] : memref<10000x128xf32, #tpu.memory_space<hbm>> -> memref<104x128xf32, #tpu.memory_space<hbm>>
      tpu.enqueue_dma source(%dma_start3A_117 : memref<104x128xf32, #tpu.memory_space<hbm>>) target(%dma_start3A_115 : memref<104x128xf32, #tpu.memory_space<vmem>>) target_semaphore(%run_scoped3A : memref<!tpu.dma_semaphore, #tpu.memory_space<semaphore_mem>>)
      %dma_wait3A_118 = arith.constant 0 : i32
      %dma_wait3A_119 = arith.constant 0 : i32
      %dma_wait3A_120 = tpu.memref_slice %arg10[%dma_wait3A_118, %dma_wait3A_119] : memref<112x128xf32, #tpu.memory_space<vmem>> -> memref<104x128xf32, #tpu.memory_space<vmem>>
      %dma_wait3A_121 = arith.constant 0 : i32
      %dma_wait3A_122 = tpu.memref_slice %arg3[%add3A_17, %dma_wait3A_121] : memref<10000x128xf32, #tpu.memory_space<hbm>> -> memref<104x128xf32, #tpu.memory_space<hbm>>
      %dma_wait3A_123 = arith.constant 0 : i32
      %dma_wait3A_124 = arith.constant 0 : i32
      %dma_wait3A_125 = tpu.memref_slice %arg10[%dma_wait3A_123, %dma_wait3A_124] : memref<112x128xf32, #tpu.memory_space<vmem>> -> memref<104x128xf32, #tpu.memory_space<vmem>>
      %dma_wait3A_126 = arith.constant 0 : i32
      %dma_wait3A_127 = tpu.memref_slice %arg3[%add3A_17, %dma_wait3A_126] : memref<10000x128xf32, #tpu.memory_space<hbm>> -> memref<104x128xf32, #tpu.memory_space<hbm>>
      tpu.wait_dma2 semaphore(%run_scoped3A : memref<!tpu.dma_semaphore, #tpu.memory_space<semaphore_mem>>) src(%dma_wait3A_127 : memref<104x128xf32, #tpu.memory_space<hbm>>) dst(%dma_wait3A_125 : memref<104x128xf32, #tpu.memory_space<vmem>>)
      tpu.yield
    }) : () -> ()
    "tpu.region"() ({
      %run_scoped3A = tpu.sem_alloc : memref<!tpu.dma_semaphore, #tpu.memory_space<semaphore_mem>>
      %dma_start3A_108 = arith.constant 0 : i32
      %dma_start3A_109 = arith.constant 0 : i32
      %dma_start3A_110 = tpu.memref_slice %arg10[%dma_start3A_108, %dma_start3A_109] : memref<112x128xf32, #tpu.memory_space<vmem>> -> memref<104x128xf32, #tpu.memory_space<vmem>>
      %dma_start3A_111 = arith.constant 0 : i32
      %dma_start3A_112 = tpu.memref_slice %arg5[%add3A_17, %dma_start3A_111] : memref<10008x128xf32, #tpu.memory_space<vmem_shared>> -> memref<104x128xf32, #tpu.memory_space<vmem_shared>>
      %dma_start3A_113 = arith.constant 0 : i32
      %dma_start3A_114 = tpu.memref_slice %arg5[%add3A_17, %dma_start3A_113] : memref<10008x128xf32, #tpu.memory_space<vmem_shared>> -> memref<104x128xf32, #tpu.memory_space<vmem_shared>>
      %dma_start3A_115 = arith.constant 0 : i32
      %dma_start3A_116 = arith.constant 0 : i32
      %dma_start3A_117 = tpu.memref_slice %arg10[%dma_start3A_115, %dma_start3A_116] : memref<112x128xf32, #tpu.memory_space<vmem>> -> memref<104x128xf32, #tpu.memory_space<vmem>>
      tpu.enqueue_dma source(%dma_start3A_117 : memref<104x128xf32, #tpu.memory_space<vmem>>) target(%dma_start3A_114 : memref<104x128xf32, #tpu.memory_space<vmem_shared>>) target_semaphore(%run_scoped3A : memref<!tpu.dma_semaphore, #tpu.memory_space<semaphore_mem>>)
      %dma_wait3A_118 = arith.constant 0 : i32
      %dma_wait3A_119 = arith.constant 0 : i32
      %dma_wait3A_120 = tpu.memref_slice %arg10[%dma_wait3A_118, %dma_wait3A_119] : memref<112x128xf32, #tpu.memory_space<vmem>> -> memref<104x128xf32, #tpu.memory_space<vmem>>
      %dma_wait3A_121 = arith.constant 0 : i32
      %dma_wait3A_122 = tpu.memref_slice %arg5[%add3A_17, %dma_wait3A_121] : memref<10008x128xf32, #tpu.memory_space<vmem_shared>> -> memref<104x128xf32, #tpu.memory_space<vmem_shared>>
      %dma_wait3A_123 = arith.constant 0 : i32
      %dma_wait3A_124 = tpu.memref_slice %arg5[%add3A_17, %dma_wait3A_123] : memref<10008x128xf32, #tpu.memory_space<vmem_shared>> -> memref<104x128xf32, #tpu.memory_space<vmem_shared>>
      %dma_wait3A_125 = arith.constant 0 : i32
      %dma_wait3A_126 = arith.constant 0 : i32
      %dma_wait3A_127 = tpu.memref_slice %arg10[%dma_wait3A_125, %dma_wait3A_126] : memref<112x128xf32, #tpu.memory_space<vmem>> -> memref<104x128xf32, #tpu.memory_space<vmem>>
      tpu.wait_dma2 semaphore(%run_scoped3A : memref<!tpu.dma_semaphore, #tpu.memory_space<semaphore_mem>>) src(%dma_wait3A_127 : memref<104x128xf32, #tpu.memory_space<vmem>>) dst(%dma_wait3A_124 : memref<104x128xf32, #tpu.memory_space<vmem_shared>>)
      tpu.yield
    }) : () -> ()
    %add3A_18 = arith.constant 208 : i32
    %add3A_19 = arith.addi %mul3A_2, %add3A_18 : i32
    "tpu.region"() ({
      %run_scoped3A = tpu.sem_alloc : memref<!tpu.dma_semaphore, #tpu.memory_space<semaphore_mem>>
      %dma_start3A_108 = arith.constant 0 : i32
      %dma_start3A_109 = arith.constant 0 : i32
      %dma_start3A_110 = tpu.memref_slice %arg10[%dma_start3A_108, %dma_start3A_109] : memref<112x128xf32, #tpu.memory_space<vmem>> -> memref<104x128xf32, #tpu.memory_space<vmem>>
      %dma_start3A_111 = arith.constant 0 : i32
      %dma_start3A_112 = tpu.memref_slice %arg3[%add3A_19, %dma_start3A_111] : memref<10000x128xf32, #tpu.memory_space<hbm>> -> memref<104x128xf32, #tpu.memory_space<hbm>>
      %dma_start3A_113 = arith.constant 0 : i32
      %dma_start3A_114 = arith.constant 0 : i32
      %dma_start3A_115 = tpu.memref_slice %arg10[%dma_start3A_113, %dma_start3A_114] : memref<112x128xf32, #tpu.memory_space<vmem>> -> memref<104x128xf32, #tpu.memory_space<vmem>>
      %dma_start3A_116 = arith.constant 0 : i32
      %dma_start3A_117 = tpu.memref_slice %arg3[%add3A_19, %dma_start3A_116] : memref<10000x128xf32, #tpu.memory_space<hbm>> -> memref<104x128xf32, #tpu.memory_space<hbm>>
      tpu.enqueue_dma source(%dma_start3A_117 : memref<104x128xf32, #tpu.memory_space<hbm>>) target(%dma_start3A_115 : memref<104x128xf32, #tpu.memory_space<vmem>>) target_semaphore(%run_scoped3A : memref<!tpu.dma_semaphore, #tpu.memory_space<semaphore_mem>>)
      %dma_wait3A_118 = arith.constant 0 : i32
      %dma_wait3A_119 = arith.constant 0 : i32
      %dma_wait3A_120 = tpu.memref_slice %arg10[%dma_wait3A_118, %dma_wait3A_119] : memref<112x128xf32, #tpu.memory_space<vmem>> -> memref<104x128xf32, #tpu.memory_space<vmem>>
      %dma_wait3A_121 = arith.constant 0 : i32
      %dma_wait3A_122 = tpu.memref_slice %arg3[%add3A_19, %dma_wait3A_121] : memref<10000x128xf32, #tpu.memory_space<hbm>> -> memref<104x128xf32, #tpu.memory_space<hbm>>
      %dma_wait3A_123 = arith.constant 0 : i32
      %dma_wait3A_124 = arith.constant 0 : i32
      %dma_wait3A_125 = tpu.memref_slice %arg10[%dma_wait3A_123, %dma_wait3A_124] : memref<112x128xf32, #tpu.memory_space<vmem>> -> memref<104x128xf32, #tpu.memory_space<vmem>>
      %dma_wait3A_126 = arith.constant 0 : i32
      %dma_wait3A_127 = tpu.memref_slice %arg3[%add3A_19, %dma_wait3A_126] : memref<10000x128xf32, #tpu.memory_space<hbm>> -> memref<104x128xf32, #tpu.memory_space<hbm>>
      tpu.wait_dma2 semaphore(%run_scoped3A : memref<!tpu.dma_semaphore, #tpu.memory_space<semaphore_mem>>) src(%dma_wait3A_127 : memref<104x128xf32, #tpu.memory_space<hbm>>) dst(%dma_wait3A_125 : memref<104x128xf32, #tpu.memory_space<vmem>>)
      tpu.yield
    }) : () -> ()
    "tpu.region"() ({
      %run_scoped3A = tpu.sem_alloc : memref<!tpu.dma_semaphore, #tpu.memory_space<semaphore_mem>>
      %dma_start3A_108 = arith.constant 0 : i32
      %dma_start3A_109 = arith.constant 0 : i32
      %dma_start3A_110 = tpu.memref_slice %arg10[%dma_start3A_108, %dma_start3A_109] : memref<112x128xf32, #tpu.memory_space<vmem>> -> memref<104x128xf32, #tpu.memory_space<vmem>>
      %dma_start3A_111 = arith.constant 0 : i32
      %dma_start3A_112 = tpu.memref_slice %arg5[%add3A_19, %dma_start3A_111] : memref<10008x128xf32, #tpu.memory_space<vmem_shared>> -> memref<104x128xf32, #tpu.memory_space<vmem_shared>>
      %dma_start3A_113 = arith.constant 0 : i32
      %dma_start3A_114 = tpu.memref_slice %arg5[%add3A_19, %dma_start3A_113] : memref<10008x128xf32, #tpu.memory_space<vmem_shared>> -> memref<104x128xf32, #tpu.memory_space<vmem_shared>>
      %dma_start3A_115 = arith.constant 0 : i32
      %dma_start3A_116 = arith.constant 0 : i32
      %dma_start3A_117 = tpu.memref_slice %arg10[%dma_start3A_115, %dma_start3A_116] : memref<112x128xf32, #tpu.memory_space<vmem>> -> memref<104x128xf32, #tpu.memory_space<vmem>>
      tpu.enqueue_dma source(%dma_start3A_117 : memref<104x128xf32, #tpu.memory_space<vmem>>) target(%dma_start3A_114 : memref<104x128xf32, #tpu.memory_space<vmem_shared>>) target_semaphore(%run_scoped3A : memref<!tpu.dma_semaphore, #tpu.memory_space<semaphore_mem>>)
      %dma_wait3A_118 = arith.constant 0 : i32
      %dma_wait3A_119 = arith.constant 0 : i32
      %dma_wait3A_120 = tpu.memref_slice %arg10[%dma_wait3A_118, %dma_wait3A_119] : memref<112x128xf32, #tpu.memory_space<vmem>> -> memref<104x128xf32, #tpu.memory_space<vmem>>
      %dma_wait3A_121 = arith.constant 0 : i32
      %dma_wait3A_122 = tpu.memref_slice %arg5[%add3A_19, %dma_wait3A_121] : memref<10008x128xf32, #tpu.memory_space<vmem_shared>> -> memref<104x128xf32, #tpu.memory_space<vmem_shared>>
      %dma_wait3A_123 = arith.constant 0 : i32
      %dma_wait3A_124 = tpu.memref_slice %arg5[%add3A_19, %dma_wait3A_123] : memref<10008x128xf32, #tpu.memory_space<vmem_shared>> -> memref<104x128xf32, #tpu.memory_space<vmem_shared>>
      %dma_wait3A_125 = arith.constant 0 : i32
      %dma_wait3A_126 = arith.constant 0 : i32
      %dma_wait3A_127 = tpu.memref_slice %arg10[%dma_wait3A_125, %dma_wait3A_126] : memref<112x128xf32, #tpu.memory_space<vmem>> -> memref<104x128xf32, #tpu.memory_space<vmem>>
      tpu.wait_dma2 semaphore(%run_scoped3A : memref<!tpu.dma_semaphore, #tpu.memory_space<semaphore_mem>>) src(%dma_wait3A_127 : memref<104x128xf32, #tpu.memory_space<vmem>>) dst(%dma_wait3A_124 : memref<104x128xf32, #tpu.memory_space<vmem_shared>>)
      tpu.yield
    }) : () -> ()
    %add3A_20 = arith.constant 312 : i32
    %add3A_21 = arith.addi %mul3A_2, %add3A_20 : i32
    "tpu.region"() ({
      %run_scoped3A = tpu.sem_alloc : memref<!tpu.dma_semaphore, #tpu.memory_space<semaphore_mem>>
      %dma_start3A_108 = arith.constant 0 : i32
      %dma_start3A_109 = arith.constant 0 : i32
      %dma_start3A_110 = tpu.memref_slice %arg10[%dma_start3A_108, %dma_start3A_109] : memref<112x128xf32, #tpu.memory_space<vmem>> -> memref<104x128xf32, #tpu.memory_space<vmem>>
      %dma_start3A_111 = arith.constant 0 : i32
      %dma_start3A_112 = tpu.memref_slice %arg3[%add3A_21, %dma_start3A_111] : memref<10000x128xf32, #tpu.memory_space<hbm>> -> memref<104x128xf32, #tpu.memory_space<hbm>>
      %dma_start3A_113 = arith.constant 0 : i32
      %dma_start3A_114 = arith.constant 0 : i32
      %dma_start3A_115 = tpu.memref_slice %arg10[%dma_start3A_113, %dma_start3A_114] : memref<112x128xf32, #tpu.memory_space<vmem>> -> memref<104x128xf32, #tpu.memory_space<vmem>>
      %dma_start3A_116 = arith.constant 0 : i32
      %dma_start3A_117 = tpu.memref_slice %arg3[%add3A_21, %dma_start3A_116] : memref<10000x128xf32, #tpu.memory_space<hbm>> -> memref<104x128xf32, #tpu.memory_space<hbm>>
      tpu.enqueue_dma source(%dma_start3A_117 : memref<104x128xf32, #tpu.memory_space<hbm>>) target(%dma_start3A_115 : memref<104x128xf32, #tpu.memory_space<vmem>>) target_semaphore(%run_scoped3A : memref<!tpu.dma_semaphore, #tpu.memory_space<semaphore_mem>>)
      %dma_wait3A_118 = arith.constant 0 : i32
      %dma_wait3A_119 = arith.constant 0 : i32
      %dma_wait3A_120 = tpu.memref_slice %arg10[%dma_wait3A_118, %dma_wait3A_119] : memref<112x128xf32, #tpu.memory_space<vmem>> -> memref<104x128xf32, #tpu.memory_space<vmem>>
      %dma_wait3A_121 = arith.constant 0 : i32
      %dma_wait3A_122 = tpu.memref_slice %arg3[%add3A_21, %dma_wait3A_121] : memref<10000x128xf32, #tpu.memory_space<hbm>> -> memref<104x128xf32, #tpu.memory_space<hbm>>
      %dma_wait3A_123 = arith.constant 0 : i32
      %dma_wait3A_124 = arith.constant 0 : i32
      %dma_wait3A_125 = tpu.memref_slice %arg10[%dma_wait3A_123, %dma_wait3A_124] : memref<112x128xf32, #tpu.memory_space<vmem>> -> memref<104x128xf32, #tpu.memory_space<vmem>>
      %dma_wait3A_126 = arith.constant 0 : i32
      %dma_wait3A_127 = tpu.memref_slice %arg3[%add3A_21, %dma_wait3A_126] : memref<10000x128xf32, #tpu.memory_space<hbm>> -> memref<104x128xf32, #tpu.memory_space<hbm>>
      tpu.wait_dma2 semaphore(%run_scoped3A : memref<!tpu.dma_semaphore, #tpu.memory_space<semaphore_mem>>) src(%dma_wait3A_127 : memref<104x128xf32, #tpu.memory_space<hbm>>) dst(%dma_wait3A_125 : memref<104x128xf32, #tpu.memory_space<vmem>>)
      tpu.yield
    }) : () -> ()
    "tpu.region"() ({
      %run_scoped3A = tpu.sem_alloc : memref<!tpu.dma_semaphore, #tpu.memory_space<semaphore_mem>>
      %dma_start3A_108 = arith.constant 0 : i32
      %dma_start3A_109 = arith.constant 0 : i32
      %dma_start3A_110 = tpu.memref_slice %arg10[%dma_start3A_108, %dma_start3A_109] : memref<112x128xf32, #tpu.memory_space<vmem>> -> memref<104x128xf32, #tpu.memory_space<vmem>>
      %dma_start3A_111 = arith.constant 0 : i32
      %dma_start3A_112 = tpu.memref_slice %arg5[%add3A_21, %dma_start3A_111] : memref<10008x128xf32, #tpu.memory_space<vmem_shared>> -> memref<104x128xf32, #tpu.memory_space<vmem_shared>>
      %dma_start3A_113 = arith.constant 0 : i32
      %dma_start3A_114 = tpu.memref_slice %arg5[%add3A_21, %dma_start3A_113] : memref<10008x128xf32, #tpu.memory_space<vmem_shared>> -> memref<104x128xf32, #tpu.memory_space<vmem_shared>>
      %dma_start3A_115 = arith.constant 0 : i32
      %dma_start3A_116 = arith.constant 0 : i32
      %dma_start3A_117 = tpu.memref_slice %arg10[%dma_start3A_115, %dma_start3A_116] : memref<112x128xf32, #tpu.memory_space<vmem>> -> memref<104x128xf32, #tpu.memory_space<vmem>>
      tpu.enqueue_dma source(%dma_start3A_117 : memref<104x128xf32, #tpu.memory_space<vmem>>) target(%dma_start3A_114 : memref<104x128xf32, #tpu.memory_space<vmem_shared>>) target_semaphore(%run_scoped3A : memref<!tpu.dma_semaphore, #tpu.memory_space<semaphore_mem>>)
      %dma_wait3A_118 = arith.constant 0 : i32
      %dma_wait3A_119 = arith.constant 0 : i32
      %dma_wait3A_120 = tpu.memref_slice %arg10[%dma_wait3A_118, %dma_wait3A_119] : memref<112x128xf32, #tpu.memory_space<vmem>> -> memref<104x128xf32, #tpu.memory_space<vmem>>
      %dma_wait3A_121 = arith.constant 0 : i32
      %dma_wait3A_122 = tpu.memref_slice %arg5[%add3A_21, %dma_wait3A_121] : memref<10008x128xf32, #tpu.memory_space<vmem_shared>> -> memref<104x128xf32, #tpu.memory_space<vmem_shared>>
      %dma_wait3A_123 = arith.constant 0 : i32
      %dma_wait3A_124 = tpu.memref_slice %arg5[%add3A_21, %dma_wait3A_123] : memref<10008x128xf32, #tpu.memory_space<vmem_shared>> -> memref<104x128xf32, #tpu.memory_space<vmem_shared>>
      %dma_wait3A_125 = arith.constant 0 : i32
      %dma_wait3A_126 = arith.constant 0 : i32
      %dma_wait3A_127 = tpu.memref_slice %arg10[%dma_wait3A_125, %dma_wait3A_126] : memref<112x128xf32, #tpu.memory_space<vmem>> -> memref<104x128xf32, #tpu.memory_space<vmem>>
      tpu.wait_dma2 semaphore(%run_scoped3A : memref<!tpu.dma_semaphore, #tpu.memory_space<semaphore_mem>>) src(%dma_wait3A_127 : memref<104x128xf32, #tpu.memory_space<vmem>>) dst(%dma_wait3A_124 : memref<104x128xf32, #tpu.memory_space<vmem_shared>>)
      tpu.yield
    }) : () -> ()
    %add3A_22 = arith.constant 416 : i32
    %add3A_23 = arith.addi %mul3A_2, %add3A_22 : i32
    "tpu.region"() ({
      %run_scoped3A = tpu.sem_alloc : memref<!tpu.dma_semaphore, #tpu.memory_space<semaphore_mem>>
      %dma_start3A_108 = arith.constant 0 : i32
      %dma_start3A_109 = arith.constant 0 : i32
      %dma_start3A_110 = tpu.memref_slice %arg10[%dma_start3A_108, %dma_start3A_109] : memref<112x128xf32, #tpu.memory_space<vmem>> -> memref<104x128xf32, #tpu.memory_space<vmem>>
      %dma_start3A_111 = arith.constant 0 : i32
      %dma_start3A_112 = tpu.memref_slice %arg3[%add3A_23, %dma_start3A_111] : memref<10000x128xf32, #tpu.memory_space<hbm>> -> memref<104x128xf32, #tpu.memory_space<hbm>>
      %dma_start3A_113 = arith.constant 0 : i32
      %dma_start3A_114 = arith.constant 0 : i32
      %dma_start3A_115 = tpu.memref_slice %arg10[%dma_start3A_113, %dma_start3A_114] : memref<112x128xf32, #tpu.memory_space<vmem>> -> memref<104x128xf32, #tpu.memory_space<vmem>>
      %dma_start3A_116 = arith.constant 0 : i32
      %dma_start3A_117 = tpu.memref_slice %arg3[%add3A_23, %dma_start3A_116] : memref<10000x128xf32, #tpu.memory_space<hbm>> -> memref<104x128xf32, #tpu.memory_space<hbm>>
      tpu.enqueue_dma source(%dma_start3A_117 : memref<104x128xf32, #tpu.memory_space<hbm>>) target(%dma_start3A_115 : memref<104x128xf32, #tpu.memory_space<vmem>>) target_semaphore(%run_scoped3A : memref<!tpu.dma_semaphore, #tpu.memory_space<semaphore_mem>>)
      %dma_wait3A_118 = arith.constant 0 : i32
      %dma_wait3A_119 = arith.constant 0 : i32
      %dma_wait3A_120 = tpu.memref_slice %arg10[%dma_wait3A_118, %dma_wait3A_119] : memref<112x128xf32, #tpu.memory_space<vmem>> -> memref<104x128xf32, #tpu.memory_space<vmem>>
      %dma_wait3A_121 = arith.constant 0 : i32
      %dma_wait3A_122 = tpu.memref_slice %arg3[%add3A_23, %dma_wait3A_121] : memref<10000x128xf32, #tpu.memory_space<hbm>> -> memref<104x128xf32, #tpu.memory_space<hbm>>
      %dma_wait3A_123 = arith.constant 0 : i32
      %dma_wait3A_124 = arith.constant 0 : i32
      %dma_wait3A_125 = tpu.memref_slice %arg10[%dma_wait3A_123, %dma_wait3A_124] : memref<112x128xf32, #tpu.memory_space<vmem>> -> memref<104x128xf32, #tpu.memory_space<vmem>>
      %dma_wait3A_126 = arith.constant 0 : i32
      %dma_wait3A_127 = tpu.memref_slice %arg3[%add3A_23, %dma_wait3A_126] : memref<10000x128xf32, #tpu.memory_space<hbm>> -> memref<104x128xf32, #tpu.memory_space<hbm>>
      tpu.wait_dma2 semaphore(%run_scoped3A : memref<!tpu.dma_semaphore, #tpu.memory_space<semaphore_mem>>) src(%dma_wait3A_127 : memref<104x128xf32, #tpu.memory_space<hbm>>) dst(%dma_wait3A_125 : memref<104x128xf32, #tpu.memory_space<vmem>>)
      tpu.yield
    }) : () -> ()
    "tpu.region"() ({
      %run_scoped3A = tpu.sem_alloc : memref<!tpu.dma_semaphore, #tpu.memory_space<semaphore_mem>>
      %dma_start3A_108 = arith.constant 0 : i32
      %dma_start3A_109 = arith.constant 0 : i32
      %dma_start3A_110 = tpu.memref_slice %arg10[%dma_start3A_108, %dma_start3A_109] : memref<112x128xf32, #tpu.memory_space<vmem>> -> memref<104x128xf32, #tpu.memory_space<vmem>>
      %dma_start3A_111 = arith.constant 0 : i32
      %dma_start3A_112 = tpu.memref_slice %arg5[%add3A_23, %dma_start3A_111] : memref<10008x128xf32, #tpu.memory_space<vmem_shared>> -> memref<104x128xf32, #tpu.memory_space<vmem_shared>>
      %dma_start3A_113 = arith.constant 0 : i32
      %dma_start3A_114 = tpu.memref_slice %arg5[%add3A_23, %dma_start3A_113] : memref<10008x128xf32, #tpu.memory_space<vmem_shared>> -> memref<104x128xf32, #tpu.memory_space<vmem_shared>>
      %dma_start3A_115 = arith.constant 0 : i32
      %dma_start3A_116 = arith.constant 0 : i32
      %dma_start3A_117 = tpu.memref_slice %arg10[%dma_start3A_115, %dma_start3A_116] : memref<112x128xf32, #tpu.memory_space<vmem>> -> memref<104x128xf32, #tpu.memory_space<vmem>>
      tpu.enqueue_dma source(%dma_start3A_117 : memref<104x128xf32, #tpu.memory_space<vmem>>) target(%dma_start3A_114 : memref<104x128xf32, #tpu.memory_space<vmem_shared>>) target_semaphore(%run_scoped3A : memref<!tpu.dma_semaphore, #tpu.memory_space<semaphore_mem>>)
      %dma_wait3A_118 = arith.constant 0 : i32
      %dma_wait3A_119 = arith.constant 0 : i32
      %dma_wait3A_120 = tpu.memref_slice %arg10[%dma_wait3A_118, %dma_wait3A_119] : memref<112x128xf32, #tpu.memory_space<vmem>> -> memref<104x128xf32, #tpu.memory_space<vmem>>
      %dma_wait3A_121 = arith.constant 0 : i32
      %dma_wait3A_122 = tpu.memref_slice %arg5[%add3A_23, %dma_wait3A_121] : memref<10008x128xf32, #tpu.memory_space<vmem_shared>> -> memref<104x128xf32, #tpu.memory_space<vmem_shared>>
      %dma_wait3A_123 = arith.constant 0 : i32
      %dma_wait3A_124 = tpu.memref_slice %arg5[%add3A_23, %dma_wait3A_123] : memref<10008x128xf32, #tpu.memory_space<vmem_shared>> -> memref<104x128xf32, #tpu.memory_space<vmem_shared>>
      %dma_wait3A_125 = arith.constant 0 : i32
      %dma_wait3A_126 = arith.constant 0 : i32
      %dma_wait3A_127 = tpu.memref_slice %arg10[%dma_wait3A_125, %dma_wait3A_126] : memref<112x128xf32, #tpu.memory_space<vmem>> -> memref<104x128xf32, #tpu.memory_space<vmem>>
      tpu.wait_dma2 semaphore(%run_scoped3A : memref<!tpu.dma_semaphore, #tpu.memory_space<semaphore_mem>>) src(%dma_wait3A_127 : memref<104x128xf32, #tpu.memory_space<vmem>>) dst(%dma_wait3A_124 : memref<104x128xf32, #tpu.memory_space<vmem_shared>>)
      tpu.yield
    }) : () -> ()
    %add3A_24 = arith.constant 520 : i32
    %add3A_25 = arith.addi %mul3A_2, %add3A_24 : i32
    "tpu.region"() ({
      %run_scoped3A = tpu.sem_alloc : memref<!tpu.dma_semaphore, #tpu.memory_space<semaphore_mem>>
      %dma_start3A_108 = arith.constant 0 : i32
      %dma_start3A_109 = arith.constant 0 : i32
      %dma_start3A_110 = tpu.memref_slice %arg10[%dma_start3A_108, %dma_start3A_109] : memref<112x128xf32, #tpu.memory_space<vmem>> -> memref<104x128xf32, #tpu.memory_space<vmem>>
      %dma_start3A_111 = arith.constant 0 : i32
      %dma_start3A_112 = tpu.memref_slice %arg3[%add3A_25, %dma_start3A_111] : memref<10000x128xf32, #tpu.memory_space<hbm>> -> memref<104x128xf32, #tpu.memory_space<hbm>>
      %dma_start3A_113 = arith.constant 0 : i32
      %dma_start3A_114 = arith.constant 0 : i32
      %dma_start3A_115 = tpu.memref_slice %arg10[%dma_start3A_113, %dma_start3A_114] : memref<112x128xf32, #tpu.memory_space<vmem>> -> memref<104x128xf32, #tpu.memory_space<vmem>>
      %dma_start3A_116 = arith.constant 0 : i32
      %dma_start3A_117 = tpu.memref_slice %arg3[%add3A_25, %dma_start3A_116] : memref<10000x128xf32, #tpu.memory_space<hbm>> -> memref<104x128xf32, #tpu.memory_space<hbm>>
      tpu.enqueue_dma source(%dma_start3A_117 : memref<104x128xf32, #tpu.memory_space<hbm>>) target(%dma_start3A_115 : memref<104x128xf32, #tpu.memory_space<vmem>>) target_semaphore(%run_scoped3A : memref<!tpu.dma_semaphore, #tpu.memory_space<semaphore_mem>>)
      %dma_wait3A_118 = arith.constant 0 : i32
      %dma_wait3A_119 = arith.constant 0 : i32
      %dma_wait3A_120 = tpu.memref_slice %arg10[%dma_wait3A_118, %dma_wait3A_119] : memref<112x128xf32, #tpu.memory_space<vmem>> -> memref<104x128xf32, #tpu.memory_space<vmem>>
      %dma_wait3A_121 = arith.constant 0 : i32
      %dma_wait3A_122 = tpu.memref_slice %arg3[%add3A_25, %dma_wait3A_121] : memref<10000x128xf32, #tpu.memory_space<hbm>> -> memref<104x128xf32, #tpu.memory_space<hbm>>
      %dma_wait3A_123 = arith.constant 0 : i32
      %dma_wait3A_124 = arith.constant 0 : i32
      %dma_wait3A_125 = tpu.memref_slice %arg10[%dma_wait3A_123, %dma_wait3A_124] : memref<112x128xf32, #tpu.memory_space<vmem>> -> memref<104x128xf32, #tpu.memory_space<vmem>>
      %dma_wait3A_126 = arith.constant 0 : i32
      %dma_wait3A_127 = tpu.memref_slice %arg3[%add3A_25, %dma_wait3A_126] : memref<10000x128xf32, #tpu.memory_space<hbm>> -> memref<104x128xf32, #tpu.memory_space<hbm>>
      tpu.wait_dma2 semaphore(%run_scoped3A : memref<!tpu.dma_semaphore, #tpu.memory_space<semaphore_mem>>) src(%dma_wait3A_127 : memref<104x128xf32, #tpu.memory_space<hbm>>) dst(%dma_wait3A_125 : memref<104x128xf32, #tpu.memory_space<vmem>>)
      tpu.yield
    }) : () -> ()
    "tpu.region"() ({
      %run_scoped3A = tpu.sem_alloc : memref<!tpu.dma_semaphore, #tpu.memory_space<semaphore_mem>>
      %dma_start3A_108 = arith.constant 0 : i32
      %dma_start3A_109 = arith.constant 0 : i32
      %dma_start3A_110 = tpu.memref_slice %arg10[%dma_start3A_108, %dma_start3A_109] : memref<112x128xf32, #tpu.memory_space<vmem>> -> memref<104x128xf32, #tpu.memory_space<vmem>>
      %dma_start3A_111 = arith.constant 0 : i32
      %dma_start3A_112 = tpu.memref_slice %arg5[%add3A_25, %dma_start3A_111] : memref<10008x128xf32, #tpu.memory_space<vmem_shared>> -> memref<104x128xf32, #tpu.memory_space<vmem_shared>>
      %dma_start3A_113 = arith.constant 0 : i32
      %dma_start3A_114 = tpu.memref_slice %arg5[%add3A_25, %dma_start3A_113] : memref<10008x128xf32, #tpu.memory_space<vmem_shared>> -> memref<104x128xf32, #tpu.memory_space<vmem_shared>>
      %dma_start3A_115 = arith.constant 0 : i32
      %dma_start3A_116 = arith.constant 0 : i32
      %dma_start3A_117 = tpu.memref_slice %arg10[%dma_start3A_115, %dma_start3A_116] : memref<112x128xf32, #tpu.memory_space<vmem>> -> memref<104x128xf32, #tpu.memory_space<vmem>>
      tpu.enqueue_dma source(%dma_start3A_117 : memref<104x128xf32, #tpu.memory_space<vmem>>) target(%dma_start3A_114 : memref<104x128xf32, #tpu.memory_space<vmem_shared>>) target_semaphore(%run_scoped3A : memref<!tpu.dma_semaphore, #tpu.memory_space<semaphore_mem>>)
      %dma_wait3A_118 = arith.constant 0 : i32
      %dma_wait3A_119 = arith.constant 0 : i32
      %dma_wait3A_120 = tpu.memref_slice %arg10[%dma_wait3A_118, %dma_wait3A_119] : memref<112x128xf32, #tpu.memory_space<vmem>> -> memref<104x128xf32, #tpu.memory_space<vmem>>
      %dma_wait3A_121 = arith.constant 0 : i32
      %dma_wait3A_122 = tpu.memref_slice %arg5[%add3A_25, %dma_wait3A_121] : memref<10008x128xf32, #tpu.memory_space<vmem_shared>> -> memref<104x128xf32, #tpu.memory_space<vmem_shared>>
      %dma_wait3A_123 = arith.constant 0 : i32
      %dma_wait3A_124 = tpu.memref_slice %arg5[%add3A_25, %dma_wait3A_123] : memref<10008x128xf32, #tpu.memory_space<vmem_shared>> -> memref<104x128xf32, #tpu.memory_space<vmem_shared>>
      %dma_wait3A_125 = arith.constant 0 : i32
      %dma_wait3A_126 = arith.constant 0 : i32
      %dma_wait3A_127 = tpu.memref_slice %arg10[%dma_wait3A_125, %dma_wait3A_126] : memref<112x128xf32, #tpu.memory_space<vmem>> -> memref<104x128xf32, #tpu.memory_space<vmem>>
      tpu.wait_dma2 semaphore(%run_scoped3A : memref<!tpu.dma_semaphore, #tpu.memory_space<semaphore_mem>>) src(%dma_wait3A_127 : memref<104x128xf32, #tpu.memory_space<vmem>>) dst(%dma_wait3A_124 : memref<104x128xf32, #tpu.memory_space<vmem_shared>>)
      tpu.yield
    }) : () -> ()
    %eq3A_26 = arith.constant 15 : i32
    %eq3A_27 = arith.cmpi eq, %arg1, %eq3A_26 : i32
    %convert_element_type3A = arith.extui %eq3A_27 : i1 to i32
    %cond3A = arith.constant 0 : i32
    %cond3A_28 = arith.cmpi ne, %convert_element_type3A, %cond3A : i32
    scf.if %cond3A_28 {
      "tpu.region"() ({
        %run_scoped3A = tpu.sem_alloc : memref<!tpu.dma_semaphore, #tpu.memory_space<semaphore_mem>>
        %dma_start3A_108 = arith.constant 0 : i32
        %dma_start3A_109 = arith.constant 0 : i32
        %dma_start3A_110 = tpu.memref_slice %arg10[%dma_start3A_108, %dma_start3A_109] : memref<112x128xf32, #tpu.memory_space<vmem>> -> memref<16x128xf32, #tpu.memory_space<vmem>>
        %dma_start3A_111 = arith.constant 9984 : i32
        %dma_start3A_112 = arith.constant 0 : i32
        %dma_start3A_113 = tpu.memref_slice %arg3[%dma_start3A_111, %dma_start3A_112] : memref<10000x128xf32, #tpu.memory_space<hbm>> -> memref<16x128xf32, #tpu.memory_space<hbm>>
        %dma_start3A_114 = arith.constant 0 : i32
        %dma_start3A_115 = arith.constant 0 : i32
        %dma_start3A_116 = tpu.memref_slice %arg10[%dma_start3A_114, %dma_start3A_115] : memref<112x128xf32, #tpu.memory_space<vmem>> -> memref<16x128xf32, #tpu.memory_space<vmem>>
        %dma_start3A_117 = arith.constant 9984 : i32
        %dma_start3A_118 = arith.constant 0 : i32
        %dma_start3A_119 = tpu.memref_slice %arg3[%dma_start3A_117, %dma_start3A_118] : memref<10000x128xf32, #tpu.memory_space<hbm>> -> memref<16x128xf32, #tpu.memory_space<hbm>>
        tpu.enqueue_dma source(%dma_start3A_119 : memref<16x128xf32, #tpu.memory_space<hbm>>) target(%dma_start3A_116 : memref<16x128xf32, #tpu.memory_space<vmem>>) target_semaphore(%run_scoped3A : memref<!tpu.dma_semaphore, #tpu.memory_space<semaphore_mem>>)
        %dma_wait3A_120 = arith.constant 0 : i32
        %dma_wait3A_121 = arith.constant 0 : i32
        %dma_wait3A_122 = tpu.memref_slice %arg10[%dma_wait3A_120, %dma_wait3A_121] : memref<112x128xf32, #tpu.memory_space<vmem>> -> memref<16x128xf32, #tpu.memory_space<vmem>>
        %dma_wait3A_123 = arith.constant 9984 : i32
        %dma_wait3A_124 = arith.constant 0 : i32
        %dma_wait3A_125 = tpu.memref_slice %arg3[%dma_wait3A_123, %dma_wait3A_124] : memref<10000x128xf32, #tpu.memory_space<hbm>> -> memref<16x128xf32, #tpu.memory_space<hbm>>
        %dma_wait3A_126 = arith.constant 0 : i32
        %dma_wait3A_127 = arith.constant 0 : i32
        %dma_wait3A_128 = tpu.memref_slice %arg10[%dma_wait3A_126, %dma_wait3A_127] : memref<112x128xf32, #tpu.memory_space<vmem>> -> memref<16x128xf32, #tpu.memory_space<vmem>>
        %dma_wait3A_129 = arith.constant 9984 : i32
        %dma_wait3A_130 = arith.constant 0 : i32
        %dma_wait3A_131 = tpu.memref_slice %arg3[%dma_wait3A_129, %dma_wait3A_130] : memref<10000x128xf32, #tpu.memory_space<hbm>> -> memref<16x128xf32, #tpu.memory_space<hbm>>
        tpu.wait_dma2 semaphore(%run_scoped3A : memref<!tpu.dma_semaphore, #tpu.memory_space<semaphore_mem>>) src(%dma_wait3A_131 : memref<16x128xf32, #tpu.memory_space<hbm>>) dst(%dma_wait3A_128 : memref<16x128xf32, #tpu.memory_space<vmem>>)
        tpu.yield
      }) : () -> ()
      "tpu.region"() ({
        %run_scoped3A = tpu.sem_alloc : memref<!tpu.dma_semaphore, #tpu.memory_space<semaphore_mem>>
        %dma_start3A_108 = arith.constant 0 : i32
        %dma_start3A_109 = arith.constant 0 : i32
        %dma_start3A_110 = tpu.memref_slice %arg10[%dma_start3A_108, %dma_start3A_109] : memref<112x128xf32, #tpu.memory_space<vmem>> -> memref<16x128xf32, #tpu.memory_space<vmem>>
        %dma_start3A_111 = arith.constant 9984 : i32
        %dma_start3A_112 = arith.constant 0 : i32
        %dma_start3A_113 = tpu.memref_slice %arg5[%dma_start3A_111, %dma_start3A_112] : memref<10008x128xf32, #tpu.memory_space<vmem_shared>> -> memref<16x128xf32, #tpu.memory_space<vmem_shared>>
        %dma_start3A_114 = arith.constant 9984 : i32
        %dma_start3A_115 = arith.constant 0 : i32
        %dma_start3A_116 = tpu.memref_slice %arg5[%dma_start3A_114, %dma_start3A_115] : memref<10008x128xf32, #tpu.memory_space<vmem_shared>> -> memref<16x128xf32, #tpu.memory_space<vmem_shared>>
        %dma_start3A_117 = arith.constant 0 : i32
        %dma_start3A_118 = arith.constant 0 : i32
        %dma_start3A_119 = tpu.memref_slice %arg10[%dma_start3A_117, %dma_start3A_118] : memref<112x128xf32, #tpu.memory_space<vmem>> -> memref<16x128xf32, #tpu.memory_space<vmem>>
        tpu.enqueue_dma source(%dma_start3A_119 : memref<16x128xf32, #tpu.memory_space<vmem>>) target(%dma_start3A_116 : memref<16x128xf32, #tpu.memory_space<vmem_shared>>) target_semaphore(%run_scoped3A : memref<!tpu.dma_semaphore, #tpu.memory_space<semaphore_mem>>)
        %dma_wait3A_120 = arith.constant 0 : i32
        %dma_wait3A_121 = arith.constant 0 : i32
        %dma_wait3A_122 = tpu.memref_slice %arg10[%dma_wait3A_120, %dma_wait3A_121] : memref<112x128xf32, #tpu.memory_space<vmem>> -> memref<16x128xf32, #tpu.memory_space<vmem>>
        %dma_wait3A_123 = arith.constant 9984 : i32
        %dma_wait3A_124 = arith.constant 0 : i32
        %dma_wait3A_125 = tpu.memref_slice %arg5[%dma_wait3A_123, %dma_wait3A_124] : memref<10008x128xf32, #tpu.memory_space<vmem_shared>> -> memref<16x128xf32, #tpu.memory_space<vmem_shared>>
        %dma_wait3A_126 = arith.constant 9984 : i32
        %dma_wait3A_127 = arith.constant 0 : i32
        %dma_wait3A_128 = tpu.memref_slice %arg5[%dma_wait3A_126, %dma_wait3A_127] : memref<10008x128xf32, #tpu.memory_space<vmem_shared>> -> memref<16x128xf32, #tpu.memory_space<vmem_shared>>
        %dma_wait3A_129 = arith.constant 0 : i32
        %dma_wait3A_130 = arith.constant 0 : i32
        %dma_wait3A_131 = tpu.memref_slice %arg10[%dma_wait3A_129, %dma_wait3A_130] : memref<112x128xf32, #tpu.memory_space<vmem>> -> memref<16x128xf32, #tpu.memory_space<vmem>>
        tpu.wait_dma2 semaphore(%run_scoped3A : memref<!tpu.dma_semaphore, #tpu.memory_space<semaphore_mem>>) src(%dma_wait3A_131 : memref<16x128xf32, #tpu.memory_space<vmem>>) dst(%dma_wait3A_128 : memref<16x128xf32, #tpu.memory_space<vmem_shared>>)
        tpu.yield
      }) : () -> ()
    } else {
    }
    %barrier3A = arith.constant 0 : index
    tpu.barrier barrier_id(%barrier3A)
    %add3A_29 = arith.constant 0 : i32
    %add3A_30 = arith.addi %select_n3A_13, %add3A_29 : i32
    %dma_start3A = arith.constant 0 : i32
    %dma_start3A_31 = arith.constant 0 : i32
    %dma_start3A_32 = tpu.memref_slice %arg2[%add3A_30, %dma_start3A, %dma_start3A_31] : memref<2880x2x112xi32, #tpu.memory_space<hbm>> -> memref<1x2x112xi32, #tpu.memory_space<hbm>>
    %dma_start3A_33 = tpu.memref_squeeze %dma_start3A_32 : memref<1x2x112xi32, #tpu.memory_space<hbm>> -> memref<2x112xi32, #tpu.memory_space<hbm>>
    %dma_start3A_34 = arith.constant 0 : i32
    %dma_start3A_35 = arith.constant 0 : i32
    %dma_start3A_36 = tpu.memref_slice %arg2[%add3A_30, %dma_start3A_34, %dma_start3A_35] : memref<2880x2x112xi32, #tpu.memory_space<hbm>> -> memref<1x2x112xi32, #tpu.memory_space<hbm>>
    %dma_start3A_37 = tpu.memref_squeeze %dma_start3A_36 : memref<1x2x112xi32, #tpu.memory_space<hbm>> -> memref<2x112xi32, #tpu.memory_space<hbm>>
    tpu.enqueue_dma source(%dma_start3A_37 : memref<2x112xi32, #tpu.memory_space<hbm>>) target(%arg6 : memref<2x112xi32, #tpu.memory_space<vmem>>) target_semaphore(%arg12 : memref<!tpu.dma_semaphore, #tpu.memory_space<semaphore_mem>>)
    %add3A_38 = arith.constant 1 : i32
    %add3A_39 = arith.addi %select_n3A_13, %add3A_38 : i32
    %dma_start3A_40 = arith.constant 0 : i32
    %dma_start3A_41 = arith.constant 0 : i32
    %dma_start3A_42 = tpu.memref_slice %arg2[%add3A_39, %dma_start3A_40, %dma_start3A_41] : memref<2880x2x112xi32, #tpu.memory_space<hbm>> -> memref<1x2x112xi32, #tpu.memory_space<hbm>>
    %dma_start3A_43 = tpu.memref_squeeze %dma_start3A_42 : memref<1x2x112xi32, #tpu.memory_space<hbm>> -> memref<2x112xi32, #tpu.memory_space<hbm>>
    %dma_start3A_44 = arith.constant 0 : i32
    %dma_start3A_45 = arith.constant 0 : i32
    %dma_start3A_46 = tpu.memref_slice %arg2[%add3A_39, %dma_start3A_44, %dma_start3A_45] : memref<2880x2x112xi32, #tpu.memory_space<hbm>> -> memref<1x2x112xi32, #tpu.memory_space<hbm>>
    %dma_start3A_47 = tpu.memref_squeeze %dma_start3A_46 : memref<1x2x112xi32, #tpu.memory_space<hbm>> -> memref<2x112xi32, #tpu.memory_space<hbm>>
    tpu.enqueue_dma source(%dma_start3A_47 : memref<2x112xi32, #tpu.memory_space<hbm>>) target(%arg7 : memref<2x112xi32, #tpu.memory_space<vmem>>) target_semaphore(%arg13 : memref<!tpu.dma_semaphore, #tpu.memory_space<semaphore_mem>>)
    %add3A_48 = arith.constant 2 : i32
    %add3A_49 = arith.addi %select_n3A_13, %add3A_48 : i32
    %dma_start3A_50 = arith.constant 0 : i32
    %dma_start3A_51 = arith.constant 0 : i32
    %dma_start3A_52 = tpu.memref_slice %arg2[%add3A_49, %dma_start3A_50, %dma_start3A_51] : memref<2880x2x112xi32, #tpu.memory_space<hbm>> -> memref<1x2x112xi32, #tpu.memory_space<hbm>>
    %dma_start3A_53 = tpu.memref_squeeze %dma_start3A_52 : memref<1x2x112xi32, #tpu.memory_space<hbm>> -> memref<2x112xi32, #tpu.memory_space<hbm>>
    %dma_start3A_54 = arith.constant 0 : i32
    %dma_start3A_55 = arith.constant 0 : i32
    %dma_start3A_56 = tpu.memref_slice %arg2[%add3A_49, %dma_start3A_54, %dma_start3A_55] : memref<2880x2x112xi32, #tpu.memory_space<hbm>> -> memref<1x2x112xi32, #tpu.memory_space<hbm>>
    %dma_start3A_57 = tpu.memref_squeeze %dma_start3A_56 : memref<1x2x112xi32, #tpu.memory_space<hbm>> -> memref<2x112xi32, #tpu.memory_space<hbm>>
    tpu.enqueue_dma source(%dma_start3A_57 : memref<2x112xi32, #tpu.memory_space<hbm>>) target(%arg8 : memref<2x112xi32, #tpu.memory_space<vmem>>) target_semaphore(%arg14 : memref<!tpu.dma_semaphore, #tpu.memory_space<semaphore_mem>>)
    %add3A_58 = arith.constant 0 : i32
    %add3A_59 = arith.addi %select_n3A_13, %add3A_58 : i32
    %dma_wait3A = arith.constant 0 : i32
    %dma_wait3A_60 = arith.constant 0 : i32
    %dma_wait3A_61 = tpu.memref_slice %arg2[%add3A_59, %dma_wait3A, %dma_wait3A_60] : memref<2880x2x112xi32, #tpu.memory_space<hbm>> -> memref<1x2x112xi32, #tpu.memory_space<hbm>>
    %dma_wait3A_62 = tpu.memref_squeeze %dma_wait3A_61 : memref<1x2x112xi32, #tpu.memory_space<hbm>> -> memref<2x112xi32, #tpu.memory_space<hbm>>
    %dma_wait3A_63 = arith.constant 0 : i32
    %dma_wait3A_64 = arith.constant 0 : i32
    %dma_wait3A_65 = tpu.memref_slice %arg2[%add3A_59, %dma_wait3A_63, %dma_wait3A_64] : memref<2880x2x112xi32, #tpu.memory_space<hbm>> -> memref<1x2x112xi32, #tpu.memory_space<hbm>>
    %dma_wait3A_66 = tpu.memref_squeeze %dma_wait3A_65 : memref<1x2x112xi32, #tpu.memory_space<hbm>> -> memref<2x112xi32, #tpu.memory_space<hbm>>
    tpu.wait_dma2 semaphore(%arg12 : memref<!tpu.dma_semaphore, #tpu.memory_space<semaphore_mem>>) src(%dma_wait3A_66 : memref<2x112xi32, #tpu.memory_space<hbm>>) dst(%arg6 : memref<2x112xi32, #tpu.memory_space<vmem>>)
    %dma_start3A_67 = arith.constant 0 : i32
    %dma_start3A_68 = arith.constant 0 : i32
    %dma_start3A_69 = tpu.memref_slice %arg6[%dma_start3A_67, %dma_start3A_68] : memref<2x112xi32, #tpu.memory_space<vmem>> -> memref<1x112xi32, #tpu.memory_space<vmem>>
    %dma_start3A_70 = tpu.memref_squeeze %dma_start3A_69 : memref<1x112xi32, #tpu.memory_space<vmem>> -> memref<112xi32, #tpu.memory_space<vmem>>
    %dma_start3A_71 = arith.constant 0 : i32
    %dma_start3A_72 = arith.constant 0 : i32
    %dma_start3A_73 = tpu.memref_slice %arg3[%dma_start3A_71, %dma_start3A_72] : memref<10000x128xf32, #tpu.memory_space<hbm>> -> memref<10000x128xf32, #tpu.memory_space<hbm>>
    tpu.enqueue_indirect_dma source(%dma_start3A_73 : memref<10000x128xf32, #tpu.memory_space<hbm>>) target(%arg10 : memref<112x128xf32, #tpu.memory_space<vmem>>) offsets(%dma_start3A_70 : memref<112xi32, #tpu.memory_space<vmem>>) semaphore(%arg16 : memref<!tpu.dma_semaphore, #tpu.memory_space<semaphore_mem>>)
    %sub3A = arith.constant 0 : i32
    %sub3A_74 = arith.subi %select_n3A, %sub3A : i32
    %sub3A_75 = arith.constant 4 : i32
    %sub3A_76 = arith.constant 1 : i32
    %sub3A_77 = arith.subi %sub3A_75, %sub3A_76 : i32
    %add3A_78 = arith.addi %sub3A_74, %sub3A_77 : i32
    %div3A = arith.constant 4 : i32
    %div3A_79 = arith.divsi %add3A_78, %div3A : i32
    %while3A = arith.constant 4 : i32
    %while3A_80 = arith.constant 0 : i32
    %while3A_81 = arith.constant 0 : i32
    %while3A_82 = arith.subi %div3A_79, %while3A_81 : i32
    %while3A_83 = arith.addi %while3A_81, %while3A_82 : i32
    %while3A_84 = arith.constant 1 : i32
    %while3A_85 = arith.divsi %while3A_82, %while3A_84 : i32
    %while3A_86 = arith.muli %while3A_85, %while3A_84 : i32
    %while3A_87 = arith.addi %while3A_81, %while3A_86 : i32
    %while3A_88 = arith.constant 1 : i32
    scf.for %while3A_108 = %while3A_81 to %while3A_87 step %while3A_88  : i32 {
      %mul3A_109 = arith.muli %while3A_108, %while3A : i32
      %add3A_110 = arith.addi %while3A_80, %mul3A_109 : i32
      %add3A_111 = arith.constant 0 : i32
      %add3A_112 = arith.addi %add3A_110, %add3A_111 : i32
      %dma_wait3A_113 = arith.constant 0 : i32
      %dma_wait3A_114 = arith.constant 0 : i32
      %dma_wait3A_115 = tpu.memref_slice %arg6[%dma_wait3A_113, %dma_wait3A_114] : memref<2x112xi32, #tpu.memory_space<vmem>> -> memref<1x112xi32, #tpu.memory_space<vmem>>
      %dma_wait3A_116 = tpu.memref_squeeze %dma_wait3A_115 : memref<1x112xi32, #tpu.memory_space<vmem>> -> memref<112xi32, #tpu.memory_space<vmem>>
      %dma_wait3A_117 = arith.constant 0 : i32
      %dma_wait3A_118 = arith.constant 0 : i32
      %dma_wait3A_119 = tpu.memref_slice %arg3[%dma_wait3A_117, %dma_wait3A_118] : memref<10000x128xf32, #tpu.memory_space<hbm>> -> memref<10000x128xf32, #tpu.memory_space<hbm>>
      tpu.wait_indirect_dma semaphore(%arg16 : memref<!tpu.dma_semaphore, #tpu.memory_space<semaphore_mem>>) src(%dma_wait3A_119 : memref<10000x128xf32, #tpu.memory_space<hbm>>) dst(%arg10 : memref<112x128xf32, #tpu.memory_space<vmem>>)
      %add3A_120 = arith.constant 1 : i32
      %add3A_121 = arith.addi %add3A_112, %add3A_120 : i32
      %lt3A = arith.cmpi slt, %add3A_121, %select_n3A : i32
      %convert_element_type3A_122 = arith.extui %lt3A : i1 to i32
      %cond3A_123 = arith.constant 0 : i32
      %cond3A_124 = arith.cmpi ne, %convert_element_type3A_122, %cond3A_123 : i32
      scf.if %cond3A_124 {
        %add3A_197 = arith.constant 1 : i32
        %add3A_198 = arith.addi %add3A_112, %add3A_197 : i32
        %add3A_199 = arith.addi %select_n3A_13, %add3A_198 : i32
        %dma_wait3A_200 = arith.constant 0 : i32
        %dma_wait3A_201 = arith.constant 0 : i32
        %dma_wait3A_202 = tpu.memref_slice %arg2[%add3A_199, %dma_wait3A_200, %dma_wait3A_201] : memref<2880x2x112xi32, #tpu.memory_space<hbm>> -> memref<1x2x112xi32, #tpu.memory_space<hbm>>
        %dma_wait3A_203 = tpu.memref_squeeze %dma_wait3A_202 : memref<1x2x112xi32, #tpu.memory_space<hbm>> -> memref<2x112xi32, #tpu.memory_space<hbm>>
        %dma_wait3A_204 = arith.constant 0 : i32
        %dma_wait3A_205 = arith.constant 0 : i32
        %dma_wait3A_206 = tpu.memref_slice %arg2[%add3A_199, %dma_wait3A_204, %dma_wait3A_205] : memref<2880x2x112xi32, #tpu.memory_space<hbm>> -> memref<1x2x112xi32, #tpu.memory_space<hbm>>
        %dma_wait3A_207 = tpu.memref_squeeze %dma_wait3A_206 : memref<1x2x112xi32, #tpu.memory_space<hbm>> -> memref<2x112xi32, #tpu.memory_space<hbm>>
        tpu.wait_dma2 semaphore(%arg13 : memref<!tpu.dma_semaphore, #tpu.memory_space<semaphore_mem>>) src(%dma_wait3A_207 : memref<2x112xi32, #tpu.memory_space<hbm>>) dst(%arg7 : memref<2x112xi32, #tpu.memory_space<vmem>>)
        %dma_start3A_208 = arith.constant 0 : i32
        %dma_start3A_209 = arith.constant 0 : i32
        %dma_start3A_210 = tpu.memref_slice %arg7[%dma_start3A_208, %dma_start3A_209] : memref<2x112xi32, #tpu.memory_space<vmem>> -> memref<1x112xi32, #tpu.memory_space<vmem>>
        %dma_start3A_211 = tpu.memref_squeeze %dma_start3A_210 : memref<1x112xi32, #tpu.memory_space<vmem>> -> memref<112xi32, #tpu.memory_space<vmem>>
        %dma_start3A_212 = arith.constant 0 : i32
        %dma_start3A_213 = arith.constant 0 : i32
        %dma_start3A_214 = tpu.memref_slice %arg3[%dma_start3A_212, %dma_start3A_213] : memref<10000x128xf32, #tpu.memory_space<hbm>> -> memref<10000x128xf32, #tpu.memory_space<hbm>>
        tpu.enqueue_indirect_dma source(%dma_start3A_214 : memref<10000x128xf32, #tpu.memory_space<hbm>>) target(%arg11 : memref<112x128xf32, #tpu.memory_space<vmem>>) offsets(%dma_start3A_211 : memref<112xi32, #tpu.memory_space<vmem>>) semaphore(%arg17 : memref<!tpu.dma_semaphore, #tpu.memory_space<semaphore_mem>>)
      } else {
      }
      %add3A_125 = arith.constant 3 : i32
      %add3A_126 = arith.addi %add3A_112, %add3A_125 : i32
      %lt3A_127 = arith.cmpi slt, %add3A_126, %select_n3A : i32
      %convert_element_type3A_128 = arith.extui %lt3A_127 : i1 to i32
      %cond3A_129 = arith.constant 0 : i32
      %cond3A_130 = arith.cmpi ne, %convert_element_type3A_128, %cond3A_129 : i32
      scf.if %cond3A_130 {
        %add3A_197 = arith.constant 3 : i32
        %add3A_198 = arith.addi %add3A_112, %add3A_197 : i32
        %add3A_199 = arith.addi %select_n3A_13, %add3A_198 : i32
        %dma_start3A_200 = arith.constant 0 : i32
        %dma_start3A_201 = arith.constant 0 : i32
        %dma_start3A_202 = tpu.memref_slice %arg2[%add3A_199, %dma_start3A_200, %dma_start3A_201] : memref<2880x2x112xi32, #tpu.memory_space<hbm>> -> memref<1x2x112xi32, #tpu.memory_space<hbm>>
        %dma_start3A_203 = tpu.memref_squeeze %dma_start3A_202 : memref<1x2x112xi32, #tpu.memory_space<hbm>> -> memref<2x112xi32, #tpu.memory_space<hbm>>
        %dma_start3A_204 = arith.constant 0 : i32
        %dma_start3A_205 = arith.constant 0 : i32
        %dma_start3A_206 = tpu.memref_slice %arg2[%add3A_199, %dma_start3A_204, %dma_start3A_205] : memref<2880x2x112xi32, #tpu.memory_space<hbm>> -> memref<1x2x112xi32, #tpu.memory_space<hbm>>
        %dma_start3A_207 = tpu.memref_squeeze %dma_start3A_206 : memref<1x2x112xi32, #tpu.memory_space<hbm>> -> memref<2x112xi32, #tpu.memory_space<hbm>>
        tpu.enqueue_dma source(%dma_start3A_207 : memref<2x112xi32, #tpu.memory_space<hbm>>) target(%arg9 : memref<2x112xi32, #tpu.memory_space<vmem>>) target_semaphore(%arg15 : memref<!tpu.dma_semaphore, #tpu.memory_space<semaphore_mem>>)
      } else {
      }
      %run_scoped3A = arith.constant 1 : i32
      "tpu.region"() ({
        %run_scoped3A_197 = tpu.sem_alloc : memref<!tpu.dma_semaphore, #tpu.memory_space<semaphore_mem>>
        %dma_start3A_198 = arith.constant 0 : i32
        %dma_start3A_199 = tpu.memref_slice %arg6[%run_scoped3A, %dma_start3A_198] : memref<2x112xi32, #tpu.memory_space<vmem>> -> memref<1x112xi32, #tpu.memory_space<vmem>>
        %dma_start3A_200 = tpu.memref_squeeze %dma_start3A_199 : memref<1x112xi32, #tpu.memory_space<vmem>> -> memref<112xi32, #tpu.memory_space<vmem>>
        %dma_start3A_201 = arith.constant 0 : i32
        %dma_start3A_202 = arith.constant 0 : i32
        %dma_start3A_203 = tpu.memref_slice %arg5[%dma_start3A_201, %dma_start3A_202] : memref<10008x128xf32, #tpu.memory_space<vmem_shared>> -> memref<10008x128xf32, #tpu.memory_space<vmem_shared>>
        tpu.enqueue_indirect_dma source(%arg10 : memref<112x128xf32, #tpu.memory_space<vmem>>) target(%dma_start3A_203 : memref<10008x128xf32, #tpu.memory_space<vmem_shared>>) offsets(%dma_start3A_200 : memref<112xi32, #tpu.memory_space<vmem>>) semaphore(%run_scoped3A_197 : memref<!tpu.dma_semaphore, #tpu.memory_space<semaphore_mem>>) {add = true}
        %dma_wait3A_204 = arith.constant 0 : i32
        %dma_wait3A_205 = tpu.memref_slice %arg6[%run_scoped3A, %dma_wait3A_204] : memref<2x112xi32, #tpu.memory_space<vmem>> -> memref<1x112xi32, #tpu.memory_space<vmem>>
        %dma_wait3A_206 = tpu.memref_squeeze %dma_wait3A_205 : memref<1x112xi32, #tpu.memory_space<vmem>> -> memref<112xi32, #tpu.memory_space<vmem>>
        %dma_wait3A_207 = arith.constant 0 : i32
        %dma_wait3A_208 = arith.constant 0 : i32
        %dma_wait3A_209 = tpu.memref_slice %arg5[%dma_wait3A_207, %dma_wait3A_208] : memref<10008x128xf32, #tpu.memory_space<vmem_shared>> -> memref<10008x128xf32, #tpu.memory_space<vmem_shared>>
        tpu.wait_indirect_dma semaphore(%run_scoped3A_197 : memref<!tpu.dma_semaphore, #tpu.memory_space<semaphore_mem>>) src(%arg10 : memref<112x128xf32, #tpu.memory_space<vmem>>) dst(%dma_wait3A_209 : memref<10008x128xf32, #tpu.memory_space<vmem_shared>>)
        tpu.yield
      }) : () -> ()
      %add3A_131 = arith.constant 1 : i32
      %add3A_132 = arith.addi %add3A_110, %add3A_131 : i32
      %dma_wait3A_133 = arith.constant 0 : i32
      %dma_wait3A_134 = arith.constant 0 : i32
      %dma_wait3A_135 = tpu.memref_slice %arg7[%dma_wait3A_133, %dma_wait3A_134] : memref<2x112xi32, #tpu.memory_space<vmem>> -> memref<1x112xi32, #tpu.memory_space<vmem>>
      %dma_wait3A_136 = tpu.memref_squeeze %dma_wait3A_135 : memref<1x112xi32, #tpu.memory_space<vmem>> -> memref<112xi32, #tpu.memory_space<vmem>>
      %dma_wait3A_137 = arith.constant 0 : i32
      %dma_wait3A_138 = arith.constant 0 : i32
      %dma_wait3A_139 = tpu.memref_slice %arg3[%dma_wait3A_137, %dma_wait3A_138] : memref<10000x128xf32, #tpu.memory_space<hbm>> -> memref<10000x128xf32, #tpu.memory_space<hbm>>
      tpu.wait_indirect_dma semaphore(%arg17 : memref<!tpu.dma_semaphore, #tpu.memory_space<semaphore_mem>>) src(%dma_wait3A_139 : memref<10000x128xf32, #tpu.memory_space<hbm>>) dst(%arg11 : memref<112x128xf32, #tpu.memory_space<vmem>>)
      %add3A_140 = arith.constant 1 : i32
      %add3A_141 = arith.addi %add3A_132, %add3A_140 : i32
      %lt3A_142 = arith.cmpi slt, %add3A_141, %select_n3A : i32
      %convert_element_type3A_143 = arith.extui %lt3A_142 : i1 to i32
      %cond3A_144 = arith.constant 0 : i32
      %cond3A_145 = arith.cmpi ne, %convert_element_type3A_143, %cond3A_144 : i32
      scf.if %cond3A_145 {
        %add3A_197 = arith.constant 1 : i32
        %add3A_198 = arith.addi %add3A_132, %add3A_197 : i32
        %add3A_199 = arith.addi %select_n3A_13, %add3A_198 : i32
        %dma_wait3A_200 = arith.constant 0 : i32
        %dma_wait3A_201 = arith.constant 0 : i32
        %dma_wait3A_202 = tpu.memref_slice %arg2[%add3A_199, %dma_wait3A_200, %dma_wait3A_201] : memref<2880x2x112xi32, #tpu.memory_space<hbm>> -> memref<1x2x112xi32, #tpu.memory_space<hbm>>
        %dma_wait3A_203 = tpu.memref_squeeze %dma_wait3A_202 : memref<1x2x112xi32, #tpu.memory_space<hbm>> -> memref<2x112xi32, #tpu.memory_space<hbm>>
        %dma_wait3A_204 = arith.constant 0 : i32
        %dma_wait3A_205 = arith.constant 0 : i32
        %dma_wait3A_206 = tpu.memref_slice %arg2[%add3A_199, %dma_wait3A_204, %dma_wait3A_205] : memref<2880x2x112xi32, #tpu.memory_space<hbm>> -> memref<1x2x112xi32, #tpu.memory_space<hbm>>
        %dma_wait3A_207 = tpu.memref_squeeze %dma_wait3A_206 : memref<1x2x112xi32, #tpu.memory_space<hbm>> -> memref<2x112xi32, #tpu.memory_space<hbm>>
        tpu.wait_dma2 semaphore(%arg14 : memref<!tpu.dma_semaphore, #tpu.memory_space<semaphore_mem>>) src(%dma_wait3A_207 : memref<2x112xi32, #tpu.memory_space<hbm>>) dst(%arg8 : memref<2x112xi32, #tpu.memory_space<vmem>>)
        %dma_start3A_208 = arith.constant 0 : i32
        %dma_start3A_209 = arith.constant 0 : i32
        %dma_start3A_210 = tpu.memref_slice %arg8[%dma_start3A_208, %dma_start3A_209] : memref<2x112xi32, #tpu.memory_space<vmem>> -> memref<1x112xi32, #tpu.memory_space<vmem>>
        %dma_start3A_211 = tpu.memref_squeeze %dma_start3A_210 : memref<1x112xi32, #tpu.memory_space<vmem>> -> memref<112xi32, #tpu.memory_space<vmem>>
        %dma_start3A_212 = arith.constant 0 : i32
        %dma_start3A_213 = arith.constant 0 : i32
        %dma_start3A_214 = tpu.memref_slice %arg3[%dma_start3A_212, %dma_start3A_213] : memref<10000x128xf32, #tpu.memory_space<hbm>> -> memref<10000x128xf32, #tpu.memory_space<hbm>>
        tpu.enqueue_indirect_dma source(%dma_start3A_214 : memref<10000x128xf32, #tpu.memory_space<hbm>>) target(%arg10 : memref<112x128xf32, #tpu.memory_space<vmem>>) offsets(%dma_start3A_211 : memref<112xi32, #tpu.memory_space<vmem>>) semaphore(%arg16 : memref<!tpu.dma_semaphore, #tpu.memory_space<semaphore_mem>>)
      } else {
      }
      %add3A_146 = arith.constant 3 : i32
      %add3A_147 = arith.addi %add3A_132, %add3A_146 : i32
      %lt3A_148 = arith.cmpi slt, %add3A_147, %select_n3A : i32
      %convert_element_type3A_149 = arith.extui %lt3A_148 : i1 to i32
      %cond3A_150 = arith.constant 0 : i32
      %cond3A_151 = arith.cmpi ne, %convert_element_type3A_149, %cond3A_150 : i32
      scf.if %cond3A_151 {
        %add3A_197 = arith.constant 3 : i32
        %add3A_198 = arith.addi %add3A_132, %add3A_197 : i32
        %add3A_199 = arith.addi %select_n3A_13, %add3A_198 : i32
        %dma_start3A_200 = arith.constant 0 : i32
        %dma_start3A_201 = arith.constant 0 : i32
        %dma_start3A_202 = tpu.memref_slice %arg2[%add3A_199, %dma_start3A_200, %dma_start3A_201] : memref<2880x2x112xi32, #tpu.memory_space<hbm>> -> memref<1x2x112xi32, #tpu.memory_space<hbm>>
        %dma_start3A_203 = tpu.memref_squeeze %dma_start3A_202 : memref<1x2x112xi32, #tpu.memory_space<hbm>> -> memref<2x112xi32, #tpu.memory_space<hbm>>
        %dma_start3A_204 = arith.constant 0 : i32
        %dma_start3A_205 = arith.constant 0 : i32
        %dma_start3A_206 = tpu.memref_slice %arg2[%add3A_199, %dma_start3A_204, %dma_start3A_205] : memref<2880x2x112xi32, #tpu.memory_space<hbm>> -> memref<1x2x112xi32, #tpu.memory_space<hbm>>
        %dma_start3A_207 = tpu.memref_squeeze %dma_start3A_206 : memref<1x2x112xi32, #tpu.memory_space<hbm>> -> memref<2x112xi32, #tpu.memory_space<hbm>>
        tpu.enqueue_dma source(%dma_start3A_207 : memref<2x112xi32, #tpu.memory_space<hbm>>) target(%arg6 : memref<2x112xi32, #tpu.memory_space<vmem>>) target_semaphore(%arg12 : memref<!tpu.dma_semaphore, #tpu.memory_space<semaphore_mem>>)
      } else {
      }
      %run_scoped3A_152 = arith.constant 1 : i32
      "tpu.region"() ({
        %run_scoped3A_197 = tpu.sem_alloc : memref<!tpu.dma_semaphore, #tpu.memory_space<semaphore_mem>>
        %dma_start3A_198 = arith.constant 0 : i32
        %dma_start3A_199 = tpu.memref_slice %arg7[%run_scoped3A_152, %dma_start3A_198] : memref<2x112xi32, #tpu.memory_space<vmem>> -> memref<1x112xi32, #tpu.memory_space<vmem>>
        %dma_start3A_200 = tpu.memref_squeeze %dma_start3A_199 : memref<1x112xi32, #tpu.memory_space<vmem>> -> memref<112xi32, #tpu.memory_space<vmem>>
        %dma_start3A_201 = arith.constant 0 : i32
        %dma_start3A_202 = arith.constant 0 : i32
        %dma_start3A_203 = tpu.memref_slice %arg5[%dma_start3A_201, %dma_start3A_202] : memref<10008x128xf32, #tpu.memory_space<vmem_shared>> -> memref<10008x128xf32, #tpu.memory_space<vmem_shared>>
        tpu.enqueue_indirect_dma source(%arg11 : memref<112x128xf32, #tpu.memory_space<vmem>>) target(%dma_start3A_203 : memref<10008x128xf32, #tpu.memory_space<vmem_shared>>) offsets(%dma_start3A_200 : memref<112xi32, #tpu.memory_space<vmem>>) semaphore(%run_scoped3A_197 : memref<!tpu.dma_semaphore, #tpu.memory_space<semaphore_mem>>) {add = true}
        %dma_wait3A_204 = arith.constant 0 : i32
        %dma_wait3A_205 = tpu.memref_slice %arg7[%run_scoped3A_152, %dma_wait3A_204] : memref<2x112xi32, #tpu.memory_space<vmem>> -> memref<1x112xi32, #tpu.memory_space<vmem>>
        %dma_wait3A_206 = tpu.memref_squeeze %dma_wait3A_205 : memref<1x112xi32, #tpu.memory_space<vmem>> -> memref<112xi32, #tpu.memory_space<vmem>>
        %dma_wait3A_207 = arith.constant 0 : i32
        %dma_wait3A_208 = arith.constant 0 : i32
        %dma_wait3A_209 = tpu.memref_slice %arg5[%dma_wait3A_207, %dma_wait3A_208] : memref<10008x128xf32, #tpu.memory_space<vmem_shared>> -> memref<10008x128xf32, #tpu.memory_space<vmem_shared>>
        tpu.wait_indirect_dma semaphore(%run_scoped3A_197 : memref<!tpu.dma_semaphore, #tpu.memory_space<semaphore_mem>>) src(%arg11 : memref<112x128xf32, #tpu.memory_space<vmem>>) dst(%dma_wait3A_209 : memref<10008x128xf32, #tpu.memory_space<vmem_shared>>)
        tpu.yield
      }) : () -> ()
      %add3A_153 = arith.constant 2 : i32
      %add3A_154 = arith.addi %add3A_110, %add3A_153 : i32
      %dma_wait3A_155 = arith.constant 0 : i32
      %dma_wait3A_156 = arith.constant 0 : i32
      %dma_wait3A_157 = tpu.memref_slice %arg8[%dma_wait3A_155, %dma_wait3A_156] : memref<2x112xi32, #tpu.memory_space<vmem>> -> memref<1x112xi32, #tpu.memory_space<vmem>>
      %dma_wait3A_158 = tpu.memref_squeeze %dma_wait3A_157 : memref<1x112xi32, #tpu.memory_space<vmem>> -> memref<112xi32, #tpu.memory_space<vmem>>
      %dma_wait3A_159 = arith.constant 0 : i32
      %dma_wait3A_160 = arith.constant 0 : i32
      %dma_wait3A_161 = tpu.memref_slice %arg3[%dma_wait3A_159, %dma_wait3A_160] : memref<10000x128xf32, #tpu.memory_space<hbm>> -> memref<10000x128xf32, #tpu.memory_space<hbm>>
      tpu.wait_indirect_dma semaphore(%arg16 : memref<!tpu.dma_semaphore, #tpu.memory_space<semaphore_mem>>) src(%dma_wait3A_161 : memref<10000x128xf32, #tpu.memory_space<hbm>>) dst(%arg10 : memref<112x128xf32, #tpu.memory_space<vmem>>)
      %add3A_162 = arith.constant 1 : i32
      %add3A_163 = arith.addi %add3A_154, %add3A_162 : i32
      %lt3A_164 = arith.cmpi slt, %add3A_163, %select_n3A : i32
      %convert_element_type3A_165 = arith.extui %lt3A_164 : i1 to i32
      %cond3A_166 = arith.constant 0 : i32
      %cond3A_167 = arith.cmpi ne, %convert_element_type3A_165, %cond3A_166 : i32
      scf.if %cond3A_167 {
        %add3A_197 = arith.constant 1 : i32
        %add3A_198 = arith.addi %add3A_154, %add3A_197 : i32
        %add3A_199 = arith.addi %select_n3A_13, %add3A_198 : i32
        %dma_wait3A_200 = arith.constant 0 : i32
        %dma_wait3A_201 = arith.constant 0 : i32
        %dma_wait3A_202 = tpu.memref_slice %arg2[%add3A_199, %dma_wait3A_200, %dma_wait3A_201] : memref<2880x2x112xi32, #tpu.memory_space<hbm>> -> memref<1x2x112xi32, #tpu.memory_space<hbm>>
        %dma_wait3A_203 = tpu.memref_squeeze %dma_wait3A_202 : memref<1x2x112xi32, #tpu.memory_space<hbm>> -> memref<2x112xi32, #tpu.memory_space<hbm>>
        %dma_wait3A_204 = arith.constant 0 : i32
        %dma_wait3A_205 = arith.constant 0 : i32
        %dma_wait3A_206 = tpu.memref_slice %arg2[%add3A_199, %dma_wait3A_204, %dma_wait3A_205] : memref<2880x2x112xi32, #tpu.memory_space<hbm>> -> memref<1x2x112xi32, #tpu.memory_space<hbm>>
        %dma_wait3A_207 = tpu.memref_squeeze %dma_wait3A_206 : memref<1x2x112xi32, #tpu.memory_space<hbm>> -> memref<2x112xi32, #tpu.memory_space<hbm>>
        tpu.wait_dma2 semaphore(%arg15 : memref<!tpu.dma_semaphore, #tpu.memory_space<semaphore_mem>>) src(%dma_wait3A_207 : memref<2x112xi32, #tpu.memory_space<hbm>>) dst(%arg9 : memref<2x112xi32, #tpu.memory_space<vmem>>)
        %dma_start3A_208 = arith.constant 0 : i32
        %dma_start3A_209 = arith.constant 0 : i32
        %dma_start3A_210 = tpu.memref_slice %arg9[%dma_start3A_208, %dma_start3A_209] : memref<2x112xi32, #tpu.memory_space<vmem>> -> memref<1x112xi32, #tpu.memory_space<vmem>>
        %dma_start3A_211 = tpu.memref_squeeze %dma_start3A_210 : memref<1x112xi32, #tpu.memory_space<vmem>> -> memref<112xi32, #tpu.memory_space<vmem>>
        %dma_start3A_212 = arith.constant 0 : i32
        %dma_start3A_213 = arith.constant 0 : i32
        %dma_start3A_214 = tpu.memref_slice %arg3[%dma_start3A_212, %dma_start3A_213] : memref<10000x128xf32, #tpu.memory_space<hbm>> -> memref<10000x128xf32, #tpu.memory_space<hbm>>
        tpu.enqueue_indirect_dma source(%dma_start3A_214 : memref<10000x128xf32, #tpu.memory_space<hbm>>) target(%arg11 : memref<112x128xf32, #tpu.memory_space<vmem>>) offsets(%dma_start3A_211 : memref<112xi32, #tpu.memory_space<vmem>>) semaphore(%arg17 : memref<!tpu.dma_semaphore, #tpu.memory_space<semaphore_mem>>)
      } else {
      }
      %add3A_168 = arith.constant 3 : i32
      %add3A_169 = arith.addi %add3A_154, %add3A_168 : i32
      %lt3A_170 = arith.cmpi slt, %add3A_169, %select_n3A : i32
      %convert_element_type3A_171 = arith.extui %lt3A_170 : i1 to i32
      %cond3A_172 = arith.constant 0 : i32
      %cond3A_173 = arith.cmpi ne, %convert_element_type3A_171, %cond3A_172 : i32
      scf.if %cond3A_173 {
        %add3A_197 = arith.constant 3 : i32
        %add3A_198 = arith.addi %add3A_154, %add3A_197 : i32
        %add3A_199 = arith.addi %select_n3A_13, %add3A_198 : i32
        %dma_start3A_200 = arith.constant 0 : i32
        %dma_start3A_201 = arith.constant 0 : i32
        %dma_start3A_202 = tpu.memref_slice %arg2[%add3A_199, %dma_start3A_200, %dma_start3A_201] : memref<2880x2x112xi32, #tpu.memory_space<hbm>> -> memref<1x2x112xi32, #tpu.memory_space<hbm>>
        %dma_start3A_203 = tpu.memref_squeeze %dma_start3A_202 : memref<1x2x112xi32, #tpu.memory_space<hbm>> -> memref<2x112xi32, #tpu.memory_space<hbm>>
        %dma_start3A_204 = arith.constant 0 : i32
        %dma_start3A_205 = arith.constant 0 : i32
        %dma_start3A_206 = tpu.memref_slice %arg2[%add3A_199, %dma_start3A_204, %dma_start3A_205] : memref<2880x2x112xi32, #tpu.memory_space<hbm>> -> memref<1x2x112xi32, #tpu.memory_space<hbm>>
        %dma_start3A_207 = tpu.memref_squeeze %dma_start3A_206 : memref<1x2x112xi32, #tpu.memory_space<hbm>> -> memref<2x112xi32, #tpu.memory_space<hbm>>
        tpu.enqueue_dma source(%dma_start3A_207 : memref<2x112xi32, #tpu.memory_space<hbm>>) target(%arg7 : memref<2x112xi32, #tpu.memory_space<vmem>>) target_semaphore(%arg13 : memref<!tpu.dma_semaphore, #tpu.memory_space<semaphore_mem>>)
      } else {
      }
      %run_scoped3A_174 = arith.constant 1 : i32
      "tpu.region"() ({
        %run_scoped3A_197 = tpu.sem_alloc : memref<!tpu.dma_semaphore, #tpu.memory_space<semaphore_mem>>
        %dma_start3A_198 = arith.constant 0 : i32
        %dma_start3A_199 = tpu.memref_slice %arg8[%run_scoped3A_174, %dma_start3A_198] : memref<2x112xi32, #tpu.memory_space<vmem>> -> memref<1x112xi32, #tpu.memory_space<vmem>>
        %dma_start3A_200 = tpu.memref_squeeze %dma_start3A_199 : memref<1x112xi32, #tpu.memory_space<vmem>> -> memref<112xi32, #tpu.memory_space<vmem>>
        %dma_start3A_201 = arith.constant 0 : i32
        %dma_start3A_202 = arith.constant 0 : i32
        %dma_start3A_203 = tpu.memref_slice %arg5[%dma_start3A_201, %dma_start3A_202] : memref<10008x128xf32, #tpu.memory_space<vmem_shared>> -> memref<10008x128xf32, #tpu.memory_space<vmem_shared>>
        tpu.enqueue_indirect_dma source(%arg10 : memref<112x128xf32, #tpu.memory_space<vmem>>) target(%dma_start3A_203 : memref<10008x128xf32, #tpu.memory_space<vmem_shared>>) offsets(%dma_start3A_200 : memref<112xi32, #tpu.memory_space<vmem>>) semaphore(%run_scoped3A_197 : memref<!tpu.dma_semaphore, #tpu.memory_space<semaphore_mem>>) {add = true}
        %dma_wait3A_204 = arith.constant 0 : i32
        %dma_wait3A_205 = tpu.memref_slice %arg8[%run_scoped3A_174, %dma_wait3A_204] : memref<2x112xi32, #tpu.memory_space<vmem>> -> memref<1x112xi32, #tpu.memory_space<vmem>>
        %dma_wait3A_206 = tpu.memref_squeeze %dma_wait3A_205 : memref<1x112xi32, #tpu.memory_space<vmem>> -> memref<112xi32, #tpu.memory_space<vmem>>
        %dma_wait3A_207 = arith.constant 0 : i32
        %dma_wait3A_208 = arith.constant 0 : i32
        %dma_wait3A_209 = tpu.memref_slice %arg5[%dma_wait3A_207, %dma_wait3A_208] : memref<10008x128xf32, #tpu.memory_space<vmem_shared>> -> memref<10008x128xf32, #tpu.memory_space<vmem_shared>>
        tpu.wait_indirect_dma semaphore(%run_scoped3A_197 : memref<!tpu.dma_semaphore, #tpu.memory_space<semaphore_mem>>) src(%arg10 : memref<112x128xf32, #tpu.memory_space<vmem>>) dst(%dma_wait3A_209 : memref<10008x128xf32, #tpu.memory_space<vmem_shared>>)
        tpu.yield
      }) : () -> ()
      %add3A_175 = arith.constant 3 : i32
      %add3A_176 = arith.addi %add3A_110, %add3A_175 : i32
      %dma_wait3A_177 = arith.constant 0 : i32
      %dma_wait3A_178 = arith.constant 0 : i32
      %dma_wait3A_179 = tpu.memref_slice %arg9[%dma_wait3A_177, %dma_wait3A_178] : memref<2x112xi32, #tpu.memory_space<vmem>> -> memref<1x112xi32, #tpu.memory_space<vmem>>
      %dma_wait3A_180 = tpu.memref_squeeze %dma_wait3A_179 : memref<1x112xi32, #tpu.memory_space<vmem>> -> memref<112xi32, #tpu.memory_space<vmem>>
      %dma_wait3A_181 = arith.constant 0 : i32
      %dma_wait3A_182 = arith.constant 0 : i32
      %dma_wait3A_183 = tpu.memref_slice %arg3[%dma_wait3A_181, %dma_wait3A_182] : memref<10000x128xf32, #tpu.memory_space<hbm>> -> memref<10000x128xf32, #tpu.memory_space<hbm>>
      tpu.wait_indirect_dma semaphore(%arg17 : memref<!tpu.dma_semaphore, #tpu.memory_space<semaphore_mem>>) src(%dma_wait3A_183 : memref<10000x128xf32, #tpu.memory_space<hbm>>) dst(%arg11 : memref<112x128xf32, #tpu.memory_space<vmem>>)
      %add3A_184 = arith.constant 1 : i32
      %add3A_185 = arith.addi %add3A_176, %add3A_184 : i32
      %lt3A_186 = arith.cmpi slt, %add3A_185, %select_n3A : i32
      %convert_element_type3A_187 = arith.extui %lt3A_186 : i1 to i32
      %cond3A_188 = arith.constant 0 : i32
      %cond3A_189 = arith.cmpi ne, %convert_element_type3A_187, %cond3A_188 : i32
      scf.if %cond3A_189 {
        %add3A_197 = arith.constant 1 : i32
        %add3A_198 = arith.addi %add3A_176, %add3A_197 : i32
        %add3A_199 = arith.addi %select_n3A_13, %add3A_198 : i32
        %dma_wait3A_200 = arith.constant 0 : i32
        %dma_wait3A_201 = arith.constant 0 : i32
        %dma_wait3A_202 = tpu.memref_slice %arg2[%add3A_199, %dma_wait3A_200, %dma_wait3A_201] : memref<2880x2x112xi32, #tpu.memory_space<hbm>> -> memref<1x2x112xi32, #tpu.memory_space<hbm>>
        %dma_wait3A_203 = tpu.memref_squeeze %dma_wait3A_202 : memref<1x2x112xi32, #tpu.memory_space<hbm>> -> memref<2x112xi32, #tpu.memory_space<hbm>>
        %dma_wait3A_204 = arith.constant 0 : i32
        %dma_wait3A_205 = arith.constant 0 : i32
        %dma_wait3A_206 = tpu.memref_slice %arg2[%add3A_199, %dma_wait3A_204, %dma_wait3A_205] : memref<2880x2x112xi32, #tpu.memory_space<hbm>> -> memref<1x2x112xi32, #tpu.memory_space<hbm>>
        %dma_wait3A_207 = tpu.memref_squeeze %dma_wait3A_206 : memref<1x2x112xi32, #tpu.memory_space<hbm>> -> memref<2x112xi32, #tpu.memory_space<hbm>>
        tpu.wait_dma2 semaphore(%arg12 : memref<!tpu.dma_semaphore, #tpu.memory_space<semaphore_mem>>) src(%dma_wait3A_207 : memref<2x112xi32, #tpu.memory_space<hbm>>) dst(%arg6 : memref<2x112xi32, #tpu.memory_space<vmem>>)
        %dma_start3A_208 = arith.constant 0 : i32
        %dma_start3A_209 = arith.constant 0 : i32
        %dma_start3A_210 = tpu.memref_slice %arg6[%dma_start3A_208, %dma_start3A_209] : memref<2x112xi32, #tpu.memory_space<vmem>> -> memref<1x112xi32, #tpu.memory_space<vmem>>
        %dma_start3A_211 = tpu.memref_squeeze %dma_start3A_210 : memref<1x112xi32, #tpu.memory_space<vmem>> -> memref<112xi32, #tpu.memory_space<vmem>>
        %dma_start3A_212 = arith.constant 0 : i32
        %dma_start3A_213 = arith.constant 0 : i32
        %dma_start3A_214 = tpu.memref_slice %arg3[%dma_start3A_212, %dma_start3A_213] : memref<10000x128xf32, #tpu.memory_space<hbm>> -> memref<10000x128xf32, #tpu.memory_space<hbm>>
        tpu.enqueue_indirect_dma source(%dma_start3A_214 : memref<10000x128xf32, #tpu.memory_space<hbm>>) target(%arg10 : memref<112x128xf32, #tpu.memory_space<vmem>>) offsets(%dma_start3A_211 : memref<112xi32, #tpu.memory_space<vmem>>) semaphore(%arg16 : memref<!tpu.dma_semaphore, #tpu.memory_space<semaphore_mem>>)
      } else {
      }
      %add3A_190 = arith.constant 3 : i32
      %add3A_191 = arith.addi %add3A_176, %add3A_190 : i32
      %lt3A_192 = arith.cmpi slt, %add3A_191, %select_n3A : i32
      %convert_element_type3A_193 = arith.extui %lt3A_192 : i1 to i32
      %cond3A_194 = arith.constant 0 : i32
      %cond3A_195 = arith.cmpi ne, %convert_element_type3A_193, %cond3A_194 : i32
      scf.if %cond3A_195 {
        %add3A_197 = arith.constant 3 : i32
        %add3A_198 = arith.addi %add3A_176, %add3A_197 : i32
        %add3A_199 = arith.addi %select_n3A_13, %add3A_198 : i32
        %dma_start3A_200 = arith.constant 0 : i32
        %dma_start3A_201 = arith.constant 0 : i32
        %dma_start3A_202 = tpu.memref_slice %arg2[%add3A_199, %dma_start3A_200, %dma_start3A_201] : memref<2880x2x112xi32, #tpu.memory_space<hbm>> -> memref<1x2x112xi32, #tpu.memory_space<hbm>>
        %dma_start3A_203 = tpu.memref_squeeze %dma_start3A_202 : memref<1x2x112xi32, #tpu.memory_space<hbm>> -> memref<2x112xi32, #tpu.memory_space<hbm>>
        %dma_start3A_204 = arith.constant 0 : i32
        %dma_start3A_205 = arith.constant 0 : i32
        %dma_start3A_206 = tpu.memref_slice %arg2[%add3A_199, %dma_start3A_204, %dma_start3A_205] : memref<2880x2x112xi32, #tpu.memory_space<hbm>> -> memref<1x2x112xi32, #tpu.memory_space<hbm>>
        %dma_start3A_207 = tpu.memref_squeeze %dma_start3A_206 : memref<1x2x112xi32, #tpu.memory_space<hbm>> -> memref<2x112xi32, #tpu.memory_space<hbm>>
        tpu.enqueue_dma source(%dma_start3A_207 : memref<2x112xi32, #tpu.memory_space<hbm>>) target(%arg8 : memref<2x112xi32, #tpu.memory_space<vmem>>) target_semaphore(%arg14 : memref<!tpu.dma_semaphore, #tpu.memory_space<semaphore_mem>>)
      } else {
      }
      %run_scoped3A_196 = arith.constant 1 : i32
      "tpu.region"() ({
        %run_scoped3A_197 = tpu.sem_alloc : memref<!tpu.dma_semaphore, #tpu.memory_space<semaphore_mem>>
        %dma_start3A_198 = arith.constant 0 : i32
        %dma_start3A_199 = tpu.memref_slice %arg9[%run_scoped3A_196, %dma_start3A_198] : memref<2x112xi32, #tpu.memory_space<vmem>> -> memref<1x112xi32, #tpu.memory_space<vmem>>
        %dma_start3A_200 = tpu.memref_squeeze %dma_start3A_199 : memref<1x112xi32, #tpu.memory_space<vmem>> -> memref<112xi32, #tpu.memory_space<vmem>>
        %dma_start3A_201 = arith.constant 0 : i32
        %dma_start3A_202 = arith.constant 0 : i32
        %dma_start3A_203 = tpu.memref_slice %arg5[%dma_start3A_201, %dma_start3A_202] : memref<10008x128xf32, #tpu.memory_space<vmem_shared>> -> memref<10008x128xf32, #tpu.memory_space<vmem_shared>>
        tpu.enqueue_indirect_dma source(%arg11 : memref<112x128xf32, #tpu.memory_space<vmem>>) target(%dma_start3A_203 : memref<10008x128xf32, #tpu.memory_space<vmem_shared>>) offsets(%dma_start3A_200 : memref<112xi32, #tpu.memory_space<vmem>>) semaphore(%run_scoped3A_197 : memref<!tpu.dma_semaphore, #tpu.memory_space<semaphore_mem>>) {add = true}
        %dma_wait3A_204 = arith.constant 0 : i32
        %dma_wait3A_205 = tpu.memref_slice %arg9[%run_scoped3A_196, %dma_wait3A_204] : memref<2x112xi32, #tpu.memory_space<vmem>> -> memref<1x112xi32, #tpu.memory_space<vmem>>
        %dma_wait3A_206 = tpu.memref_squeeze %dma_wait3A_205 : memref<1x112xi32, #tpu.memory_space<vmem>> -> memref<112xi32, #tpu.memory_space<vmem>>
        %dma_wait3A_207 = arith.constant 0 : i32
        %dma_wait3A_208 = arith.constant 0 : i32
        %dma_wait3A_209 = tpu.memref_slice %arg5[%dma_wait3A_207, %dma_wait3A_208] : memref<10008x128xf32, #tpu.memory_space<vmem_shared>> -> memref<10008x128xf32, #tpu.memory_space<vmem_shared>>
        tpu.wait_indirect_dma semaphore(%run_scoped3A_197 : memref<!tpu.dma_semaphore, #tpu.memory_space<semaphore_mem>>) src(%arg11 : memref<112x128xf32, #tpu.memory_space<vmem>>) dst(%dma_wait3A_209 : memref<10008x128xf32, #tpu.memory_space<vmem_shared>>)
        tpu.yield
      }) : () -> ()
    }
    %while3A_89 = arith.constant 1 : i32
    scf.for %while3A_108 = %while3A_87 to %while3A_83 step %while3A_89  : i32 {
      %mul3A_109 = arith.muli %while3A_108, %while3A : i32
      %add3A_110 = arith.addi %while3A_80, %mul3A_109 : i32
      %add3A_111 = arith.constant 0 : i32
      %add3A_112 = arith.addi %add3A_110, %add3A_111 : i32
      %dma_wait3A_113 = arith.constant 0 : i32
      %dma_wait3A_114 = arith.constant 0 : i32
      %dma_wait3A_115 = tpu.memref_slice %arg6[%dma_wait3A_113, %dma_wait3A_114] : memref<2x112xi32, #tpu.memory_space<vmem>> -> memref<1x112xi32, #tpu.memory_space<vmem>>
      %dma_wait3A_116 = tpu.memref_squeeze %dma_wait3A_115 : memref<1x112xi32, #tpu.memory_space<vmem>> -> memref<112xi32, #tpu.memory_space<vmem>>
      %dma_wait3A_117 = arith.constant 0 : i32
      %dma_wait3A_118 = arith.constant 0 : i32
      %dma_wait3A_119 = tpu.memref_slice %arg3[%dma_wait3A_117, %dma_wait3A_118] : memref<10000x128xf32, #tpu.memory_space<hbm>> -> memref<10000x128xf32, #tpu.memory_space<hbm>>
      tpu.wait_indirect_dma semaphore(%arg16 : memref<!tpu.dma_semaphore, #tpu.memory_space<semaphore_mem>>) src(%dma_wait3A_119 : memref<10000x128xf32, #tpu.memory_space<hbm>>) dst(%arg10 : memref<112x128xf32, #tpu.memory_space<vmem>>)
      %add3A_120 = arith.constant 1 : i32
      %add3A_121 = arith.addi %add3A_112, %add3A_120 : i32
      %lt3A = arith.cmpi slt, %add3A_121, %select_n3A : i32
      %convert_element_type3A_122 = arith.extui %lt3A : i1 to i32
      %cond3A_123 = arith.constant 0 : i32
      %cond3A_124 = arith.cmpi ne, %convert_element_type3A_122, %cond3A_123 : i32
      scf.if %cond3A_124 {
        %add3A_197 = arith.constant 1 : i32
        %add3A_198 = arith.addi %add3A_112, %add3A_197 : i32
        %add3A_199 = arith.addi %select_n3A_13, %add3A_198 : i32
        %dma_wait3A_200 = arith.constant 0 : i32
        %dma_wait3A_201 = arith.constant 0 : i32
        %dma_wait3A_202 = tpu.memref_slice %arg2[%add3A_199, %dma_wait3A_200, %dma_wait3A_201] : memref<2880x2x112xi32, #tpu.memory_space<hbm>> -> memref<1x2x112xi32, #tpu.memory_space<hbm>>
        %dma_wait3A_203 = tpu.memref_squeeze %dma_wait3A_202 : memref<1x2x112xi32, #tpu.memory_space<hbm>> -> memref<2x112xi32, #tpu.memory_space<hbm>>
        %dma_wait3A_204 = arith.constant 0 : i32
        %dma_wait3A_205 = arith.constant 0 : i32
        %dma_wait3A_206 = tpu.memref_slice %arg2[%add3A_199, %dma_wait3A_204, %dma_wait3A_205] : memref<2880x2x112xi32, #tpu.memory_space<hbm>> -> memref<1x2x112xi32, #tpu.memory_space<hbm>>
        %dma_wait3A_207 = tpu.memref_squeeze %dma_wait3A_206 : memref<1x2x112xi32, #tpu.memory_space<hbm>> -> memref<2x112xi32, #tpu.memory_space<hbm>>
        tpu.wait_dma2 semaphore(%arg13 : memref<!tpu.dma_semaphore, #tpu.memory_space<semaphore_mem>>) src(%dma_wait3A_207 : memref<2x112xi32, #tpu.memory_space<hbm>>) dst(%arg7 : memref<2x112xi32, #tpu.memory_space<vmem>>)
        %dma_start3A_208 = arith.constant 0 : i32
        %dma_start3A_209 = arith.constant 0 : i32
        %dma_start3A_210 = tpu.memref_slice %arg7[%dma_start3A_208, %dma_start3A_209] : memref<2x112xi32, #tpu.memory_space<vmem>> -> memref<1x112xi32, #tpu.memory_space<vmem>>
        %dma_start3A_211 = tpu.memref_squeeze %dma_start3A_210 : memref<1x112xi32, #tpu.memory_space<vmem>> -> memref<112xi32, #tpu.memory_space<vmem>>
        %dma_start3A_212 = arith.constant 0 : i32
        %dma_start3A_213 = arith.constant 0 : i32
        %dma_start3A_214 = tpu.memref_slice %arg3[%dma_start3A_212, %dma_start3A_213] : memref<10000x128xf32, #tpu.memory_space<hbm>> -> memref<10000x128xf32, #tpu.memory_space<hbm>>
        tpu.enqueue_indirect_dma source(%dma_start3A_214 : memref<10000x128xf32, #tpu.memory_space<hbm>>) target(%arg11 : memref<112x128xf32, #tpu.memory_space<vmem>>) offsets(%dma_start3A_211 : memref<112xi32, #tpu.memory_space<vmem>>) semaphore(%arg17 : memref<!tpu.dma_semaphore, #tpu.memory_space<semaphore_mem>>)
      } else {
      }
      %add3A_125 = arith.constant 3 : i32
      %add3A_126 = arith.addi %add3A_112, %add3A_125 : i32
      %lt3A_127 = arith.cmpi slt, %add3A_126, %select_n3A : i32
      %convert_element_type3A_128 = arith.extui %lt3A_127 : i1 to i32
      %cond3A_129 = arith.constant 0 : i32
      %cond3A_130 = arith.cmpi ne, %convert_element_type3A_128, %cond3A_129 : i32
      scf.if %cond3A_130 {
        %add3A_197 = arith.constant 3 : i32
        %add3A_198 = arith.addi %add3A_112, %add3A_197 : i32
        %add3A_199 = arith.addi %select_n3A_13, %add3A_198 : i32
        %dma_start3A_200 = arith.constant 0 : i32
        %dma_start3A_201 = arith.constant 0 : i32
        %dma_start3A_202 = tpu.memref_slice %arg2[%add3A_199, %dma_start3A_200, %dma_start3A_201] : memref<2880x2x112xi32, #tpu.memory_space<hbm>> -> memref<1x2x112xi32, #tpu.memory_space<hbm>>
        %dma_start3A_203 = tpu.memref_squeeze %dma_start3A_202 : memref<1x2x112xi32, #tpu.memory_space<hbm>> -> memref<2x112xi32, #tpu.memory_space<hbm>>
        %dma_start3A_204 = arith.constant 0 : i32
        %dma_start3A_205 = arith.constant 0 : i32
        %dma_start3A_206 = tpu.memref_slice %arg2[%add3A_199, %dma_start3A_204, %dma_start3A_205] : memref<2880x2x112xi32, #tpu.memory_space<hbm>> -> memref<1x2x112xi32, #tpu.memory_space<hbm>>
        %dma_start3A_207 = tpu.memref_squeeze %dma_start3A_206 : memref<1x2x112xi32, #tpu.memory_space<hbm>> -> memref<2x112xi32, #tpu.memory_space<hbm>>
        tpu.enqueue_dma source(%dma_start3A_207 : memref<2x112xi32, #tpu.memory_space<hbm>>) target(%arg9 : memref<2x112xi32, #tpu.memory_space<vmem>>) target_semaphore(%arg15 : memref<!tpu.dma_semaphore, #tpu.memory_space<semaphore_mem>>)
      } else {
      }
      %run_scoped3A = arith.constant 1 : i32
      "tpu.region"() ({
        %run_scoped3A_197 = tpu.sem_alloc : memref<!tpu.dma_semaphore, #tpu.memory_space<semaphore_mem>>
        %dma_start3A_198 = arith.constant 0 : i32
        %dma_start3A_199 = tpu.memref_slice %arg6[%run_scoped3A, %dma_start3A_198] : memref<2x112xi32, #tpu.memory_space<vmem>> -> memref<1x112xi32, #tpu.memory_space<vmem>>
        %dma_start3A_200 = tpu.memref_squeeze %dma_start3A_199 : memref<1x112xi32, #tpu.memory_space<vmem>> -> memref<112xi32, #tpu.memory_space<vmem>>
        %dma_start3A_201 = arith.constant 0 : i32
        %dma_start3A_202 = arith.constant 0 : i32
        %dma_start3A_203 = tpu.memref_slice %arg5[%dma_start3A_201, %dma_start3A_202] : memref<10008x128xf32, #tpu.memory_space<vmem_shared>> -> memref<10008x128xf32, #tpu.memory_space<vmem_shared>>
        tpu.enqueue_indirect_dma source(%arg10 : memref<112x128xf32, #tpu.memory_space<vmem>>) target(%dma_start3A_203 : memref<10008x128xf32, #tpu.memory_space<vmem_shared>>) offsets(%dma_start3A_200 : memref<112xi32, #tpu.memory_space<vmem>>) semaphore(%run_scoped3A_197 : memref<!tpu.dma_semaphore, #tpu.memory_space<semaphore_mem>>) {add = true}
        %dma_wait3A_204 = arith.constant 0 : i32
        %dma_wait3A_205 = tpu.memref_slice %arg6[%run_scoped3A, %dma_wait3A_204] : memref<2x112xi32, #tpu.memory_space<vmem>> -> memref<1x112xi32, #tpu.memory_space<vmem>>
        %dma_wait3A_206 = tpu.memref_squeeze %dma_wait3A_205 : memref<1x112xi32, #tpu.memory_space<vmem>> -> memref<112xi32, #tpu.memory_space<vmem>>
        %dma_wait3A_207 = arith.constant 0 : i32
        %dma_wait3A_208 = arith.constant 0 : i32
        %dma_wait3A_209 = tpu.memref_slice %arg5[%dma_wait3A_207, %dma_wait3A_208] : memref<10008x128xf32, #tpu.memory_space<vmem_shared>> -> memref<10008x128xf32, #tpu.memory_space<vmem_shared>>
        tpu.wait_indirect_dma semaphore(%run_scoped3A_197 : memref<!tpu.dma_semaphore, #tpu.memory_space<semaphore_mem>>) src(%arg10 : memref<112x128xf32, #tpu.memory_space<vmem>>) dst(%dma_wait3A_209 : memref<10008x128xf32, #tpu.memory_space<vmem_shared>>)
        tpu.yield
      }) : () -> ()
      %add3A_131 = arith.constant 1 : i32
      %add3A_132 = arith.addi %add3A_110, %add3A_131 : i32
      %dma_wait3A_133 = arith.constant 0 : i32
      %dma_wait3A_134 = arith.constant 0 : i32
      %dma_wait3A_135 = tpu.memref_slice %arg7[%dma_wait3A_133, %dma_wait3A_134] : memref<2x112xi32, #tpu.memory_space<vmem>> -> memref<1x112xi32, #tpu.memory_space<vmem>>
      %dma_wait3A_136 = tpu.memref_squeeze %dma_wait3A_135 : memref<1x112xi32, #tpu.memory_space<vmem>> -> memref<112xi32, #tpu.memory_space<vmem>>
      %dma_wait3A_137 = arith.constant 0 : i32
      %dma_wait3A_138 = arith.constant 0 : i32
      %dma_wait3A_139 = tpu.memref_slice %arg3[%dma_wait3A_137, %dma_wait3A_138] : memref<10000x128xf32, #tpu.memory_space<hbm>> -> memref<10000x128xf32, #tpu.memory_space<hbm>>
      tpu.wait_indirect_dma semaphore(%arg17 : memref<!tpu.dma_semaphore, #tpu.memory_space<semaphore_mem>>) src(%dma_wait3A_139 : memref<10000x128xf32, #tpu.memory_space<hbm>>) dst(%arg11 : memref<112x128xf32, #tpu.memory_space<vmem>>)
      %add3A_140 = arith.constant 1 : i32
      %add3A_141 = arith.addi %add3A_132, %add3A_140 : i32
      %lt3A_142 = arith.cmpi slt, %add3A_141, %select_n3A : i32
      %convert_element_type3A_143 = arith.extui %lt3A_142 : i1 to i32
      %cond3A_144 = arith.constant 0 : i32
      %cond3A_145 = arith.cmpi ne, %convert_element_type3A_143, %cond3A_144 : i32
      scf.if %cond3A_145 {
        %add3A_197 = arith.constant 1 : i32
        %add3A_198 = arith.addi %add3A_132, %add3A_197 : i32
        %add3A_199 = arith.addi %select_n3A_13, %add3A_198 : i32
        %dma_wait3A_200 = arith.constant 0 : i32
        %dma_wait3A_201 = arith.constant 0 : i32
        %dma_wait3A_202 = tpu.memref_slice %arg2[%add3A_199, %dma_wait3A_200, %dma_wait3A_201] : memref<2880x2x112xi32, #tpu.memory_space<hbm>> -> memref<1x2x112xi32, #tpu.memory_space<hbm>>
        %dma_wait3A_203 = tpu.memref_squeeze %dma_wait3A_202 : memref<1x2x112xi32, #tpu.memory_space<hbm>> -> memref<2x112xi32, #tpu.memory_space<hbm>>
        %dma_wait3A_204 = arith.constant 0 : i32
        %dma_wait3A_205 = arith.constant 0 : i32
        %dma_wait3A_206 = tpu.memref_slice %arg2[%add3A_199, %dma_wait3A_204, %dma_wait3A_205] : memref<2880x2x112xi32, #tpu.memory_space<hbm>> -> memref<1x2x112xi32, #tpu.memory_space<hbm>>
        %dma_wait3A_207 = tpu.memref_squeeze %dma_wait3A_206 : memref<1x2x112xi32, #tpu.memory_space<hbm>> -> memref<2x112xi32, #tpu.memory_space<hbm>>
        tpu.wait_dma2 semaphore(%arg14 : memref<!tpu.dma_semaphore, #tpu.memory_space<semaphore_mem>>) src(%dma_wait3A_207 : memref<2x112xi32, #tpu.memory_space<hbm>>) dst(%arg8 : memref<2x112xi32, #tpu.memory_space<vmem>>)
        %dma_start3A_208 = arith.constant 0 : i32
        %dma_start3A_209 = arith.constant 0 : i32
        %dma_start3A_210 = tpu.memref_slice %arg8[%dma_start3A_208, %dma_start3A_209] : memref<2x112xi32, #tpu.memory_space<vmem>> -> memref<1x112xi32, #tpu.memory_space<vmem>>
        %dma_start3A_211 = tpu.memref_squeeze %dma_start3A_210 : memref<1x112xi32, #tpu.memory_space<vmem>> -> memref<112xi32, #tpu.memory_space<vmem>>
        %dma_start3A_212 = arith.constant 0 : i32
        %dma_start3A_213 = arith.constant 0 : i32
        %dma_start3A_214 = tpu.memref_slice %arg3[%dma_start3A_212, %dma_start3A_213] : memref<10000x128xf32, #tpu.memory_space<hbm>> -> memref<10000x128xf32, #tpu.memory_space<hbm>>
        tpu.enqueue_indirect_dma source(%dma_start3A_214 : memref<10000x128xf32, #tpu.memory_space<hbm>>) target(%arg10 : memref<112x128xf32, #tpu.memory_space<vmem>>) offsets(%dma_start3A_211 : memref<112xi32, #tpu.memory_space<vmem>>) semaphore(%arg16 : memref<!tpu.dma_semaphore, #tpu.memory_space<semaphore_mem>>)
      } else {
      }
      %add3A_146 = arith.constant 3 : i32
      %add3A_147 = arith.addi %add3A_132, %add3A_146 : i32
      %lt3A_148 = arith.cmpi slt, %add3A_147, %select_n3A : i32
      %convert_element_type3A_149 = arith.extui %lt3A_148 : i1 to i32
      %cond3A_150 = arith.constant 0 : i32
      %cond3A_151 = arith.cmpi ne, %convert_element_type3A_149, %cond3A_150 : i32
      scf.if %cond3A_151 {
        %add3A_197 = arith.constant 3 : i32
        %add3A_198 = arith.addi %add3A_132, %add3A_197 : i32
        %add3A_199 = arith.addi %select_n3A_13, %add3A_198 : i32
        %dma_start3A_200 = arith.constant 0 : i32
        %dma_start3A_201 = arith.constant 0 : i32
        %dma_start3A_202 = tpu.memref_slice %arg2[%add3A_199, %dma_start3A_200, %dma_start3A_201] : memref<2880x2x112xi32, #tpu.memory_space<hbm>> -> memref<1x2x112xi32, #tpu.memory_space<hbm>>
        %dma_start3A_203 = tpu.memref_squeeze %dma_start3A_202 : memref<1x2x112xi32, #tpu.memory_space<hbm>> -> memref<2x112xi32, #tpu.memory_space<hbm>>
        %dma_start3A_204 = arith.constant 0 : i32
        %dma_start3A_205 = arith.constant 0 : i32
        %dma_start3A_206 = tpu.memref_slice %arg2[%add3A_199, %dma_start3A_204, %dma_start3A_205] : memref<2880x2x112xi32, #tpu.memory_space<hbm>> -> memref<1x2x112xi32, #tpu.memory_space<hbm>>
        %dma_start3A_207 = tpu.memref_squeeze %dma_start3A_206 : memref<1x2x112xi32, #tpu.memory_space<hbm>> -> memref<2x112xi32, #tpu.memory_space<hbm>>
        tpu.enqueue_dma source(%dma_start3A_207 : memref<2x112xi32, #tpu.memory_space<hbm>>) target(%arg6 : memref<2x112xi32, #tpu.memory_space<vmem>>) target_semaphore(%arg12 : memref<!tpu.dma_semaphore, #tpu.memory_space<semaphore_mem>>)
      } else {
      }
      %run_scoped3A_152 = arith.constant 1 : i32
      "tpu.region"() ({
        %run_scoped3A_197 = tpu.sem_alloc : memref<!tpu.dma_semaphore, #tpu.memory_space<semaphore_mem>>
        %dma_start3A_198 = arith.constant 0 : i32
        %dma_start3A_199 = tpu.memref_slice %arg7[%run_scoped3A_152, %dma_start3A_198] : memref<2x112xi32, #tpu.memory_space<vmem>> -> memref<1x112xi32, #tpu.memory_space<vmem>>
        %dma_start3A_200 = tpu.memref_squeeze %dma_start3A_199 : memref<1x112xi32, #tpu.memory_space<vmem>> -> memref<112xi32, #tpu.memory_space<vmem>>
        %dma_start3A_201 = arith.constant 0 : i32
        %dma_start3A_202 = arith.constant 0 : i32
        %dma_start3A_203 = tpu.memref_slice %arg5[%dma_start3A_201, %dma_start3A_202] : memref<10008x128xf32, #tpu.memory_space<vmem_shared>> -> memref<10008x128xf32, #tpu.memory_space<vmem_shared>>
        tpu.enqueue_indirect_dma source(%arg11 : memref<112x128xf32, #tpu.memory_space<vmem>>) target(%dma_start3A_203 : memref<10008x128xf32, #tpu.memory_space<vmem_shared>>) offsets(%dma_start3A_200 : memref<112xi32, #tpu.memory_space<vmem>>) semaphore(%run_scoped3A_197 : memref<!tpu.dma_semaphore, #tpu.memory_space<semaphore_mem>>) {add = true}
        %dma_wait3A_204 = arith.constant 0 : i32
        %dma_wait3A_205 = tpu.memref_slice %arg7[%run_scoped3A_152, %dma_wait3A_204] : memref<2x112xi32, #tpu.memory_space<vmem>> -> memref<1x112xi32, #tpu.memory_space<vmem>>
        %dma_wait3A_206 = tpu.memref_squeeze %dma_wait3A_205 : memref<1x112xi32, #tpu.memory_space<vmem>> -> memref<112xi32, #tpu.memory_space<vmem>>
        %dma_wait3A_207 = arith.constant 0 : i32
        %dma_wait3A_208 = arith.constant 0 : i32
        %dma_wait3A_209 = tpu.memref_slice %arg5[%dma_wait3A_207, %dma_wait3A_208] : memref<10008x128xf32, #tpu.memory_space<vmem_shared>> -> memref<10008x128xf32, #tpu.memory_space<vmem_shared>>
        tpu.wait_indirect_dma semaphore(%run_scoped3A_197 : memref<!tpu.dma_semaphore, #tpu.memory_space<semaphore_mem>>) src(%arg11 : memref<112x128xf32, #tpu.memory_space<vmem>>) dst(%dma_wait3A_209 : memref<10008x128xf32, #tpu.memory_space<vmem_shared>>)
        tpu.yield
      }) : () -> ()
      %add3A_153 = arith.constant 2 : i32
      %add3A_154 = arith.addi %add3A_110, %add3A_153 : i32
      %dma_wait3A_155 = arith.constant 0 : i32
      %dma_wait3A_156 = arith.constant 0 : i32
      %dma_wait3A_157 = tpu.memref_slice %arg8[%dma_wait3A_155, %dma_wait3A_156] : memref<2x112xi32, #tpu.memory_space<vmem>> -> memref<1x112xi32, #tpu.memory_space<vmem>>
      %dma_wait3A_158 = tpu.memref_squeeze %dma_wait3A_157 : memref<1x112xi32, #tpu.memory_space<vmem>> -> memref<112xi32, #tpu.memory_space<vmem>>
      %dma_wait3A_159 = arith.constant 0 : i32
      %dma_wait3A_160 = arith.constant 0 : i32
      %dma_wait3A_161 = tpu.memref_slice %arg3[%dma_wait3A_159, %dma_wait3A_160] : memref<10000x128xf32, #tpu.memory_space<hbm>> -> memref<10000x128xf32, #tpu.memory_space<hbm>>
      tpu.wait_indirect_dma semaphore(%arg16 : memref<!tpu.dma_semaphore, #tpu.memory_space<semaphore_mem>>) src(%dma_wait3A_161 : memref<10000x128xf32, #tpu.memory_space<hbm>>) dst(%arg10 : memref<112x128xf32, #tpu.memory_space<vmem>>)
      %add3A_162 = arith.constant 1 : i32
      %add3A_163 = arith.addi %add3A_154, %add3A_162 : i32
      %lt3A_164 = arith.cmpi slt, %add3A_163, %select_n3A : i32
      %convert_element_type3A_165 = arith.extui %lt3A_164 : i1 to i32
      %cond3A_166 = arith.constant 0 : i32
      %cond3A_167 = arith.cmpi ne, %convert_element_type3A_165, %cond3A_166 : i32
      scf.if %cond3A_167 {
        %add3A_197 = arith.constant 1 : i32
        %add3A_198 = arith.addi %add3A_154, %add3A_197 : i32
        %add3A_199 = arith.addi %select_n3A_13, %add3A_198 : i32
        %dma_wait3A_200 = arith.constant 0 : i32
        %dma_wait3A_201 = arith.constant 0 : i32
        %dma_wait3A_202 = tpu.memref_slice %arg2[%add3A_199, %dma_wait3A_200, %dma_wait3A_201] : memref<2880x2x112xi32, #tpu.memory_space<hbm>> -> memref<1x2x112xi32, #tpu.memory_space<hbm>>
        %dma_wait3A_203 = tpu.memref_squeeze %dma_wait3A_202 : memref<1x2x112xi32, #tpu.memory_space<hbm>> -> memref<2x112xi32, #tpu.memory_space<hbm>>
        %dma_wait3A_204 = arith.constant 0 : i32
        %dma_wait3A_205 = arith.constant 0 : i32
        %dma_wait3A_206 = tpu.memref_slice %arg2[%add3A_199, %dma_wait3A_204, %dma_wait3A_205] : memref<2880x2x112xi32, #tpu.memory_space<hbm>> -> memref<1x2x112xi32, #tpu.memory_space<hbm>>
        %dma_wait3A_207 = tpu.memref_squeeze %dma_wait3A_206 : memref<1x2x112xi32, #tpu.memory_space<hbm>> -> memref<2x112xi32, #tpu.memory_space<hbm>>
        tpu.wait_dma2 semaphore(%arg15 : memref<!tpu.dma_semaphore, #tpu.memory_space<semaphore_mem>>) src(%dma_wait3A_207 : memref<2x112xi32, #tpu.memory_space<hbm>>) dst(%arg9 : memref<2x112xi32, #tpu.memory_space<vmem>>)
        %dma_start3A_208 = arith.constant 0 : i32
        %dma_start3A_209 = arith.constant 0 : i32
        %dma_start3A_210 = tpu.memref_slice %arg9[%dma_start3A_208, %dma_start3A_209] : memref<2x112xi32, #tpu.memory_space<vmem>> -> memref<1x112xi32, #tpu.memory_space<vmem>>
        %dma_start3A_211 = tpu.memref_squeeze %dma_start3A_210 : memref<1x112xi32, #tpu.memory_space<vmem>> -> memref<112xi32, #tpu.memory_space<vmem>>
        %dma_start3A_212 = arith.constant 0 : i32
        %dma_start3A_213 = arith.constant 0 : i32
        %dma_start3A_214 = tpu.memref_slice %arg3[%dma_start3A_212, %dma_start3A_213] : memref<10000x128xf32, #tpu.memory_space<hbm>> -> memref<10000x128xf32, #tpu.memory_space<hbm>>
        tpu.enqueue_indirect_dma source(%dma_start3A_214 : memref<10000x128xf32, #tpu.memory_space<hbm>>) target(%arg11 : memref<112x128xf32, #tpu.memory_space<vmem>>) offsets(%dma_start3A_211 : memref<112xi32, #tpu.memory_space<vmem>>) semaphore(%arg17 : memref<!tpu.dma_semaphore, #tpu.memory_space<semaphore_mem>>)
      } else {
      }
      %add3A_168 = arith.constant 3 : i32
      %add3A_169 = arith.addi %add3A_154, %add3A_168 : i32
      %lt3A_170 = arith.cmpi slt, %add3A_169, %select_n3A : i32
      %convert_element_type3A_171 = arith.extui %lt3A_170 : i1 to i32
      %cond3A_172 = arith.constant 0 : i32
      %cond3A_173 = arith.cmpi ne, %convert_element_type3A_171, %cond3A_172 : i32
      scf.if %cond3A_173 {
        %add3A_197 = arith.constant 3 : i32
        %add3A_198 = arith.addi %add3A_154, %add3A_197 : i32
        %add3A_199 = arith.addi %select_n3A_13, %add3A_198 : i32
        %dma_start3A_200 = arith.constant 0 : i32
        %dma_start3A_201 = arith.constant 0 : i32
        %dma_start3A_202 = tpu.memref_slice %arg2[%add3A_199, %dma_start3A_200, %dma_start3A_201] : memref<2880x2x112xi32, #tpu.memory_space<hbm>> -> memref<1x2x112xi32, #tpu.memory_space<hbm>>
        %dma_start3A_203 = tpu.memref_squeeze %dma_start3A_202 : memref<1x2x112xi32, #tpu.memory_space<hbm>> -> memref<2x112xi32, #tpu.memory_space<hbm>>
        %dma_start3A_204 = arith.constant 0 : i32
        %dma_start3A_205 = arith.constant 0 : i32
        %dma_start3A_206 = tpu.memref_slice %arg2[%add3A_199, %dma_start3A_204, %dma_start3A_205] : memref<2880x2x112xi32, #tpu.memory_space<hbm>> -> memref<1x2x112xi32, #tpu.memory_space<hbm>>
        %dma_start3A_207 = tpu.memref_squeeze %dma_start3A_206 : memref<1x2x112xi32, #tpu.memory_space<hbm>> -> memref<2x112xi32, #tpu.memory_space<hbm>>
        tpu.enqueue_dma source(%dma_start3A_207 : memref<2x112xi32, #tpu.memory_space<hbm>>) target(%arg7 : memref<2x112xi32, #tpu.memory_space<vmem>>) target_semaphore(%arg13 : memref<!tpu.dma_semaphore, #tpu.memory_space<semaphore_mem>>)
      } else {
      }
      %run_scoped3A_174 = arith.constant 1 : i32
      "tpu.region"() ({
        %run_scoped3A_197 = tpu.sem_alloc : memref<!tpu.dma_semaphore, #tpu.memory_space<semaphore_mem>>
        %dma_start3A_198 = arith.constant 0 : i32
        %dma_start3A_199 = tpu.memref_slice %arg8[%run_scoped3A_174, %dma_start3A_198] : memref<2x112xi32, #tpu.memory_space<vmem>> -> memref<1x112xi32, #tpu.memory_space<vmem>>
        %dma_start3A_200 = tpu.memref_squeeze %dma_start3A_199 : memref<1x112xi32, #tpu.memory_space<vmem>> -> memref<112xi32, #tpu.memory_space<vmem>>
        %dma_start3A_201 = arith.constant 0 : i32
        %dma_start3A_202 = arith.constant 0 : i32
        %dma_start3A_203 = tpu.memref_slice %arg5[%dma_start3A_201, %dma_start3A_202] : memref<10008x128xf32, #tpu.memory_space<vmem_shared>> -> memref<10008x128xf32, #tpu.memory_space<vmem_shared>>
        tpu.enqueue_indirect_dma source(%arg10 : memref<112x128xf32, #tpu.memory_space<vmem>>) target(%dma_start3A_203 : memref<10008x128xf32, #tpu.memory_space<vmem_shared>>) offsets(%dma_start3A_200 : memref<112xi32, #tpu.memory_space<vmem>>) semaphore(%run_scoped3A_197 : memref<!tpu.dma_semaphore, #tpu.memory_space<semaphore_mem>>) {add = true}
        %dma_wait3A_204 = arith.constant 0 : i32
        %dma_wait3A_205 = tpu.memref_slice %arg8[%run_scoped3A_174, %dma_wait3A_204] : memref<2x112xi32, #tpu.memory_space<vmem>> -> memref<1x112xi32, #tpu.memory_space<vmem>>
        %dma_wait3A_206 = tpu.memref_squeeze %dma_wait3A_205 : memref<1x112xi32, #tpu.memory_space<vmem>> -> memref<112xi32, #tpu.memory_space<vmem>>
        %dma_wait3A_207 = arith.constant 0 : i32
        %dma_wait3A_208 = arith.constant 0 : i32
        %dma_wait3A_209 = tpu.memref_slice %arg5[%dma_wait3A_207, %dma_wait3A_208] : memref<10008x128xf32, #tpu.memory_space<vmem_shared>> -> memref<10008x128xf32, #tpu.memory_space<vmem_shared>>
        tpu.wait_indirect_dma semaphore(%run_scoped3A_197 : memref<!tpu.dma_semaphore, #tpu.memory_space<semaphore_mem>>) src(%arg10 : memref<112x128xf32, #tpu.memory_space<vmem>>) dst(%dma_wait3A_209 : memref<10008x128xf32, #tpu.memory_space<vmem_shared>>)
        tpu.yield
      }) : () -> ()
      %add3A_175 = arith.constant 3 : i32
      %add3A_176 = arith.addi %add3A_110, %add3A_175 : i32
      %dma_wait3A_177 = arith.constant 0 : i32
      %dma_wait3A_178 = arith.constant 0 : i32
      %dma_wait3A_179 = tpu.memref_slice %arg9[%dma_wait3A_177, %dma_wait3A_178] : memref<2x112xi32, #tpu.memory_space<vmem>> -> memref<1x112xi32, #tpu.memory_space<vmem>>
      %dma_wait3A_180 = tpu.memref_squeeze %dma_wait3A_179 : memref<1x112xi32, #tpu.memory_space<vmem>> -> memref<112xi32, #tpu.memory_space<vmem>>
      %dma_wait3A_181 = arith.constant 0 : i32
      %dma_wait3A_182 = arith.constant 0 : i32
      %dma_wait3A_183 = tpu.memref_slice %arg3[%dma_wait3A_181, %dma_wait3A_182] : memref<10000x128xf32, #tpu.memory_space<hbm>> -> memref<10000x128xf32, #tpu.memory_space<hbm>>
      tpu.wait_indirect_dma semaphore(%arg17 : memref<!tpu.dma_semaphore, #tpu.memory_space<semaphore_mem>>) src(%dma_wait3A_183 : memref<10000x128xf32, #tpu.memory_space<hbm>>) dst(%arg11 : memref<112x128xf32, #tpu.memory_space<vmem>>)
      %add3A_184 = arith.constant 1 : i32
      %add3A_185 = arith.addi %add3A_176, %add3A_184 : i32
      %lt3A_186 = arith.cmpi slt, %add3A_185, %select_n3A : i32
      %convert_element_type3A_187 = arith.extui %lt3A_186 : i1 to i32
      %cond3A_188 = arith.constant 0 : i32
      %cond3A_189 = arith.cmpi ne, %convert_element_type3A_187, %cond3A_188 : i32
      scf.if %cond3A_189 {
        %add3A_197 = arith.constant 1 : i32
        %add3A_198 = arith.addi %add3A_176, %add3A_197 : i32
        %add3A_199 = arith.addi %select_n3A_13, %add3A_198 : i32
        %dma_wait3A_200 = arith.constant 0 : i32
        %dma_wait3A_201 = arith.constant 0 : i32
        %dma_wait3A_202 = tpu.memref_slice %arg2[%add3A_199, %dma_wait3A_200, %dma_wait3A_201] : memref<2880x2x112xi32, #tpu.memory_space<hbm>> -> memref<1x2x112xi32, #tpu.memory_space<hbm>>
        %dma_wait3A_203 = tpu.memref_squeeze %dma_wait3A_202 : memref<1x2x112xi32, #tpu.memory_space<hbm>> -> memref<2x112xi32, #tpu.memory_space<hbm>>
        %dma_wait3A_204 = arith.constant 0 : i32
        %dma_wait3A_205 = arith.constant 0 : i32
        %dma_wait3A_206 = tpu.memref_slice %arg2[%add3A_199, %dma_wait3A_204, %dma_wait3A_205] : memref<2880x2x112xi32, #tpu.memory_space<hbm>> -> memref<1x2x112xi32, #tpu.memory_space<hbm>>
        %dma_wait3A_207 = tpu.memref_squeeze %dma_wait3A_206 : memref<1x2x112xi32, #tpu.memory_space<hbm>> -> memref<2x112xi32, #tpu.memory_space<hbm>>
        tpu.wait_dma2 semaphore(%arg12 : memref<!tpu.dma_semaphore, #tpu.memory_space<semaphore_mem>>) src(%dma_wait3A_207 : memref<2x112xi32, #tpu.memory_space<hbm>>) dst(%arg6 : memref<2x112xi32, #tpu.memory_space<vmem>>)
        %dma_start3A_208 = arith.constant 0 : i32
        %dma_start3A_209 = arith.constant 0 : i32
        %dma_start3A_210 = tpu.memref_slice %arg6[%dma_start3A_208, %dma_start3A_209] : memref<2x112xi32, #tpu.memory_space<vmem>> -> memref<1x112xi32, #tpu.memory_space<vmem>>
        %dma_start3A_211 = tpu.memref_squeeze %dma_start3A_210 : memref<1x112xi32, #tpu.memory_space<vmem>> -> memref<112xi32, #tpu.memory_space<vmem>>
        %dma_start3A_212 = arith.constant 0 : i32
        %dma_start3A_213 = arith.constant 0 : i32
        %dma_start3A_214 = tpu.memref_slice %arg3[%dma_start3A_212, %dma_start3A_213] : memref<10000x128xf32, #tpu.memory_space<hbm>> -> memref<10000x128xf32, #tpu.memory_space<hbm>>
        tpu.enqueue_indirect_dma source(%dma_start3A_214 : memref<10000x128xf32, #tpu.memory_space<hbm>>) target(%arg10 : memref<112x128xf32, #tpu.memory_space<vmem>>) offsets(%dma_start3A_211 : memref<112xi32, #tpu.memory_space<vmem>>) semaphore(%arg16 : memref<!tpu.dma_semaphore, #tpu.memory_space<semaphore_mem>>)
      } else {
      }
      %add3A_190 = arith.constant 3 : i32
      %add3A_191 = arith.addi %add3A_176, %add3A_190 : i32
      %lt3A_192 = arith.cmpi slt, %add3A_191, %select_n3A : i32
      %convert_element_type3A_193 = arith.extui %lt3A_192 : i1 to i32
      %cond3A_194 = arith.constant 0 : i32
      %cond3A_195 = arith.cmpi ne, %convert_element_type3A_193, %cond3A_194 : i32
      scf.if %cond3A_195 {
        %add3A_197 = arith.constant 3 : i32
        %add3A_198 = arith.addi %add3A_176, %add3A_197 : i32
        %add3A_199 = arith.addi %select_n3A_13, %add3A_198 : i32
        %dma_start3A_200 = arith.constant 0 : i32
        %dma_start3A_201 = arith.constant 0 : i32
        %dma_start3A_202 = tpu.memref_slice %arg2[%add3A_199, %dma_start3A_200, %dma_start3A_201] : memref<2880x2x112xi32, #tpu.memory_space<hbm>> -> memref<1x2x112xi32, #tpu.memory_space<hbm>>
        %dma_start3A_203 = tpu.memref_squeeze %dma_start3A_202 : memref<1x2x112xi32, #tpu.memory_space<hbm>> -> memref<2x112xi32, #tpu.memory_space<hbm>>
        %dma_start3A_204 = arith.constant 0 : i32
        %dma_start3A_205 = arith.constant 0 : i32
        %dma_start3A_206 = tpu.memref_slice %arg2[%add3A_199, %dma_start3A_204, %dma_start3A_205] : memref<2880x2x112xi32, #tpu.memory_space<hbm>> -> memref<1x2x112xi32, #tpu.memory_space<hbm>>
        %dma_start3A_207 = tpu.memref_squeeze %dma_start3A_206 : memref<1x2x112xi32, #tpu.memory_space<hbm>> -> memref<2x112xi32, #tpu.memory_space<hbm>>
        tpu.enqueue_dma source(%dma_start3A_207 : memref<2x112xi32, #tpu.memory_space<hbm>>) target(%arg8 : memref<2x112xi32, #tpu.memory_space<vmem>>) target_semaphore(%arg14 : memref<!tpu.dma_semaphore, #tpu.memory_space<semaphore_mem>>)
      } else {
      }
      %run_scoped3A_196 = arith.constant 1 : i32
      "tpu.region"() ({
        %run_scoped3A_197 = tpu.sem_alloc : memref<!tpu.dma_semaphore, #tpu.memory_space<semaphore_mem>>
        %dma_start3A_198 = arith.constant 0 : i32
        %dma_start3A_199 = tpu.memref_slice %arg9[%run_scoped3A_196, %dma_start3A_198] : memref<2x112xi32, #tpu.memory_space<vmem>> -> memref<1x112xi32, #tpu.memory_space<vmem>>
        %dma_start3A_200 = tpu.memref_squeeze %dma_start3A_199 : memref<1x112xi32, #tpu.memory_space<vmem>> -> memref<112xi32, #tpu.memory_space<vmem>>
        %dma_start3A_201 = arith.constant 0 : i32
        %dma_start3A_202 = arith.constant 0 : i32
        %dma_start3A_203 = tpu.memref_slice %arg5[%dma_start3A_201, %dma_start3A_202] : memref<10008x128xf32, #tpu.memory_space<vmem_shared>> -> memref<10008x128xf32, #tpu.memory_space<vmem_shared>>
        tpu.enqueue_indirect_dma source(%arg11 : memref<112x128xf32, #tpu.memory_space<vmem>>) target(%dma_start3A_203 : memref<10008x128xf32, #tpu.memory_space<vmem_shared>>) offsets(%dma_start3A_200 : memref<112xi32, #tpu.memory_space<vmem>>) semaphore(%run_scoped3A_197 : memref<!tpu.dma_semaphore, #tpu.memory_space<semaphore_mem>>) {add = true}
        %dma_wait3A_204 = arith.constant 0 : i32
        %dma_wait3A_205 = tpu.memref_slice %arg9[%run_scoped3A_196, %dma_wait3A_204] : memref<2x112xi32, #tpu.memory_space<vmem>> -> memref<1x112xi32, #tpu.memory_space<vmem>>
        %dma_wait3A_206 = tpu.memref_squeeze %dma_wait3A_205 : memref<1x112xi32, #tpu.memory_space<vmem>> -> memref<112xi32, #tpu.memory_space<vmem>>
        %dma_wait3A_207 = arith.constant 0 : i32
        %dma_wait3A_208 = arith.constant 0 : i32
        %dma_wait3A_209 = tpu.memref_slice %arg5[%dma_wait3A_207, %dma_wait3A_208] : memref<10008x128xf32, #tpu.memory_space<vmem_shared>> -> memref<10008x128xf32, #tpu.memory_space<vmem_shared>>
        tpu.wait_indirect_dma semaphore(%run_scoped3A_197 : memref<!tpu.dma_semaphore, #tpu.memory_space<semaphore_mem>>) src(%arg11 : memref<112x128xf32, #tpu.memory_space<vmem>>) dst(%dma_wait3A_209 : memref<10008x128xf32, #tpu.memory_space<vmem_shared>>)
        tpu.yield
      }) : () -> ()
    }
    %barrier3A_90 = arith.constant 0 : index
    tpu.barrier barrier_id(%barrier3A_90)
    %add3A_91 = arith.constant 0 : i32
    %add3A_92 = arith.addi %mul3A_2, %add3A_91 : i32
    "tpu.region"() ({
      %run_scoped3A = tpu.sem_alloc : memref<!tpu.dma_semaphore, #tpu.memory_space<semaphore_mem>>
      %dma_start3A_108 = arith.constant 0 : i32
      %dma_start3A_109 = arith.constant 0 : i32
      %dma_start3A_110 = tpu.memref_slice %arg10[%dma_start3A_108, %dma_start3A_109] : memref<112x128xf32, #tpu.memory_space<vmem>> -> memref<104x128xf32, #tpu.memory_space<vmem>>
      %dma_start3A_111 = arith.constant 0 : i32
      %dma_start3A_112 = tpu.memref_slice %arg5[%add3A_92, %dma_start3A_111] : memref<10008x128xf32, #tpu.memory_space<vmem_shared>> -> memref<104x128xf32, #tpu.memory_space<vmem_shared>>
      %dma_start3A_113 = arith.constant 0 : i32
      %dma_start3A_114 = arith.constant 0 : i32
      %dma_start3A_115 = tpu.memref_slice %arg10[%dma_start3A_113, %dma_start3A_114] : memref<112x128xf32, #tpu.memory_space<vmem>> -> memref<104x128xf32, #tpu.memory_space<vmem>>
      %dma_start3A_116 = arith.constant 0 : i32
      %dma_start3A_117 = tpu.memref_slice %arg5[%add3A_92, %dma_start3A_116] : memref<10008x128xf32, #tpu.memory_space<vmem_shared>> -> memref<104x128xf32, #tpu.memory_space<vmem_shared>>
      tpu.enqueue_dma source(%dma_start3A_117 : memref<104x128xf32, #tpu.memory_space<vmem_shared>>) target(%dma_start3A_115 : memref<104x128xf32, #tpu.memory_space<vmem>>) target_semaphore(%run_scoped3A : memref<!tpu.dma_semaphore, #tpu.memory_space<semaphore_mem>>)
      %dma_wait3A_118 = arith.constant 0 : i32
      %dma_wait3A_119 = arith.constant 0 : i32
      %dma_wait3A_120 = tpu.memref_slice %arg10[%dma_wait3A_118, %dma_wait3A_119] : memref<112x128xf32, #tpu.memory_space<vmem>> -> memref<104x128xf32, #tpu.memory_space<vmem>>
      %dma_wait3A_121 = arith.constant 0 : i32
      %dma_wait3A_122 = tpu.memref_slice %arg5[%add3A_92, %dma_wait3A_121] : memref<10008x128xf32, #tpu.memory_space<vmem_shared>> -> memref<104x128xf32, #tpu.memory_space<vmem_shared>>
      %dma_wait3A_123 = arith.constant 0 : i32
      %dma_wait3A_124 = arith.constant 0 : i32
      %dma_wait3A_125 = tpu.memref_slice %arg10[%dma_wait3A_123, %dma_wait3A_124] : memref<112x128xf32, #tpu.memory_space<vmem>> -> memref<104x128xf32, #tpu.memory_space<vmem>>
      %dma_wait3A_126 = arith.constant 0 : i32
      %dma_wait3A_127 = tpu.memref_slice %arg5[%add3A_92, %dma_wait3A_126] : memref<10008x128xf32, #tpu.memory_space<vmem_shared>> -> memref<104x128xf32, #tpu.memory_space<vmem_shared>>
      tpu.wait_dma2 semaphore(%run_scoped3A : memref<!tpu.dma_semaphore, #tpu.memory_space<semaphore_mem>>) src(%dma_wait3A_127 : memref<104x128xf32, #tpu.memory_space<vmem_shared>>) dst(%dma_wait3A_125 : memref<104x128xf32, #tpu.memory_space<vmem>>)
      tpu.yield
    }) : () -> ()
    "tpu.region"() ({
      %run_scoped3A = tpu.sem_alloc : memref<!tpu.dma_semaphore, #tpu.memory_space<semaphore_mem>>
      %dma_start3A_108 = arith.constant 0 : i32
      %dma_start3A_109 = arith.constant 0 : i32
      %dma_start3A_110 = tpu.memref_slice %arg10[%dma_start3A_108, %dma_start3A_109] : memref<112x128xf32, #tpu.memory_space<vmem>> -> memref<104x128xf32, #tpu.memory_space<vmem>>
      %dma_start3A_111 = arith.constant 0 : i32
      %dma_start3A_112 = tpu.memref_slice %arg4[%arg0, %add3A_92, %dma_start3A_111] : memref<2x10008x128xf32, #tpu.memory_space<hbm>> -> memref<1x104x128xf32, #tpu.memory_space<hbm>>
      %dma_start3A_113 = tpu.memref_squeeze %dma_start3A_112 : memref<1x104x128xf32, #tpu.memory_space<hbm>> -> memref<104x128xf32, #tpu.memory_space<hbm>>
      %dma_start3A_114 = arith.constant 0 : i32
      %dma_start3A_115 = tpu.memref_slice %arg4[%arg0, %add3A_92, %dma_start3A_114] : memref<2x10008x128xf32, #tpu.memory_space<hbm>> -> memref<1x104x128xf32, #tpu.memory_space<hbm>>
      %dma_start3A_116 = tpu.memref_squeeze %dma_start3A_115 : memref<1x104x128xf32, #tpu.memory_space<hbm>> -> memref<104x128xf32, #tpu.memory_space<hbm>>
      %dma_start3A_117 = arith.constant 0 : i32
      %dma_start3A_118 = arith.constant 0 : i32
      %dma_start3A_119 = tpu.memref_slice %arg10[%dma_start3A_117, %dma_start3A_118] : memref<112x128xf32, #tpu.memory_space<vmem>> -> memref<104x128xf32, #tpu.memory_space<vmem>>
      tpu.enqueue_dma source(%dma_start3A_119 : memref<104x128xf32, #tpu.memory_space<vmem>>) target(%dma_start3A_116 : memref<104x128xf32, #tpu.memory_space<hbm>>) target_semaphore(%run_scoped3A : memref<!tpu.dma_semaphore, #tpu.memory_space<semaphore_mem>>)
      %dma_wait3A_120 = arith.constant 0 : i32
      %dma_wait3A_121 = arith.constant 0 : i32
      %dma_wait3A_122 = tpu.memref_slice %arg10[%dma_wait3A_120, %dma_wait3A_121] : memref<112x128xf32, #tpu.memory_space<vmem>> -> memref<104x128xf32, #tpu.memory_space<vmem>>
      %dma_wait3A_123 = arith.constant 0 : i32
      %dma_wait3A_124 = tpu.memref_slice %arg4[%arg0, %add3A_92, %dma_wait3A_123] : memref<2x10008x128xf32, #tpu.memory_space<hbm>> -> memref<1x104x128xf32, #tpu.memory_space<hbm>>
      %dma_wait3A_125 = tpu.memref_squeeze %dma_wait3A_124 : memref<1x104x128xf32, #tpu.memory_space<hbm>> -> memref<104x128xf32, #tpu.memory_space<hbm>>
      %dma_wait3A_126 = arith.constant 0 : i32
      %dma_wait3A_127 = tpu.memref_slice %arg4[%arg0, %add3A_92, %dma_wait3A_126] : memref<2x10008x128xf32, #tpu.memory_space<hbm>> -> memref<1x104x128xf32, #tpu.memory_space<hbm>>
      %dma_wait3A_128 = tpu.memref_squeeze %dma_wait3A_127 : memref<1x104x128xf32, #tpu.memory_space<hbm>> -> memref<104x128xf32, #tpu.memory_space<hbm>>
      %dma_wait3A_129 = arith.constant 0 : i32
      %dma_wait3A_130 = arith.constant 0 : i32
      %dma_wait3A_131 = tpu.memref_slice %arg10[%dma_wait3A_129, %dma_wait3A_130] : memref<112x128xf32, #tpu.memory_space<vmem>> -> memref<104x128xf32, #tpu.memory_space<vmem>>
      tpu.wait_dma2 semaphore(%run_scoped3A : memref<!tpu.dma_semaphore, #tpu.memory_space<semaphore_mem>>) src(%dma_wait3A_131 : memref<104x128xf32, #tpu.memory_space<vmem>>) dst(%dma_wait3A_128 : memref<104x128xf32, #tpu.memory_space<hbm>>)
      tpu.yield
    }) : () -> ()
    %add3A_93 = arith.constant 104 : i32
    %add3A_94 = arith.addi %mul3A_2, %add3A_93 : i32
    "tpu.region"() ({
      %run_scoped3A = tpu.sem_alloc : memref<!tpu.dma_semaphore, #tpu.memory_space<semaphore_mem>>
      %dma_start3A_108 = arith.constant 0 : i32
      %dma_start3A_109 = arith.constant 0 : i32
      %dma_start3A_110 = tpu.memref_slice %arg10[%dma_start3A_108, %dma_start3A_109] : memref<112x128xf32, #tpu.memory_space<vmem>> -> memref<104x128xf32, #tpu.memory_space<vmem>>
      %dma_start3A_111 = arith.constant 0 : i32
      %dma_start3A_112 = tpu.memref_slice %arg5[%add3A_94, %dma_start3A_111] : memref<10008x128xf32, #tpu.memory_space<vmem_shared>> -> memref<104x128xf32, #tpu.memory_space<vmem_shared>>
      %dma_start3A_113 = arith.constant 0 : i32
      %dma_start3A_114 = arith.constant 0 : i32
      %dma_start3A_115 = tpu.memref_slice %arg10[%dma_start3A_113, %dma_start3A_114] : memref<112x128xf32, #tpu.memory_space<vmem>> -> memref<104x128xf32, #tpu.memory_space<vmem>>
      %dma_start3A_116 = arith.constant 0 : i32
      %dma_start3A_117 = tpu.memref_slice %arg5[%add3A_94, %dma_start3A_116] : memref<10008x128xf32, #tpu.memory_space<vmem_shared>> -> memref<104x128xf32, #tpu.memory_space<vmem_shared>>
      tpu.enqueue_dma source(%dma_start3A_117 : memref<104x128xf32, #tpu.memory_space<vmem_shared>>) target(%dma_start3A_115 : memref<104x128xf32, #tpu.memory_space<vmem>>) target_semaphore(%run_scoped3A : memref<!tpu.dma_semaphore, #tpu.memory_space<semaphore_mem>>)
      %dma_wait3A_118 = arith.constant 0 : i32
      %dma_wait3A_119 = arith.constant 0 : i32
      %dma_wait3A_120 = tpu.memref_slice %arg10[%dma_wait3A_118, %dma_wait3A_119] : memref<112x128xf32, #tpu.memory_space<vmem>> -> memref<104x128xf32, #tpu.memory_space<vmem>>
      %dma_wait3A_121 = arith.constant 0 : i32
      %dma_wait3A_122 = tpu.memref_slice %arg5[%add3A_94, %dma_wait3A_121] : memref<10008x128xf32, #tpu.memory_space<vmem_shared>> -> memref<104x128xf32, #tpu.memory_space<vmem_shared>>
      %dma_wait3A_123 = arith.constant 0 : i32
      %dma_wait3A_124 = arith.constant 0 : i32
      %dma_wait3A_125 = tpu.memref_slice %arg10[%dma_wait3A_123, %dma_wait3A_124] : memref<112x128xf32, #tpu.memory_space<vmem>> -> memref<104x128xf32, #tpu.memory_space<vmem>>
      %dma_wait3A_126 = arith.constant 0 : i32
      %dma_wait3A_127 = tpu.memref_slice %arg5[%add3A_94, %dma_wait3A_126] : memref<10008x128xf32, #tpu.memory_space<vmem_shared>> -> memref<104x128xf32, #tpu.memory_space<vmem_shared>>
      tpu.wait_dma2 semaphore(%run_scoped3A : memref<!tpu.dma_semaphore, #tpu.memory_space<semaphore_mem>>) src(%dma_wait3A_127 : memref<104x128xf32, #tpu.memory_space<vmem_shared>>) dst(%dma_wait3A_125 : memref<104x128xf32, #tpu.memory_space<vmem>>)
      tpu.yield
    }) : () -> ()
    "tpu.region"() ({
      %run_scoped3A = tpu.sem_alloc : memref<!tpu.dma_semaphore, #tpu.memory_space<semaphore_mem>>
      %dma_start3A_108 = arith.constant 0 : i32
      %dma_start3A_109 = arith.constant 0 : i32
      %dma_start3A_110 = tpu.memref_slice %arg10[%dma_start3A_108, %dma_start3A_109] : memref<112x128xf32, #tpu.memory_space<vmem>> -> memref<104x128xf32, #tpu.memory_space<vmem>>
      %dma_start3A_111 = arith.constant 0 : i32
      %dma_start3A_112 = tpu.memref_slice %arg4[%arg0, %add3A_94, %dma_start3A_111] : memref<2x10008x128xf32, #tpu.memory_space<hbm>> -> memref<1x104x128xf32, #tpu.memory_space<hbm>>
      %dma_start3A_113 = tpu.memref_squeeze %dma_start3A_112 : memref<1x104x128xf32, #tpu.memory_space<hbm>> -> memref<104x128xf32, #tpu.memory_space<hbm>>
      %dma_start3A_114 = arith.constant 0 : i32
      %dma_start3A_115 = tpu.memref_slice %arg4[%arg0, %add3A_94, %dma_start3A_114] : memref<2x10008x128xf32, #tpu.memory_space<hbm>> -> memref<1x104x128xf32, #tpu.memory_space<hbm>>
      %dma_start3A_116 = tpu.memref_squeeze %dma_start3A_115 : memref<1x104x128xf32, #tpu.memory_space<hbm>> -> memref<104x128xf32, #tpu.memory_space<hbm>>
      %dma_start3A_117 = arith.constant 0 : i32
      %dma_start3A_118 = arith.constant 0 : i32
      %dma_start3A_119 = tpu.memref_slice %arg10[%dma_start3A_117, %dma_start3A_118] : memref<112x128xf32, #tpu.memory_space<vmem>> -> memref<104x128xf32, #tpu.memory_space<vmem>>
      tpu.enqueue_dma source(%dma_start3A_119 : memref<104x128xf32, #tpu.memory_space<vmem>>) target(%dma_start3A_116 : memref<104x128xf32, #tpu.memory_space<hbm>>) target_semaphore(%run_scoped3A : memref<!tpu.dma_semaphore, #tpu.memory_space<semaphore_mem>>)
      %dma_wait3A_120 = arith.constant 0 : i32
      %dma_wait3A_121 = arith.constant 0 : i32
      %dma_wait3A_122 = tpu.memref_slice %arg10[%dma_wait3A_120, %dma_wait3A_121] : memref<112x128xf32, #tpu.memory_space<vmem>> -> memref<104x128xf32, #tpu.memory_space<vmem>>
      %dma_wait3A_123 = arith.constant 0 : i32
      %dma_wait3A_124 = tpu.memref_slice %arg4[%arg0, %add3A_94, %dma_wait3A_123] : memref<2x10008x128xf32, #tpu.memory_space<hbm>> -> memref<1x104x128xf32, #tpu.memory_space<hbm>>
      %dma_wait3A_125 = tpu.memref_squeeze %dma_wait3A_124 : memref<1x104x128xf32, #tpu.memory_space<hbm>> -> memref<104x128xf32, #tpu.memory_space<hbm>>
      %dma_wait3A_126 = arith.constant 0 : i32
      %dma_wait3A_127 = tpu.memref_slice %arg4[%arg0, %add3A_94, %dma_wait3A_126] : memref<2x10008x128xf32, #tpu.memory_space<hbm>> -> memref<1x104x128xf32, #tpu.memory_space<hbm>>
      %dma_wait3A_128 = tpu.memref_squeeze %dma_wait3A_127 : memref<1x104x128xf32, #tpu.memory_space<hbm>> -> memref<104x128xf32, #tpu.memory_space<hbm>>
      %dma_wait3A_129 = arith.constant 0 : i32
      %dma_wait3A_130 = arith.constant 0 : i32
      %dma_wait3A_131 = tpu.memref_slice %arg10[%dma_wait3A_129, %dma_wait3A_130] : memref<112x128xf32, #tpu.memory_space<vmem>> -> memref<104x128xf32, #tpu.memory_space<vmem>>
      tpu.wait_dma2 semaphore(%run_scoped3A : memref<!tpu.dma_semaphore, #tpu.memory_space<semaphore_mem>>) src(%dma_wait3A_131 : memref<104x128xf32, #tpu.memory_space<vmem>>) dst(%dma_wait3A_128 : memref<104x128xf32, #tpu.memory_space<hbm>>)
      tpu.yield
    }) : () -> ()
    %add3A_95 = arith.constant 208 : i32
    %add3A_96 = arith.addi %mul3A_2, %add3A_95 : i32
    "tpu.region"() ({
      %run_scoped3A = tpu.sem_alloc : memref<!tpu.dma_semaphore, #tpu.memory_space<semaphore_mem>>
      %dma_start3A_108 = arith.constant 0 : i32
      %dma_start3A_109 = arith.constant 0 : i32
      %dma_start3A_110 = tpu.memref_slice %arg10[%dma_start3A_108, %dma_start3A_109] : memref<112x128xf32, #tpu.memory_space<vmem>> -> memref<104x128xf32, #tpu.memory_space<vmem>>
      %dma_start3A_111 = arith.constant 0 : i32
      %dma_start3A_112 = tpu.memref_slice %arg5[%add3A_96, %dma_start3A_111] : memref<10008x128xf32, #tpu.memory_space<vmem_shared>> -> memref<104x128xf32, #tpu.memory_space<vmem_shared>>
      %dma_start3A_113 = arith.constant 0 : i32
      %dma_start3A_114 = arith.constant 0 : i32
      %dma_start3A_115 = tpu.memref_slice %arg10[%dma_start3A_113, %dma_start3A_114] : memref<112x128xf32, #tpu.memory_space<vmem>> -> memref<104x128xf32, #tpu.memory_space<vmem>>
      %dma_start3A_116 = arith.constant 0 : i32
      %dma_start3A_117 = tpu.memref_slice %arg5[%add3A_96, %dma_start3A_116] : memref<10008x128xf32, #tpu.memory_space<vmem_shared>> -> memref<104x128xf32, #tpu.memory_space<vmem_shared>>
      tpu.enqueue_dma source(%dma_start3A_117 : memref<104x128xf32, #tpu.memory_space<vmem_shared>>) target(%dma_start3A_115 : memref<104x128xf32, #tpu.memory_space<vmem>>) target_semaphore(%run_scoped3A : memref<!tpu.dma_semaphore, #tpu.memory_space<semaphore_mem>>)
      %dma_wait3A_118 = arith.constant 0 : i32
      %dma_wait3A_119 = arith.constant 0 : i32
      %dma_wait3A_120 = tpu.memref_slice %arg10[%dma_wait3A_118, %dma_wait3A_119] : memref<112x128xf32, #tpu.memory_space<vmem>> -> memref<104x128xf32, #tpu.memory_space<vmem>>
      %dma_wait3A_121 = arith.constant 0 : i32
      %dma_wait3A_122 = tpu.memref_slice %arg5[%add3A_96, %dma_wait3A_121] : memref<10008x128xf32, #tpu.memory_space<vmem_shared>> -> memref<104x128xf32, #tpu.memory_space<vmem_shared>>
      %dma_wait3A_123 = arith.constant 0 : i32
      %dma_wait3A_124 = arith.constant 0 : i32
      %dma_wait3A_125 = tpu.memref_slice %arg10[%dma_wait3A_123, %dma_wait3A_124] : memref<112x128xf32, #tpu.memory_space<vmem>> -> memref<104x128xf32, #tpu.memory_space<vmem>>
      %dma_wait3A_126 = arith.constant 0 : i32
      %dma_wait3A_127 = tpu.memref_slice %arg5[%add3A_96, %dma_wait3A_126] : memref<10008x128xf32, #tpu.memory_space<vmem_shared>> -> memref<104x128xf32, #tpu.memory_space<vmem_shared>>
      tpu.wait_dma2 semaphore(%run_scoped3A : memref<!tpu.dma_semaphore, #tpu.memory_space<semaphore_mem>>) src(%dma_wait3A_127 : memref<104x128xf32, #tpu.memory_space<vmem_shared>>) dst(%dma_wait3A_125 : memref<104x128xf32, #tpu.memory_space<vmem>>)
      tpu.yield
    }) : () -> ()
    "tpu.region"() ({
      %run_scoped3A = tpu.sem_alloc : memref<!tpu.dma_semaphore, #tpu.memory_space<semaphore_mem>>
      %dma_start3A_108 = arith.constant 0 : i32
      %dma_start3A_109 = arith.constant 0 : i32
      %dma_start3A_110 = tpu.memref_slice %arg10[%dma_start3A_108, %dma_start3A_109] : memref<112x128xf32, #tpu.memory_space<vmem>> -> memref<104x128xf32, #tpu.memory_space<vmem>>
      %dma_start3A_111 = arith.constant 0 : i32
      %dma_start3A_112 = tpu.memref_slice %arg4[%arg0, %add3A_96, %dma_start3A_111] : memref<2x10008x128xf32, #tpu.memory_space<hbm>> -> memref<1x104x128xf32, #tpu.memory_space<hbm>>
      %dma_start3A_113 = tpu.memref_squeeze %dma_start3A_112 : memref<1x104x128xf32, #tpu.memory_space<hbm>> -> memref<104x128xf32, #tpu.memory_space<hbm>>
      %dma_start3A_114 = arith.constant 0 : i32
      %dma_start3A_115 = tpu.memref_slice %arg4[%arg0, %add3A_96, %dma_start3A_114] : memref<2x10008x128xf32, #tpu.memory_space<hbm>> -> memref<1x104x128xf32, #tpu.memory_space<hbm>>
      %dma_start3A_116 = tpu.memref_squeeze %dma_start3A_115 : memref<1x104x128xf32, #tpu.memory_space<hbm>> -> memref<104x128xf32, #tpu.memory_space<hbm>>
      %dma_start3A_117 = arith.constant 0 : i32
      %dma_start3A_118 = arith.constant 0 : i32
      %dma_start3A_119 = tpu.memref_slice %arg10[%dma_start3A_117, %dma_start3A_118] : memref<112x128xf32, #tpu.memory_space<vmem>> -> memref<104x128xf32, #tpu.memory_space<vmem>>
      tpu.enqueue_dma source(%dma_start3A_119 : memref<104x128xf32, #tpu.memory_space<vmem>>) target(%dma_start3A_116 : memref<104x128xf32, #tpu.memory_space<hbm>>) target_semaphore(%run_scoped3A : memref<!tpu.dma_semaphore, #tpu.memory_space<semaphore_mem>>)
      %dma_wait3A_120 = arith.constant 0 : i32
      %dma_wait3A_121 = arith.constant 0 : i32
      %dma_wait3A_122 = tpu.memref_slice %arg10[%dma_wait3A_120, %dma_wait3A_121] : memref<112x128xf32, #tpu.memory_space<vmem>> -> memref<104x128xf32, #tpu.memory_space<vmem>>
      %dma_wait3A_123 = arith.constant 0 : i32
      %dma_wait3A_124 = tpu.memref_slice %arg4[%arg0, %add3A_96, %dma_wait3A_123] : memref<2x10008x128xf32, #tpu.memory_space<hbm>> -> memref<1x104x128xf32, #tpu.memory_space<hbm>>
      %dma_wait3A_125 = tpu.memref_squeeze %dma_wait3A_124 : memref<1x104x128xf32, #tpu.memory_space<hbm>> -> memref<104x128xf32, #tpu.memory_space<hbm>>
      %dma_wait3A_126 = arith.constant 0 : i32
      %dma_wait3A_127 = tpu.memref_slice %arg4[%arg0, %add3A_96, %dma_wait3A_126] : memref<2x10008x128xf32, #tpu.memory_space<hbm>> -> memref<1x104x128xf32, #tpu.memory_space<hbm>>
      %dma_wait3A_128 = tpu.memref_squeeze %dma_wait3A_127 : memref<1x104x128xf32, #tpu.memory_space<hbm>> -> memref<104x128xf32, #tpu.memory_space<hbm>>
      %dma_wait3A_129 = arith.constant 0 : i32
      %dma_wait3A_130 = arith.constant 0 : i32
      %dma_wait3A_131 = tpu.memref_slice %arg10[%dma_wait3A_129, %dma_wait3A_130] : memref<112x128xf32, #tpu.memory_space<vmem>> -> memref<104x128xf32, #tpu.memory_space<vmem>>
      tpu.wait_dma2 semaphore(%run_scoped3A : memref<!tpu.dma_semaphore, #tpu.memory_space<semaphore_mem>>) src(%dma_wait3A_131 : memref<104x128xf32, #tpu.memory_space<vmem>>) dst(%dma_wait3A_128 : memref<104x128xf32, #tpu.memory_space<hbm>>)
      tpu.yield
    }) : () -> ()
    %add3A_97 = arith.constant 312 : i32
    %add3A_98 = arith.addi %mul3A_2, %add3A_97 : i32
    "tpu.region"() ({
      %run_scoped3A = tpu.sem_alloc : memref<!tpu.dma_semaphore, #tpu.memory_space<semaphore_mem>>
      %dma_start3A_108 = arith.constant 0 : i32
      %dma_start3A_109 = arith.constant 0 : i32
      %dma_start3A_110 = tpu.memref_slice %arg10[%dma_start3A_108, %dma_start3A_109] : memref<112x128xf32, #tpu.memory_space<vmem>> -> memref<104x128xf32, #tpu.memory_space<vmem>>
      %dma_start3A_111 = arith.constant 0 : i32
      %dma_start3A_112 = tpu.memref_slice %arg5[%add3A_98, %dma_start3A_111] : memref<10008x128xf32, #tpu.memory_space<vmem_shared>> -> memref<104x128xf32, #tpu.memory_space<vmem_shared>>
      %dma_start3A_113 = arith.constant 0 : i32
      %dma_start3A_114 = arith.constant 0 : i32
      %dma_start3A_115 = tpu.memref_slice %arg10[%dma_start3A_113, %dma_start3A_114] : memref<112x128xf32, #tpu.memory_space<vmem>> -> memref<104x128xf32, #tpu.memory_space<vmem>>
      %dma_start3A_116 = arith.constant 0 : i32
      %dma_start3A_117 = tpu.memref_slice %arg5[%add3A_98, %dma_start3A_116] : memref<10008x128xf32, #tpu.memory_space<vmem_shared>> -> memref<104x128xf32, #tpu.memory_space<vmem_shared>>
      tpu.enqueue_dma source(%dma_start3A_117 : memref<104x128xf32, #tpu.memory_space<vmem_shared>>) target(%dma_start3A_115 : memref<104x128xf32, #tpu.memory_space<vmem>>) target_semaphore(%run_scoped3A : memref<!tpu.dma_semaphore, #tpu.memory_space<semaphore_mem>>)
      %dma_wait3A_118 = arith.constant 0 : i32
      %dma_wait3A_119 = arith.constant 0 : i32
      %dma_wait3A_120 = tpu.memref_slice %arg10[%dma_wait3A_118, %dma_wait3A_119] : memref<112x128xf32, #tpu.memory_space<vmem>> -> memref<104x128xf32, #tpu.memory_space<vmem>>
      %dma_wait3A_121 = arith.constant 0 : i32
      %dma_wait3A_122 = tpu.memref_slice %arg5[%add3A_98, %dma_wait3A_121] : memref<10008x128xf32, #tpu.memory_space<vmem_shared>> -> memref<104x128xf32, #tpu.memory_space<vmem_shared>>
      %dma_wait3A_123 = arith.constant 0 : i32
      %dma_wait3A_124 = arith.constant 0 : i32
      %dma_wait3A_125 = tpu.memref_slice %arg10[%dma_wait3A_123, %dma_wait3A_124] : memref<112x128xf32, #tpu.memory_space<vmem>> -> memref<104x128xf32, #tpu.memory_space<vmem>>
      %dma_wait3A_126 = arith.constant 0 : i32
      %dma_wait3A_127 = tpu.memref_slice %arg5[%add3A_98, %dma_wait3A_126] : memref<10008x128xf32, #tpu.memory_space<vmem_shared>> -> memref<104x128xf32, #tpu.memory_space<vmem_shared>>
      tpu.wait_dma2 semaphore(%run_scoped3A : memref<!tpu.dma_semaphore, #tpu.memory_space<semaphore_mem>>) src(%dma_wait3A_127 : memref<104x128xf32, #tpu.memory_space<vmem_shared>>) dst(%dma_wait3A_125 : memref<104x128xf32, #tpu.memory_space<vmem>>)
      tpu.yield
    }) : () -> ()
    "tpu.region"() ({
      %run_scoped3A = tpu.sem_alloc : memref<!tpu.dma_semaphore, #tpu.memory_space<semaphore_mem>>
      %dma_start3A_108 = arith.constant 0 : i32
      %dma_start3A_109 = arith.constant 0 : i32
      %dma_start3A_110 = tpu.memref_slice %arg10[%dma_start3A_108, %dma_start3A_109] : memref<112x128xf32, #tpu.memory_space<vmem>> -> memref<104x128xf32, #tpu.memory_space<vmem>>
      %dma_start3A_111 = arith.constant 0 : i32
      %dma_start3A_112 = tpu.memref_slice %arg4[%arg0, %add3A_98, %dma_start3A_111] : memref<2x10008x128xf32, #tpu.memory_space<hbm>> -> memref<1x104x128xf32, #tpu.memory_space<hbm>>
      %dma_start3A_113 = tpu.memref_squeeze %dma_start3A_112 : memref<1x104x128xf32, #tpu.memory_space<hbm>> -> memref<104x128xf32, #tpu.memory_space<hbm>>
      %dma_start3A_114 = arith.constant 0 : i32
      %dma_start3A_115 = tpu.memref_slice %arg4[%arg0, %add3A_98, %dma_start3A_114] : memref<2x10008x128xf32, #tpu.memory_space<hbm>> -> memref<1x104x128xf32, #tpu.memory_space<hbm>>
      %dma_start3A_116 = tpu.memref_squeeze %dma_start3A_115 : memref<1x104x128xf32, #tpu.memory_space<hbm>> -> memref<104x128xf32, #tpu.memory_space<hbm>>
      %dma_start3A_117 = arith.constant 0 : i32
      %dma_start3A_118 = arith.constant 0 : i32
      %dma_start3A_119 = tpu.memref_slice %arg10[%dma_start3A_117, %dma_start3A_118] : memref<112x128xf32, #tpu.memory_space<vmem>> -> memref<104x128xf32, #tpu.memory_space<vmem>>
      tpu.enqueue_dma source(%dma_start3A_119 : memref<104x128xf32, #tpu.memory_space<vmem>>) target(%dma_start3A_116 : memref<104x128xf32, #tpu.memory_space<hbm>>) target_semaphore(%run_scoped3A : memref<!tpu.dma_semaphore, #tpu.memory_space<semaphore_mem>>)
      %dma_wait3A_120 = arith.constant 0 : i32
      %dma_wait3A_121 = arith.constant 0 : i32
      %dma_wait3A_122 = tpu.memref_slice %arg10[%dma_wait3A_120, %dma_wait3A_121] : memref<112x128xf32, #tpu.memory_space<vmem>> -> memref<104x128xf32, #tpu.memory_space<vmem>>
      %dma_wait3A_123 = arith.constant 0 : i32
      %dma_wait3A_124 = tpu.memref_slice %arg4[%arg0, %add3A_98, %dma_wait3A_123] : memref<2x10008x128xf32, #tpu.memory_space<hbm>> -> memref<1x104x128xf32, #tpu.memory_space<hbm>>
      %dma_wait3A_125 = tpu.memref_squeeze %dma_wait3A_124 : memref<1x104x128xf32, #tpu.memory_space<hbm>> -> memref<104x128xf32, #tpu.memory_space<hbm>>
      %dma_wait3A_126 = arith.constant 0 : i32
      %dma_wait3A_127 = tpu.memref_slice %arg4[%arg0, %add3A_98, %dma_wait3A_126] : memref<2x10008x128xf32, #tpu.memory_space<hbm>> -> memref<1x104x128xf32, #tpu.memory_space<hbm>>
      %dma_wait3A_128 = tpu.memref_squeeze %dma_wait3A_127 : memref<1x104x128xf32, #tpu.memory_space<hbm>> -> memref<104x128xf32, #tpu.memory_space<hbm>>
      %dma_wait3A_129 = arith.constant 0 : i32
      %dma_wait3A_130 = arith.constant 0 : i32
      %dma_wait3A_131 = tpu.memref_slice %arg10[%dma_wait3A_129, %dma_wait3A_130] : memref<112x128xf32, #tpu.memory_space<vmem>> -> memref<104x128xf32, #tpu.memory_space<vmem>>
      tpu.wait_dma2 semaphore(%run_scoped3A : memref<!tpu.dma_semaphore, #tpu.memory_space<semaphore_mem>>) src(%dma_wait3A_131 : memref<104x128xf32, #tpu.memory_space<vmem>>) dst(%dma_wait3A_128 : memref<104x128xf32, #tpu.memory_space<hbm>>)
      tpu.yield
    }) : () -> ()
    %add3A_99 = arith.constant 416 : i32
    %add3A_100 = arith.addi %mul3A_2, %add3A_99 : i32
    "tpu.region"() ({
      %run_scoped3A = tpu.sem_alloc : memref<!tpu.dma_semaphore, #tpu.memory_space<semaphore_mem>>
      %dma_start3A_108 = arith.constant 0 : i32
      %dma_start3A_109 = arith.constant 0 : i32
      %dma_start3A_110 = tpu.memref_slice %arg10[%dma_start3A_108, %dma_start3A_109] : memref<112x128xf32, #tpu.memory_space<vmem>> -> memref<104x128xf32, #tpu.memory_space<vmem>>
      %dma_start3A_111 = arith.constant 0 : i32
      %dma_start3A_112 = tpu.memref_slice %arg5[%add3A_100, %dma_start3A_111] : memref<10008x128xf32, #tpu.memory_space<vmem_shared>> -> memref<104x128xf32, #tpu.memory_space<vmem_shared>>
      %dma_start3A_113 = arith.constant 0 : i32
      %dma_start3A_114 = arith.constant 0 : i32
      %dma_start3A_115 = tpu.memref_slice %arg10[%dma_start3A_113, %dma_start3A_114] : memref<112x128xf32, #tpu.memory_space<vmem>> -> memref<104x128xf32, #tpu.memory_space<vmem>>
      %dma_start3A_116 = arith.constant 0 : i32
      %dma_start3A_117 = tpu.memref_slice %arg5[%add3A_100, %dma_start3A_116] : memref<10008x128xf32, #tpu.memory_space<vmem_shared>> -> memref<104x128xf32, #tpu.memory_space<vmem_shared>>
      tpu.enqueue_dma source(%dma_start3A_117 : memref<104x128xf32, #tpu.memory_space<vmem_shared>>) target(%dma_start3A_115 : memref<104x128xf32, #tpu.memory_space<vmem>>) target_semaphore(%run_scoped3A : memref<!tpu.dma_semaphore, #tpu.memory_space<semaphore_mem>>)
      %dma_wait3A_118 = arith.constant 0 : i32
      %dma_wait3A_119 = arith.constant 0 : i32
      %dma_wait3A_120 = tpu.memref_slice %arg10[%dma_wait3A_118, %dma_wait3A_119] : memref<112x128xf32, #tpu.memory_space<vmem>> -> memref<104x128xf32, #tpu.memory_space<vmem>>
      %dma_wait3A_121 = arith.constant 0 : i32
      %dma_wait3A_122 = tpu.memref_slice %arg5[%add3A_100, %dma_wait3A_121] : memref<10008x128xf32, #tpu.memory_space<vmem_shared>> -> memref<104x128xf32, #tpu.memory_space<vmem_shared>>
      %dma_wait3A_123 = arith.constant 0 : i32
      %dma_wait3A_124 = arith.constant 0 : i32
      %dma_wait3A_125 = tpu.memref_slice %arg10[%dma_wait3A_123, %dma_wait3A_124] : memref<112x128xf32, #tpu.memory_space<vmem>> -> memref<104x128xf32, #tpu.memory_space<vmem>>
      %dma_wait3A_126 = arith.constant 0 : i32
      %dma_wait3A_127 = tpu.memref_slice %arg5[%add3A_100, %dma_wait3A_126] : memref<10008x128xf32, #tpu.memory_space<vmem_shared>> -> memref<104x128xf32, #tpu.memory_space<vmem_shared>>
      tpu.wait_dma2 semaphore(%run_scoped3A : memref<!tpu.dma_semaphore, #tpu.memory_space<semaphore_mem>>) src(%dma_wait3A_127 : memref<104x128xf32, #tpu.memory_space<vmem_shared>>) dst(%dma_wait3A_125 : memref<104x128xf32, #tpu.memory_space<vmem>>)
      tpu.yield
    }) : () -> ()
    "tpu.region"() ({
      %run_scoped3A = tpu.sem_alloc : memref<!tpu.dma_semaphore, #tpu.memory_space<semaphore_mem>>
      %dma_start3A_108 = arith.constant 0 : i32
      %dma_start3A_109 = arith.constant 0 : i32
      %dma_start3A_110 = tpu.memref_slice %arg10[%dma_start3A_108, %dma_start3A_109] : memref<112x128xf32, #tpu.memory_space<vmem>> -> memref<104x128xf32, #tpu.memory_space<vmem>>
      %dma_start3A_111 = arith.constant 0 : i32
      %dma_start3A_112 = tpu.memref_slice %arg4[%arg0, %add3A_100, %dma_start3A_111] : memref<2x10008x128xf32, #tpu.memory_space<hbm>> -> memref<1x104x128xf32, #tpu.memory_space<hbm>>
      %dma_start3A_113 = tpu.memref_squeeze %dma_start3A_112 : memref<1x104x128xf32, #tpu.memory_space<hbm>> -> memref<104x128xf32, #tpu.memory_space<hbm>>
      %dma_start3A_114 = arith.constant 0 : i32
      %dma_start3A_115 = tpu.memref_slice %arg4[%arg0, %add3A_100, %dma_start3A_114] : memref<2x10008x128xf32, #tpu.memory_space<hbm>> -> memref<1x104x128xf32, #tpu.memory_space<hbm>>
      %dma_start3A_116 = tpu.memref_squeeze %dma_start3A_115 : memref<1x104x128xf32, #tpu.memory_space<hbm>> -> memref<104x128xf32, #tpu.memory_space<hbm>>
      %dma_start3A_117 = arith.constant 0 : i32
      %dma_start3A_118 = arith.constant 0 : i32
      %dma_start3A_119 = tpu.memref_slice %arg10[%dma_start3A_117, %dma_start3A_118] : memref<112x128xf32, #tpu.memory_space<vmem>> -> memref<104x128xf32, #tpu.memory_space<vmem>>
      tpu.enqueue_dma source(%dma_start3A_119 : memref<104x128xf32, #tpu.memory_space<vmem>>) target(%dma_start3A_116 : memref<104x128xf32, #tpu.memory_space<hbm>>) target_semaphore(%run_scoped3A : memref<!tpu.dma_semaphore, #tpu.memory_space<semaphore_mem>>)
      %dma_wait3A_120 = arith.constant 0 : i32
      %dma_wait3A_121 = arith.constant 0 : i32
      %dma_wait3A_122 = tpu.memref_slice %arg10[%dma_wait3A_120, %dma_wait3A_121] : memref<112x128xf32, #tpu.memory_space<vmem>> -> memref<104x128xf32, #tpu.memory_space<vmem>>
      %dma_wait3A_123 = arith.constant 0 : i32
      %dma_wait3A_124 = tpu.memref_slice %arg4[%arg0, %add3A_100, %dma_wait3A_123] : memref<2x10008x128xf32, #tpu.memory_space<hbm>> -> memref<1x104x128xf32, #tpu.memory_space<hbm>>
      %dma_wait3A_125 = tpu.memref_squeeze %dma_wait3A_124 : memref<1x104x128xf32, #tpu.memory_space<hbm>> -> memref<104x128xf32, #tpu.memory_space<hbm>>
      %dma_wait3A_126 = arith.constant 0 : i32
      %dma_wait3A_127 = tpu.memref_slice %arg4[%arg0, %add3A_100, %dma_wait3A_126] : memref<2x10008x128xf32, #tpu.memory_space<hbm>> -> memref<1x104x128xf32, #tpu.memory_space<hbm>>
      %dma_wait3A_128 = tpu.memref_squeeze %dma_wait3A_127 : memref<1x104x128xf32, #tpu.memory_space<hbm>> -> memref<104x128xf32, #tpu.memory_space<hbm>>
      %dma_wait3A_129 = arith.constant 0 : i32
      %dma_wait3A_130 = arith.constant 0 : i32
      %dma_wait3A_131 = tpu.memref_slice %arg10[%dma_wait3A_129, %dma_wait3A_130] : memref<112x128xf32, #tpu.memory_space<vmem>> -> memref<104x128xf32, #tpu.memory_space<vmem>>
      tpu.wait_dma2 semaphore(%run_scoped3A : memref<!tpu.dma_semaphore, #tpu.memory_space<semaphore_mem>>) src(%dma_wait3A_131 : memref<104x128xf32, #tpu.memory_space<vmem>>) dst(%dma_wait3A_128 : memref<104x128xf32, #tpu.memory_space<hbm>>)
      tpu.yield
    }) : () -> ()
    %add3A_101 = arith.constant 520 : i32
    %add3A_102 = arith.addi %mul3A_2, %add3A_101 : i32
    "tpu.region"() ({
      %run_scoped3A = tpu.sem_alloc : memref<!tpu.dma_semaphore, #tpu.memory_space<semaphore_mem>>
      %dma_start3A_108 = arith.constant 0 : i32
      %dma_start3A_109 = arith.constant 0 : i32
      %dma_start3A_110 = tpu.memref_slice %arg10[%dma_start3A_108, %dma_start3A_109] : memref<112x128xf32, #tpu.memory_space<vmem>> -> memref<104x128xf32, #tpu.memory_space<vmem>>
      %dma_start3A_111 = arith.constant 0 : i32
      %dma_start3A_112 = tpu.memref_slice %arg5[%add3A_102, %dma_start3A_111] : memref<10008x128xf32, #tpu.memory_space<vmem_shared>> -> memref<104x128xf32, #tpu.memory_space<vmem_shared>>
      %dma_start3A_113 = arith.constant 0 : i32
      %dma_start3A_114 = arith.constant 0 : i32
      %dma_start3A_115 = tpu.memref_slice %arg10[%dma_start3A_113, %dma_start3A_114] : memref<112x128xf32, #tpu.memory_space<vmem>> -> memref<104x128xf32, #tpu.memory_space<vmem>>
      %dma_start3A_116 = arith.constant 0 : i32
      %dma_start3A_117 = tpu.memref_slice %arg5[%add3A_102, %dma_start3A_116] : memref<10008x128xf32, #tpu.memory_space<vmem_shared>> -> memref<104x128xf32, #tpu.memory_space<vmem_shared>>
      tpu.enqueue_dma source(%dma_start3A_117 : memref<104x128xf32, #tpu.memory_space<vmem_shared>>) target(%dma_start3A_115 : memref<104x128xf32, #tpu.memory_space<vmem>>) target_semaphore(%run_scoped3A : memref<!tpu.dma_semaphore, #tpu.memory_space<semaphore_mem>>)
      %dma_wait3A_118 = arith.constant 0 : i32
      %dma_wait3A_119 = arith.constant 0 : i32
      %dma_wait3A_120 = tpu.memref_slice %arg10[%dma_wait3A_118, %dma_wait3A_119] : memref<112x128xf32, #tpu.memory_space<vmem>> -> memref<104x128xf32, #tpu.memory_space<vmem>>
      %dma_wait3A_121 = arith.constant 0 : i32
      %dma_wait3A_122 = tpu.memref_slice %arg5[%add3A_102, %dma_wait3A_121] : memref<10008x128xf32, #tpu.memory_space<vmem_shared>> -> memref<104x128xf32, #tpu.memory_space<vmem_shared>>
      %dma_wait3A_123 = arith.constant 0 : i32
      %dma_wait3A_124 = arith.constant 0 : i32
      %dma_wait3A_125 = tpu.memref_slice %arg10[%dma_wait3A_123, %dma_wait3A_124] : memref<112x128xf32, #tpu.memory_space<vmem>> -> memref<104x128xf32, #tpu.memory_space<vmem>>
      %dma_wait3A_126 = arith.constant 0 : i32
      %dma_wait3A_127 = tpu.memref_slice %arg5[%add3A_102, %dma_wait3A_126] : memref<10008x128xf32, #tpu.memory_space<vmem_shared>> -> memref<104x128xf32, #tpu.memory_space<vmem_shared>>
      tpu.wait_dma2 semaphore(%run_scoped3A : memref<!tpu.dma_semaphore, #tpu.memory_space<semaphore_mem>>) src(%dma_wait3A_127 : memref<104x128xf32, #tpu.memory_space<vmem_shared>>) dst(%dma_wait3A_125 : memref<104x128xf32, #tpu.memory_space<vmem>>)
      tpu.yield
    }) : () -> ()
    "tpu.region"() ({
      %run_scoped3A = tpu.sem_alloc : memref<!tpu.dma_semaphore, #tpu.memory_space<semaphore_mem>>
      %dma_start3A_108 = arith.constant 0 : i32
      %dma_start3A_109 = arith.constant 0 : i32
      %dma_start3A_110 = tpu.memref_slice %arg10[%dma_start3A_108, %dma_start3A_109] : memref<112x128xf32, #tpu.memory_space<vmem>> -> memref<104x128xf32, #tpu.memory_space<vmem>>
      %dma_start3A_111 = arith.constant 0 : i32
      %dma_start3A_112 = tpu.memref_slice %arg4[%arg0, %add3A_102, %dma_start3A_111] : memref<2x10008x128xf32, #tpu.memory_space<hbm>> -> memref<1x104x128xf32, #tpu.memory_space<hbm>>
      %dma_start3A_113 = tpu.memref_squeeze %dma_start3A_112 : memref<1x104x128xf32, #tpu.memory_space<hbm>> -> memref<104x128xf32, #tpu.memory_space<hbm>>
      %dma_start3A_114 = arith.constant 0 : i32
      %dma_start3A_115 = tpu.memref_slice %arg4[%arg0, %add3A_102, %dma_start3A_114] : memref<2x10008x128xf32, #tpu.memory_space<hbm>> -> memref<1x104x128xf32, #tpu.memory_space<hbm>>
      %dma_start3A_116 = tpu.memref_squeeze %dma_start3A_115 : memref<1x104x128xf32, #tpu.memory_space<hbm>> -> memref<104x128xf32, #tpu.memory_space<hbm>>
      %dma_start3A_117 = arith.constant 0 : i32
      %dma_start3A_118 = arith.constant 0 : i32
      %dma_start3A_119 = tpu.memref_slice %arg10[%dma_start3A_117, %dma_start3A_118] : memref<112x128xf32, #tpu.memory_space<vmem>> -> memref<104x128xf32, #tpu.memory_space<vmem>>
      tpu.enqueue_dma source(%dma_start3A_119 : memref<104x128xf32, #tpu.memory_space<vmem>>) target(%dma_start3A_116 : memref<104x128xf32, #tpu.memory_space<hbm>>) target_semaphore(%run_scoped3A : memref<!tpu.dma_semaphore, #tpu.memory_space<semaphore_mem>>)
      %dma_wait3A_120 = arith.constant 0 : i32
      %dma_wait3A_121 = arith.constant 0 : i32
      %dma_wait3A_122 = tpu.memref_slice %arg10[%dma_wait3A_120, %dma_wait3A_121] : memref<112x128xf32, #tpu.memory_space<vmem>> -> memref<104x128xf32, #tpu.memory_space<vmem>>
      %dma_wait3A_123 = arith.constant 0 : i32
      %dma_wait3A_124 = tpu.memref_slice %arg4[%arg0, %add3A_102, %dma_wait3A_123] : memref<2x10008x128xf32, #tpu.memory_space<hbm>> -> memref<1x104x128xf32, #tpu.memory_space<hbm>>
      %dma_wait3A_125 = tpu.memref_squeeze %dma_wait3A_124 : memref<1x104x128xf32, #tpu.memory_space<hbm>> -> memref<104x128xf32, #tpu.memory_space<hbm>>
      %dma_wait3A_126 = arith.constant 0 : i32
      %dma_wait3A_127 = tpu.memref_slice %arg4[%arg0, %add3A_102, %dma_wait3A_126] : memref<2x10008x128xf32, #tpu.memory_space<hbm>> -> memref<1x104x128xf32, #tpu.memory_space<hbm>>
      %dma_wait3A_128 = tpu.memref_squeeze %dma_wait3A_127 : memref<1x104x128xf32, #tpu.memory_space<hbm>> -> memref<104x128xf32, #tpu.memory_space<hbm>>
      %dma_wait3A_129 = arith.constant 0 : i32
      %dma_wait3A_130 = arith.constant 0 : i32
      %dma_wait3A_131 = tpu.memref_slice %arg10[%dma_wait3A_129, %dma_wait3A_130] : memref<112x128xf32, #tpu.memory_space<vmem>> -> memref<104x128xf32, #tpu.memory_space<vmem>>
      tpu.wait_dma2 semaphore(%run_scoped3A : memref<!tpu.dma_semaphore, #tpu.memory_space<semaphore_mem>>) src(%dma_wait3A_131 : memref<104x128xf32, #tpu.memory_space<vmem>>) dst(%dma_wait3A_128 : memref<104x128xf32, #tpu.memory_space<hbm>>)
      tpu.yield
    }) : () -> ()
    %eq3A_103 = arith.constant 15 : i32
    %eq3A_104 = arith.cmpi eq, %arg1, %eq3A_103 : i32
    %convert_element_type3A_105 = arith.extui %eq3A_104 : i1 to i32
    %cond3A_106 = arith.constant 0 : i32
    %cond3A_107 = arith.cmpi ne, %convert_element_type3A_105, %cond3A_106 : i32
    scf.if %cond3A_107 {
      "tpu.region"() ({
        %run_scoped3A = tpu.sem_alloc : memref<!tpu.dma_semaphore, #tpu.memory_space<semaphore_mem>>
        %dma_start3A_108 = arith.constant 0 : i32
        %dma_start3A_109 = arith.constant 0 : i32
        %dma_start3A_110 = tpu.memref_slice %arg10[%dma_start3A_108, %dma_start3A_109] : memref<112x128xf32, #tpu.memory_space<vmem>> -> memref<24x128xf32, #tpu.memory_space<vmem>>
        %dma_start3A_111 = arith.constant 9984 : i32
        %dma_start3A_112 = arith.constant 0 : i32
        %dma_start3A_113 = tpu.memref_slice %arg5[%dma_start3A_111, %dma_start3A_112] : memref<10008x128xf32, #tpu.memory_space<vmem_shared>> -> memref<24x128xf32, #tpu.memory_space<vmem_shared>>
        %dma_start3A_114 = arith.constant 0 : i32
        %dma_start3A_115 = arith.constant 0 : i32
        %dma_start3A_116 = tpu.memref_slice %arg10[%dma_start3A_114, %dma_start3A_115] : memref<112x128xf32, #tpu.memory_space<vmem>> -> memref<24x128xf32, #tpu.memory_space<vmem>>
        %dma_start3A_117 = arith.constant 9984 : i32
        %dma_start3A_118 = arith.constant 0 : i32
        %dma_start3A_119 = tpu.memref_slice %arg5[%dma_start3A_117, %dma_start3A_118] : memref<10008x128xf32, #tpu.memory_space<vmem_shared>> -> memref<24x128xf32, #tpu.memory_space<vmem_shared>>
        tpu.enqueue_dma source(%dma_start3A_119 : memref<24x128xf32, #tpu.memory_space<vmem_shared>>) target(%dma_start3A_116 : memref<24x128xf32, #tpu.memory_space<vmem>>) target_semaphore(%run_scoped3A : memref<!tpu.dma_semaphore, #tpu.memory_space<semaphore_mem>>)
        %dma_wait3A_120 = arith.constant 0 : i32
        %dma_wait3A_121 = arith.constant 0 : i32
        %dma_wait3A_122 = tpu.memref_slice %arg10[%dma_wait3A_120, %dma_wait3A_121] : memref<112x128xf32, #tpu.memory_space<vmem>> -> memref<24x128xf32, #tpu.memory_space<vmem>>
        %dma_wait3A_123 = arith.constant 9984 : i32
        %dma_wait3A_124 = arith.constant 0 : i32
        %dma_wait3A_125 = tpu.memref_slice %arg5[%dma_wait3A_123, %dma_wait3A_124] : memref<10008x128xf32, #tpu.memory_space<vmem_shared>> -> memref<24x128xf32, #tpu.memory_space<vmem_shared>>
        %dma_wait3A_126 = arith.constant 0 : i32
        %dma_wait3A_127 = arith.constant 0 : i32
        %dma_wait3A_128 = tpu.memref_slice %arg10[%dma_wait3A_126, %dma_wait3A_127] : memref<112x128xf32, #tpu.memory_space<vmem>> -> memref<24x128xf32, #tpu.memory_space<vmem>>
        %dma_wait3A_129 = arith.constant 9984 : i32
        %dma_wait3A_130 = arith.constant 0 : i32
        %dma_wait3A_131 = tpu.memref_slice %arg5[%dma_wait3A_129, %dma_wait3A_130] : memref<10008x128xf32, #tpu.memory_space<vmem_shared>> -> memref<24x128xf32, #tpu.memory_space<vmem_shared>>
        tpu.wait_dma2 semaphore(%run_scoped3A : memref<!tpu.dma_semaphore, #tpu.memory_space<semaphore_mem>>) src(%dma_wait3A_131 : memref<24x128xf32, #tpu.memory_space<vmem_shared>>) dst(%dma_wait3A_128 : memref<24x128xf32, #tpu.memory_space<vmem>>)
        tpu.yield
      }) : () -> ()
      "tpu.region"() ({
        %run_scoped3A = tpu.sem_alloc : memref<!tpu.dma_semaphore, #tpu.memory_space<semaphore_mem>>
        %dma_start3A_108 = arith.constant 0 : i32
        %dma_start3A_109 = arith.constant 0 : i32
        %dma_start3A_110 = tpu.memref_slice %arg10[%dma_start3A_108, %dma_start3A_109] : memref<112x128xf32, #tpu.memory_space<vmem>> -> memref<24x128xf32, #tpu.memory_space<vmem>>
        %dma_start3A_111 = arith.constant 9984 : i32
        %dma_start3A_112 = arith.constant 0 : i32
        %dma_start3A_113 = tpu.memref_slice %arg4[%arg0, %dma_start3A_111, %dma_start3A_112] : memref<2x10008x128xf32, #tpu.memory_space<hbm>> -> memref<1x24x128xf32, #tpu.memory_space<hbm>>
        %dma_start3A_114 = tpu.memref_squeeze %dma_start3A_113 : memref<1x24x128xf32, #tpu.memory_space<hbm>> -> memref<24x128xf32, #tpu.memory_space<hbm>>
        %dma_start3A_115 = arith.constant 9984 : i32
        %dma_start3A_116 = arith.constant 0 : i32
        %dma_start3A_117 = tpu.memref_slice %arg4[%arg0, %dma_start3A_115, %dma_start3A_116] : memref<2x10008x128xf32, #tpu.memory_space<hbm>> -> memref<1x24x128xf32, #tpu.memory_space<hbm>>
        %dma_start3A_118 = tpu.memref_squeeze %dma_start3A_117 : memref<1x24x128xf32, #tpu.memory_space<hbm>> -> memref<24x128xf32, #tpu.memory_space<hbm>>
        %dma_start3A_119 = arith.constant 0 : i32
        %dma_start3A_120 = arith.constant 0 : i32
        %dma_start3A_121 = tpu.memref_slice %arg10[%dma_start3A_119, %dma_start3A_120] : memref<112x128xf32, #tpu.memory_space<vmem>> -> memref<24x128xf32, #tpu.memory_space<vmem>>
        tpu.enqueue_dma source(%dma_start3A_121 : memref<24x128xf32, #tpu.memory_space<vmem>>) target(%dma_start3A_118 : memref<24x128xf32, #tpu.memory_space<hbm>>) target_semaphore(%run_scoped3A : memref<!tpu.dma_semaphore, #tpu.memory_space<semaphore_mem>>)
        %dma_wait3A_122 = arith.constant 0 : i32
        %dma_wait3A_123 = arith.constant 0 : i32
        %dma_wait3A_124 = tpu.memref_slice %arg10[%dma_wait3A_122, %dma_wait3A_123] : memref<112x128xf32, #tpu.memory_space<vmem>> -> memref<24x128xf32, #tpu.memory_space<vmem>>
        %dma_wait3A_125 = arith.constant 9984 : i32
        %dma_wait3A_126 = arith.constant 0 : i32
        %dma_wait3A_127 = tpu.memref_slice %arg4[%arg0, %dma_wait3A_125, %dma_wait3A_126] : memref<2x10008x128xf32, #tpu.memory_space<hbm>> -> memref<1x24x128xf32, #tpu.memory_space<hbm>>
        %dma_wait3A_128 = tpu.memref_squeeze %dma_wait3A_127 : memref<1x24x128xf32, #tpu.memory_space<hbm>> -> memref<24x128xf32, #tpu.memory_space<hbm>>
        %dma_wait3A_129 = arith.constant 9984 : i32
        %dma_wait3A_130 = arith.constant 0 : i32
        %dma_wait3A_131 = tpu.memref_slice %arg4[%arg0, %dma_wait3A_129, %dma_wait3A_130] : memref<2x10008x128xf32, #tpu.memory_space<hbm>> -> memref<1x24x128xf32, #tpu.memory_space<hbm>>
        %dma_wait3A_132 = tpu.memref_squeeze %dma_wait3A_131 : memref<1x24x128xf32, #tpu.memory_space<hbm>> -> memref<24x128xf32, #tpu.memory_space<hbm>>
        %dma_wait3A_133 = arith.constant 0 : i32
        %dma_wait3A_134 = arith.constant 0 : i32
        %dma_wait3A_135 = tpu.memref_slice %arg10[%dma_wait3A_133, %dma_wait3A_134] : memref<112x128xf32, #tpu.memory_space<vmem>> -> memref<24x128xf32, #tpu.memory_space<vmem>>
        tpu.wait_dma2 semaphore(%run_scoped3A : memref<!tpu.dma_semaphore, #tpu.memory_space<semaphore_mem>>) src(%dma_wait3A_135 : memref<24x128xf32, #tpu.memory_space<vmem>>) dst(%dma_wait3A_132 : memref<24x128xf32, #tpu.memory_space<hbm>>)
        tpu.yield
      }) : () -> ()
    } else {
    }
    return
  }
}

#map = affine_map<(d0, d1) -> (0, 0, 0)>
#map1 = affine_map<(d0, d1) -> (0, 0)>
module attributes {stable_mosaic.version = 14 : i64} {
  func.func @_hist_kernel(%arg0: i32, %arg1: i32, %arg2: memref<32x79x128xi32, #tpu.memory_space<hbm>>, %arg3: memref<128x16xf32, #tpu.memory_space<hbm>>, %arg4: memref<10000x16xf32, #tpu.memory_space<hbm>>, %arg5: memref<2x10000x16xf32, #tpu.memory_space<hbm>>, %arg6: memref<10008x16xf32, #tpu.memory_space<vmem_shared>>, %arg7: memref<128x16xf32, #tpu.memory_space<vmem>>, %arg8: memref<79x128xi32, #tpu.memory_space<vmem>>, %arg9: memref<!tpu.dma_semaphore, #tpu.memory_space<semaphore_mem>>) attributes {dimension_semantics = [#tpu.dimension_semantics<core_parallel>, #tpu.dimension_semantics<subcore_parallel>], iteration_bounds = array<i64: 2, 16>, scalar_prefetch = 0 : i64, scratch_operands = 4 : i64, tpu.core_type = #tpu.core_type<sc_vector_subcore>, window_params = [{transform_indices = #map}, {transform_indices = #map1}, {transform_indices = #map1}, {transform_indices = #map}]} {
    %mul3A = arith.constant 16 : i32
    %mul3A_0 = arith.muli %arg0, %mul3A : i32
    %add3A = arith.addi %mul3A_0, %arg1 : i32
    "tpu.region"() ({
      %run_scoped3A = tpu.sem_alloc : memref<!tpu.dma_semaphore, #tpu.memory_space<semaphore_mem>>
      tpu.enqueue_dma source(%arg3 : memref<128x16xf32, #tpu.memory_space<hbm>>) target(%arg7 : memref<128x16xf32, #tpu.memory_space<vmem>>) target_semaphore(%run_scoped3A : memref<!tpu.dma_semaphore, #tpu.memory_space<semaphore_mem>>)
      tpu.wait_dma2 semaphore(%run_scoped3A : memref<!tpu.dma_semaphore, #tpu.memory_space<semaphore_mem>>) src(%arg3 : memref<128x16xf32, #tpu.memory_space<hbm>>) dst(%arg7 : memref<128x16xf32, #tpu.memory_space<vmem>>)
      tpu.yield
    }) : () -> ()
    "tpu.region"() ({
      %run_scoped3A = tpu.sem_alloc : memref<!tpu.dma_semaphore, #tpu.memory_space<semaphore_mem>>
      %dma_start3A = arith.constant 0 : i32
      %dma_start3A_26 = arith.constant 0 : i32
      %dma_start3A_27 = tpu.memref_slice %arg2[%add3A, %dma_start3A, %dma_start3A_26] : memref<32x79x128xi32, #tpu.memory_space<hbm>> -> memref<1x79x128xi32, #tpu.memory_space<hbm>>
      %dma_start3A_28 = tpu.memref_squeeze %dma_start3A_27 : memref<1x79x128xi32, #tpu.memory_space<hbm>> -> memref<79x128xi32, #tpu.memory_space<hbm>>
      %dma_start3A_29 = arith.constant 0 : i32
      %dma_start3A_30 = arith.constant 0 : i32
      %dma_start3A_31 = tpu.memref_slice %arg2[%add3A, %dma_start3A_29, %dma_start3A_30] : memref<32x79x128xi32, #tpu.memory_space<hbm>> -> memref<1x79x128xi32, #tpu.memory_space<hbm>>
      %dma_start3A_32 = tpu.memref_squeeze %dma_start3A_31 : memref<1x79x128xi32, #tpu.memory_space<hbm>> -> memref<79x128xi32, #tpu.memory_space<hbm>>
      tpu.enqueue_dma source(%dma_start3A_32 : memref<79x128xi32, #tpu.memory_space<hbm>>) target(%arg8 : memref<79x128xi32, #tpu.memory_space<vmem>>) target_semaphore(%run_scoped3A : memref<!tpu.dma_semaphore, #tpu.memory_space<semaphore_mem>>)
      %dma_wait3A = arith.constant 0 : i32
      %dma_wait3A_33 = arith.constant 0 : i32
      %dma_wait3A_34 = tpu.memref_slice %arg2[%add3A, %dma_wait3A, %dma_wait3A_33] : memref<32x79x128xi32, #tpu.memory_space<hbm>> -> memref<1x79x128xi32, #tpu.memory_space<hbm>>
      %dma_wait3A_35 = tpu.memref_squeeze %dma_wait3A_34 : memref<1x79x128xi32, #tpu.memory_space<hbm>> -> memref<79x128xi32, #tpu.memory_space<hbm>>
      %dma_wait3A_36 = arith.constant 0 : i32
      %dma_wait3A_37 = arith.constant 0 : i32
      %dma_wait3A_38 = tpu.memref_slice %arg2[%add3A, %dma_wait3A_36, %dma_wait3A_37] : memref<32x79x128xi32, #tpu.memory_space<hbm>> -> memref<1x79x128xi32, #tpu.memory_space<hbm>>
      %dma_wait3A_39 = tpu.memref_squeeze %dma_wait3A_38 : memref<1x79x128xi32, #tpu.memory_space<hbm>> -> memref<79x128xi32, #tpu.memory_space<hbm>>
      tpu.wait_dma2 semaphore(%run_scoped3A : memref<!tpu.dma_semaphore, #tpu.memory_space<semaphore_mem>>) src(%dma_wait3A_39 : memref<79x128xi32, #tpu.memory_space<hbm>>) dst(%arg8 : memref<79x128xi32, #tpu.memory_space<vmem>>)
      tpu.yield
    }) : () -> ()
    %mul3A_1 = arith.constant 624 : i32
    %mul3A_2 = arith.muli %arg1, %mul3A_1 : i32
    %mul3A_3 = arith.constant 624 : i32
    %mul3A_4 = arith.muli %arg1, %mul3A_3 : i32
    "tpu.region"() ({
      %run_scoped3A = tpu.sem_alloc : memref<!tpu.dma_semaphore, #tpu.memory_space<semaphore_mem>>
      %dma_start3A = arith.constant 0 : i32
      %dma_start3A_26 = tpu.memref_slice %arg6[%mul3A_4, %dma_start3A] : memref<10008x16xf32, #tpu.memory_space<vmem_shared>> -> memref<624x16xf32, #tpu.memory_space<vmem_shared>>
      %dma_start3A_27 = arith.constant 0 : i32
      %dma_start3A_28 = tpu.memref_slice %arg4[%mul3A_2, %dma_start3A_27] : memref<10000x16xf32, #tpu.memory_space<hbm>> -> memref<624x16xf32, #tpu.memory_space<hbm>>
      tpu.enqueue_dma source(%dma_start3A_28 : memref<624x16xf32, #tpu.memory_space<hbm>>) target(%dma_start3A_26 : memref<624x16xf32, #tpu.memory_space<vmem_shared>>) target_semaphore(%run_scoped3A : memref<!tpu.dma_semaphore, #tpu.memory_space<semaphore_mem>>)
      %dma_wait3A = arith.constant 0 : i32
      %dma_wait3A_29 = tpu.memref_slice %arg6[%mul3A_4, %dma_wait3A] : memref<10008x16xf32, #tpu.memory_space<vmem_shared>> -> memref<624x16xf32, #tpu.memory_space<vmem_shared>>
      %dma_wait3A_30 = arith.constant 0 : i32
      %dma_wait3A_31 = tpu.memref_slice %arg4[%mul3A_2, %dma_wait3A_30] : memref<10000x16xf32, #tpu.memory_space<hbm>> -> memref<624x16xf32, #tpu.memory_space<hbm>>
      tpu.wait_dma2 semaphore(%run_scoped3A : memref<!tpu.dma_semaphore, #tpu.memory_space<semaphore_mem>>) src(%dma_wait3A_31 : memref<624x16xf32, #tpu.memory_space<hbm>>) dst(%dma_wait3A_29 : memref<624x16xf32, #tpu.memory_space<vmem_shared>>)
      tpu.yield
    }) : () -> ()
    %eq3A = arith.constant 15 : i32
    %eq3A_5 = arith.cmpi eq, %arg1, %eq3A : i32
    %convert_element_type3A = arith.extui %eq3A_5 : i1 to i32
    %cond3A = arith.constant 0 : i32
    %cond3A_6 = arith.cmpi ne, %convert_element_type3A, %cond3A : i32
    scf.if %cond3A_6 {
      "tpu.region"() ({
        %run_scoped3A = tpu.sem_alloc : memref<!tpu.dma_semaphore, #tpu.memory_space<semaphore_mem>>
        %dma_start3A = arith.constant 9984 : i32
        %dma_start3A_26 = arith.constant 0 : i32
        %dma_start3A_27 = tpu.memref_slice %arg6[%dma_start3A, %dma_start3A_26] : memref<10008x16xf32, #tpu.memory_space<vmem_shared>> -> memref<16x16xf32, #tpu.memory_space<vmem_shared>>
        %dma_start3A_28 = arith.constant 9984 : i32
        %dma_start3A_29 = arith.constant 0 : i32
        %dma_start3A_30 = tpu.memref_slice %arg4[%dma_start3A_28, %dma_start3A_29] : memref<10000x16xf32, #tpu.memory_space<hbm>> -> memref<16x16xf32, #tpu.memory_space<hbm>>
        tpu.enqueue_dma source(%dma_start3A_30 : memref<16x16xf32, #tpu.memory_space<hbm>>) target(%dma_start3A_27 : memref<16x16xf32, #tpu.memory_space<vmem_shared>>) target_semaphore(%run_scoped3A : memref<!tpu.dma_semaphore, #tpu.memory_space<semaphore_mem>>)
        %dma_wait3A = arith.constant 9984 : i32
        %dma_wait3A_31 = arith.constant 0 : i32
        %dma_wait3A_32 = tpu.memref_slice %arg6[%dma_wait3A, %dma_wait3A_31] : memref<10008x16xf32, #tpu.memory_space<vmem_shared>> -> memref<16x16xf32, #tpu.memory_space<vmem_shared>>
        %dma_wait3A_33 = arith.constant 9984 : i32
        %dma_wait3A_34 = arith.constant 0 : i32
        %dma_wait3A_35 = tpu.memref_slice %arg4[%dma_wait3A_33, %dma_wait3A_34] : memref<10000x16xf32, #tpu.memory_space<hbm>> -> memref<16x16xf32, #tpu.memory_space<hbm>>
        tpu.wait_dma2 semaphore(%run_scoped3A : memref<!tpu.dma_semaphore, #tpu.memory_space<semaphore_mem>>) src(%dma_wait3A_35 : memref<16x16xf32, #tpu.memory_space<hbm>>) dst(%dma_wait3A_32 : memref<16x16xf32, #tpu.memory_space<vmem_shared>>)
        tpu.yield
      }) : () -> ()
    } else {
    }
    %barrier3A = arith.constant 0 : index
    tpu.barrier barrier_id(%barrier3A)
    %scan3A = arith.constant 0 : i32
    %scan3A_7 = arith.constant 79 : i32
    %scan3A_8 = arith.addi %scan3A, %scan3A_7 : i32
    %scan3A_9 = arith.constant 1 : i32
    scf.for %scan3A_26 = %scan3A to %scan3A_8 step %scan3A_9  : i32 {
      %mul3A_27 = arith.constant 1 : i32
      %mul3A_28 = arith.muli %scan3A_26, %mul3A_27 : i32
      %add3A_29 = arith.constant 0 : i32
      %add3A_30 = arith.addi %add3A_29, %mul3A_28 : i32
      %dma_start3A = arith.constant 0 : i32
      %dma_start3A_31 = tpu.memref_slice %arg8[%add3A_30, %dma_start3A] : memref<79x128xi32, #tpu.memory_space<vmem>> -> memref<1x128xi32, #tpu.memory_space<vmem>>
      %dma_start3A_32 = tpu.memref_squeeze %dma_start3A_31 : memref<1x128xi32, #tpu.memory_space<vmem>> -> memref<128xi32, #tpu.memory_space<vmem>>
      %dma_start3A_33 = arith.constant 0 : i32
      %dma_start3A_34 = arith.constant 0 : i32
      %dma_start3A_35 = tpu.memref_slice %arg6[%dma_start3A_33, %dma_start3A_34] : memref<10008x16xf32, #tpu.memory_space<vmem_shared>> -> memref<10008x16xf32, #tpu.memory_space<vmem_shared>>
      tpu.enqueue_indirect_dma source(%arg7 : memref<128x16xf32, #tpu.memory_space<vmem>>) target(%dma_start3A_35 : memref<10008x16xf32, #tpu.memory_space<vmem_shared>>) offsets(%dma_start3A_32 : memref<128xi32, #tpu.memory_space<vmem>>) semaphore(%arg9 : memref<!tpu.dma_semaphore, #tpu.memory_space<semaphore_mem>>) {add = true}
    }
    %scan3A_10 = arith.constant 79 : i32
    %scan3A_11 = arith.constant 0 : i32
    %scan3A_12 = arith.constant 79 : i32
    %scan3A_13 = arith.addi %scan3A_11, %scan3A_12 : i32
    %scan3A_14 = arith.constant 1 : i32
    scf.for %scan3A_26 = %scan3A_11 to %scan3A_13 step %scan3A_14  : i32 {
      %mul3A_27 = arith.constant 1 : i32
      %mul3A_28 = arith.muli %scan3A_26, %mul3A_27 : i32
      %add3A_29 = arith.constant 0 : i32
      %add3A_30 = arith.addi %add3A_29, %mul3A_28 : i32
      %dma_wait3A = arith.constant 0 : i32
      %dma_wait3A_31 = tpu.memref_slice %arg8[%add3A_30, %dma_wait3A] : memref<79x128xi32, #tpu.memory_space<vmem>> -> memref<1x128xi32, #tpu.memory_space<vmem>>
      %dma_wait3A_32 = tpu.memref_squeeze %dma_wait3A_31 : memref<1x128xi32, #tpu.memory_space<vmem>> -> memref<128xi32, #tpu.memory_space<vmem>>
      %dma_wait3A_33 = arith.constant 0 : i32
      %dma_wait3A_34 = arith.constant 0 : i32
      %dma_wait3A_35 = tpu.memref_slice %arg6[%dma_wait3A_33, %dma_wait3A_34] : memref<10008x16xf32, #tpu.memory_space<vmem_shared>> -> memref<10008x16xf32, #tpu.memory_space<vmem_shared>>
      tpu.wait_indirect_dma semaphore(%arg9 : memref<!tpu.dma_semaphore, #tpu.memory_space<semaphore_mem>>) src(%arg7 : memref<128x16xf32, #tpu.memory_space<vmem>>) dst(%dma_wait3A_35 : memref<10008x16xf32, #tpu.memory_space<vmem_shared>>)
    }
    %scan3A_15 = arith.constant 79 : i32
    %barrier3A_16 = arith.constant 0 : index
    tpu.barrier barrier_id(%barrier3A_16)
    %mul3A_17 = arith.constant 624 : i32
    %mul3A_18 = arith.muli %arg1, %mul3A_17 : i32
    %mul3A_19 = arith.constant 624 : i32
    %mul3A_20 = arith.muli %arg1, %mul3A_19 : i32
    "tpu.region"() ({
      %run_scoped3A = tpu.sem_alloc : memref<!tpu.dma_semaphore, #tpu.memory_space<semaphore_mem>>
      %dma_start3A = arith.constant 0 : i32
      %dma_start3A_26 = tpu.memref_slice %arg5[%arg0, %mul3A_20, %dma_start3A] : memref<2x10000x16xf32, #tpu.memory_space<hbm>> -> memref<1x624x16xf32, #tpu.memory_space<hbm>>
      %dma_start3A_27 = tpu.memref_squeeze %dma_start3A_26 : memref<1x624x16xf32, #tpu.memory_space<hbm>> -> memref<624x16xf32, #tpu.memory_space<hbm>>
      %dma_start3A_28 = arith.constant 0 : i32
      %dma_start3A_29 = tpu.memref_slice %arg6[%mul3A_18, %dma_start3A_28] : memref<10008x16xf32, #tpu.memory_space<vmem_shared>> -> memref<624x16xf32, #tpu.memory_space<vmem_shared>>
      tpu.enqueue_dma source(%dma_start3A_29 : memref<624x16xf32, #tpu.memory_space<vmem_shared>>) target(%dma_start3A_27 : memref<624x16xf32, #tpu.memory_space<hbm>>) target_semaphore(%run_scoped3A : memref<!tpu.dma_semaphore, #tpu.memory_space<semaphore_mem>>)
      %dma_wait3A = arith.constant 0 : i32
      %dma_wait3A_30 = tpu.memref_slice %arg5[%arg0, %mul3A_20, %dma_wait3A] : memref<2x10000x16xf32, #tpu.memory_space<hbm>> -> memref<1x624x16xf32, #tpu.memory_space<hbm>>
      %dma_wait3A_31 = tpu.memref_squeeze %dma_wait3A_30 : memref<1x624x16xf32, #tpu.memory_space<hbm>> -> memref<624x16xf32, #tpu.memory_space<hbm>>
      %dma_wait3A_32 = arith.constant 0 : i32
      %dma_wait3A_33 = tpu.memref_slice %arg6[%mul3A_18, %dma_wait3A_32] : memref<10008x16xf32, #tpu.memory_space<vmem_shared>> -> memref<624x16xf32, #tpu.memory_space<vmem_shared>>
      tpu.wait_dma2 semaphore(%run_scoped3A : memref<!tpu.dma_semaphore, #tpu.memory_space<semaphore_mem>>) src(%dma_wait3A_33 : memref<624x16xf32, #tpu.memory_space<vmem_shared>>) dst(%dma_wait3A_31 : memref<624x16xf32, #tpu.memory_space<hbm>>)
      tpu.yield
    }) : () -> ()
    %eq3A_21 = arith.constant 15 : i32
    %eq3A_22 = arith.cmpi eq, %arg1, %eq3A_21 : i32
    %convert_element_type3A_23 = arith.extui %eq3A_22 : i1 to i32
    %cond3A_24 = arith.constant 0 : i32
    %cond3A_25 = arith.cmpi ne, %convert_element_type3A_23, %cond3A_24 : i32
    scf.if %cond3A_25 {
      "tpu.region"() ({
        %run_scoped3A = tpu.sem_alloc : memref<!tpu.dma_semaphore, #tpu.memory_space<semaphore_mem>>
        %dma_start3A = arith.constant 9984 : i32
        %dma_start3A_26 = arith.constant 0 : i32
        %dma_start3A_27 = tpu.memref_slice %arg5[%arg0, %dma_start3A, %dma_start3A_26] : memref<2x10000x16xf32, #tpu.memory_space<hbm>> -> memref<1x16x16xf32, #tpu.memory_space<hbm>>
        %dma_start3A_28 = tpu.memref_squeeze %dma_start3A_27 : memref<1x16x16xf32, #tpu.memory_space<hbm>> -> memref<16x16xf32, #tpu.memory_space<hbm>>
        %dma_start3A_29 = arith.constant 9984 : i32
        %dma_start3A_30 = arith.constant 0 : i32
        %dma_start3A_31 = tpu.memref_slice %arg6[%dma_start3A_29, %dma_start3A_30] : memref<10008x16xf32, #tpu.memory_space<vmem_shared>> -> memref<16x16xf32, #tpu.memory_space<vmem_shared>>
        tpu.enqueue_dma source(%dma_start3A_31 : memref<16x16xf32, #tpu.memory_space<vmem_shared>>) target(%dma_start3A_28 : memref<16x16xf32, #tpu.memory_space<hbm>>) target_semaphore(%run_scoped3A : memref<!tpu.dma_semaphore, #tpu.memory_space<semaphore_mem>>)
        %dma_wait3A = arith.constant 9984 : i32
        %dma_wait3A_32 = arith.constant 0 : i32
        %dma_wait3A_33 = tpu.memref_slice %arg5[%arg0, %dma_wait3A, %dma_wait3A_32] : memref<2x10000x16xf32, #tpu.memory_space<hbm>> -> memref<1x16x16xf32, #tpu.memory_space<hbm>>
        %dma_wait3A_34 = tpu.memref_squeeze %dma_wait3A_33 : memref<1x16x16xf32, #tpu.memory_space<hbm>> -> memref<16x16xf32, #tpu.memory_space<hbm>>
        %dma_wait3A_35 = arith.constant 9984 : i32
        %dma_wait3A_36 = arith.constant 0 : i32
        %dma_wait3A_37 = tpu.memref_slice %arg6[%dma_wait3A_35, %dma_wait3A_36] : memref<10008x16xf32, #tpu.memory_space<vmem_shared>> -> memref<16x16xf32, #tpu.memory_space<vmem_shared>>
        tpu.wait_dma2 semaphore(%run_scoped3A : memref<!tpu.dma_semaphore, #tpu.memory_space<semaphore_mem>>) src(%dma_wait3A_37 : memref<16x16xf32, #tpu.memory_space<vmem_shared>>) dst(%dma_wait3A_34 : memref<16x16xf32, #tpu.memory_space<hbm>>)
        tpu.yield
      }) : () -> ()
    } else {
    }
    return
  }
}

module attributes {stable_mosaic.version = 14 : i64} {
  func.func @_mm_body(%arg0: i32, %arg1: memref<1000x128xf32, #tpu.memory_space<vmem>>, %arg2: memref<128x128xf32, #tpu.memory_space<vmem>>, %arg3: memref<2x1000x16xf32, #tpu.memory_space<vmem>>, %arg4: memref<1000x128xf32, #tpu.memory_space<vmem>>) attributes {dimension_semantics = [#tpu.dimension_semantics<arbitrary>], iteration_bounds = array<i64: 10>, scalar_prefetch = 0 : i64, scratch_operands = 0 : i64, tpu.core_type = #tpu.core_type<tc>, window_params = [{transform_indices = @transform_0, window_bounds = array<i64: 1000, 128>}, {pipeline_mode = #tpu.pipeline_mode<synchronous>, transform_indices = @transform_1, window_bounds = array<i64: 128, 128>}, {transform_indices = @transform_2, window_bounds = array<i64: 2, 1000, 16>}, {transform_indices = @transform_3, window_bounds = array<i64: 1000, 128>}]} {
    %get3A = arith.constant 0 : index
    %get3A_0 = arith.constant 0 : index
    %get3A_1 = vector.load %arg1[%get3A, %get3A_0] : memref<1000x128xf32, #tpu.memory_space<vmem>>, vector<1000x128xf32>
    %get3A_2 = arith.constant 0 : index
    %get3A_3 = arith.constant 0 : index
    %get3A_4 = vector.load %arg2[%get3A_2, %get3A_3] : memref<128x128xf32, #tpu.memory_space<vmem>>, vector<128x128xf32>
    %dot_general3A = arith.constant dense<0.000000e+00> : vector<1000x128xf32>
    %dot_general3A_5 = tpu.matmul %get3A_1, %get3A_4, %dot_general3A {dimension_numbers = #tpu.dot_dimension_numbers<[1], [0], [0], [1], [0, 0, 1, 1], [], []>, transpose_lhs_hint = false} : vector<1000x128xf32>, vector<128x128xf32>, vector<1000x128xf32> -> vector<1000x128xf32>
    %get3A_6 = arith.constant 0 : index
    %get3A_7 = arith.constant 0 : index
    %get3A_8 = arith.constant 0 : index
    %get3A_9 = vector.load %arg3[%get3A_6, %get3A_7, %get3A_8] : memref<2x1000x16xf32, #tpu.memory_space<vmem>>, vector<1x1000x1xf32>
    %get3A_10 = vector.shape_cast %get3A_9 : vector<1x1000x1xf32> to vector<1000x1xf32>
    %get3A_11 = arith.constant 1 : index
    %get3A_12 = arith.constant 0 : index
    %get3A_13 = arith.constant 0 : index
    %get3A_14 = vector.load %arg3[%get3A_11, %get3A_12, %get3A_13] : memref<2x1000x16xf32, #tpu.memory_space<vmem>>, vector<1x1000x1xf32>
    %get3A_15 = vector.shape_cast %get3A_14 : vector<1x1000x1xf32> to vector<1000x1xf32>
    %add3A = arith.addf %get3A_10, %get3A_15 : vector<1000x1xf32>
    %add3A_16 = arith.constant 1.000000e+00 : f32
    %add3A_17 = vector.broadcast %add3A_16 : f32 to vector<1000x1xf32>
    %add3A_18 = arith.addf %add3A, %add3A_17 : vector<1000x1xf32>
    %rsqrt3A = math.rsqrt %add3A_18 : vector<1000x1xf32>
    %mul3A = vector.broadcast %rsqrt3A : vector<1000x1xf32> to vector<1000x128xf32>
    %mul3A_19 = arith.mulf %dot_general3A_5, %mul3A : vector<1000x128xf32>
    %swap3A = arith.constant 0 : index
    %swap3A_20 = arith.constant 0 : index
    %swap3A_21 = vector.load %arg4[%swap3A, %swap3A_20] : memref<1000x128xf32, #tpu.memory_space<vmem>>, vector<1000x128xf32>
    tpu.vector_store %arg4[%swap3A, %swap3A_20], %mul3A_19 {strides = array<i32>} : memref<1000x128xf32, #tpu.memory_space<vmem>>, vector<1000x128xf32>,
    return
  }
  func.func @transform_0(%arg0: i32) -> (i32, i32) {
    %c0_i32 = arith.constant 0 : i32
    %c0_i32_0 = arith.constant 0 : i32
    return %arg0, %c0_i32 : i32, i32
  }
  func.func @transform_1(%arg0: i32) -> (i32, i32) {
    %c0_i32 = arith.constant 0 : i32
    %c0_i32_0 = arith.constant 0 : i32
    %c0_i32_1 = arith.constant 0 : i32
    return %c0_i32, %c0_i32_0 : i32, i32
  }
  func.func @transform_2(%arg0: i32) -> (i32, i32, i32) {
    %c0_i32 = arith.constant 0 : i32
    %c0_i32_0 = arith.constant 0 : i32
    %c0_i32_1 = arith.constant 0 : i32
    return %c0_i32, %arg0, %c0_i32_0 : i32, i32, i32
  }
  func.func @transform_3(%arg0: i32) -> (i32, i32) {
    %c0_i32 = arith.constant 0 : i32
    %c0_i32_0 = arith.constant 0 : i32
    return %arg0, %c0_i32 : i32, i32
  }
}

module attributes {stable_mosaic.version = 14 : i64} {
  func.func @_fin_body(%arg0: i32, %arg1: memref<2x1000x128xf32, #tpu.memory_space<vmem>>, %arg2: memref<1000x128xf32, #tpu.memory_space<vmem>>, %arg3: memref<2x1000x16xf32, #tpu.memory_space<vmem>>, %arg4: memref<1x128xf32, #tpu.memory_space<vmem>>, %arg5: memref<1000x128xf32, #tpu.memory_space<vmem>>) attributes {dimension_semantics = [#tpu.dimension_semantics<arbitrary>], iteration_bounds = array<i64: 10>, scalar_prefetch = 0 : i64, scratch_operands = 0 : i64, tpu.core_type = #tpu.core_type<tc>, window_params = [{transform_indices = @transform_0, window_bounds = array<i64: 2, 1000, 128>}, {transform_indices = @transform_1, window_bounds = array<i64: 1000, 128>}, {transform_indices = @transform_2, window_bounds = array<i64: 2, 1000, 16>}, {pipeline_mode = #tpu.pipeline_mode<synchronous>, transform_indices = @transform_3, window_bounds = array<i64: 1, 128>}, {transform_indices = @transform_4, window_bounds = array<i64: 1000, 128>}]} {
    %get3A = arith.constant 0 : index
    %get3A_0 = arith.constant 0 : index
    %get3A_1 = arith.constant 0 : index
    %get3A_2 = vector.load %arg3[%get3A, %get3A_0, %get3A_1] : memref<2x1000x16xf32, #tpu.memory_space<vmem>>, vector<1x1000x1xf32>
    %get3A_3 = vector.shape_cast %get3A_2 : vector<1x1000x1xf32> to vector<1000x1xf32>
    %get3A_4 = arith.constant 1 : index
    %get3A_5 = arith.constant 0 : index
    %get3A_6 = arith.constant 0 : index
    %get3A_7 = vector.load %arg3[%get3A_4, %get3A_5, %get3A_6] : memref<2x1000x16xf32, #tpu.memory_space<vmem>>, vector<1x1000x1xf32>
    %get3A_8 = vector.shape_cast %get3A_7 : vector<1x1000x1xf32> to vector<1000x1xf32>
    %add3A = arith.addf %get3A_3, %get3A_8 : vector<1000x1xf32>
    %add3A_9 = arith.constant 1.000000e+00 : f32
    %add3A_10 = vector.broadcast %add3A_9 : f32 to vector<1000x1xf32>
    %add3A_11 = arith.addf %add3A, %add3A_10 : vector<1000x1xf32>
    %rsqrt3A = math.rsqrt %add3A_11 : vector<1000x1xf32>
    %get3A_12 = arith.constant 0 : index
    %get3A_13 = arith.constant 0 : index
    %get3A_14 = arith.constant 0 : index
    %get3A_15 = vector.load %arg1[%get3A_12, %get3A_13, %get3A_14] : memref<2x1000x128xf32, #tpu.memory_space<vmem>>, vector<1x1000x128xf32>
    %get3A_16 = vector.shape_cast %get3A_15 : vector<1x1000x128xf32> to vector<1000x128xf32>
    %get3A_17 = arith.constant 1 : index
    %get3A_18 = arith.constant 0 : index
    %get3A_19 = arith.constant 0 : index
    %get3A_20 = vector.load %arg1[%get3A_17, %get3A_18, %get3A_19] : memref<2x1000x128xf32, #tpu.memory_space<vmem>>, vector<1x1000x128xf32>
    %get3A_21 = vector.shape_cast %get3A_20 : vector<1x1000x128xf32> to vector<1000x128xf32>
    %add3A_22 = arith.addf %get3A_16, %get3A_21 : vector<1000x128xf32>
    %get3A_23 = arith.constant 0 : index
    %get3A_24 = arith.constant 0 : index
    %get3A_25 = vector.load %arg2[%get3A_23, %get3A_24] : memref<1000x128xf32, #tpu.memory_space<vmem>>, vector<1000x128xf32>
    %sub3A = arith.subf %add3A_22, %get3A_25 : vector<1000x128xf32>
    %mul3A = vector.broadcast %rsqrt3A : vector<1000x1xf32> to vector<1000x128xf32>
    %mul3A_26 = arith.mulf %sub3A, %mul3A : vector<1000x128xf32>
    %get3A_27 = arith.constant 0 : index
    %get3A_28 = arith.constant 0 : index
    %get3A_29 = vector.load %arg4[%get3A_27, %get3A_28] : memref<1x128xf32, #tpu.memory_space<vmem>>, vector<1x128xf32>
    %add3A_30 = vector.broadcast %get3A_29 : vector<1x128xf32> to vector<1000x128xf32>
    %add3A_31 = arith.addf %mul3A_26, %add3A_30 : vector<1000x128xf32>
    %max3A = arith.constant 0.000000e+00 : f32
    %max3A_32 = vector.broadcast %max3A : f32 to vector<1000x128xf32>
    %max3A_33 = arith.maximumf %add3A_31, %max3A_32 : vector<1000x128xf32>
    %swap3A = arith.constant 0 : index
    %swap3A_34 = arith.constant 0 : index
    %swap3A_35 = vector.load %arg5[%swap3A, %swap3A_34] : memref<1000x128xf32, #tpu.memory_space<vmem>>, vector<1000x128xf32>
    tpu.vector_store %arg5[%swap3A, %swap3A_34], %max3A_33 {strides = array<i32>} : memref<1000x128xf32, #tpu.memory_space<vmem>>, vector<1000x128xf32>,
    return
  }
  func.func @transform_0(%arg0: i32) -> (i32, i32, i32) {
    %c0_i32 = arith.constant 0 : i32
    %c0_i32_0 = arith.constant 0 : i32
    %c0_i32_1 = arith.constant 0 : i32
    return %c0_i32, %arg0, %c0_i32_0 : i32, i32, i32
  }
  func.func @transform_1(%arg0: i32) -> (i32, i32) {
    %c0_i32 = arith.constant 0 : i32
    %c0_i32_0 = arith.constant 0 : i32
    return %arg0, %c0_i32 : i32, i32
  }
  func.func @transform_2(%arg0: i32) -> (i32, i32, i32) {
    %c0_i32 = arith.constant 0 : i32
    %c0_i32_0 = arith.constant 0 : i32
    %c0_i32_1 = arith.constant 0 : i32
    return %c0_i32, %arg0, %c0_i32_0 : i32, i32, i32
  }
  func.func @transform_3(%arg0: i32) -> (i32, i32) {
    %c0_i32 = arith.constant 0 : i32
    %c0_i32_0 = arith.constant 0 : i32
    %c0_i32_1 = arith.constant 0 : i32
    return %c0_i32, %c0_i32_0 : i32, i32
  }
  func.func @transform_4(%arg0: i32) -> (i32, i32) {
    %c0_i32 = arith.constant 0 : i32
    %c0_i32_0 = arith.constant 0 : i32
    return %arg0, %c0_i32 : i32, i32
  }
}

</mosaic_0001>

<sc_bundles>
// kernel: kernel.6.cloned.1.call-start
scs
__scs_entry_jumppad:
0x0: {  	(pc) =	sbr.rel $0x88, $3  }
0x1: {  	(tag) =	ssettag $0x0;
	lr =	simm.s32 $0x1  }
0x2: {  	[smem:$0x3F9D] =	sst lr;
	_ =	strace $0xD0000000  }
0x3: {  	_ = 	snop  }
0x4: {  	_ = 	snop  }
0x5: {  	_ = 	snop  }
0x6: {  	_ = 	snop  }
0x7: {  	_ = 	snop  }
__scs_overlays_trampoline_lowered:
0x8: {  	[smem:$0x3FAC] =	sst s0  }
0x9: {  	[smem:$0x3FAD] =	sst s1  }
0xa: {  	[smem:$0x3FAE] =	sst s2  }
0xb: {  	[smem:$0x3FAF] =	sst s3  }
0xc: {  	[smem:$0x3FB0] =	sst s4  }
0xd: {  	[smem:$0x3FB1] =	sst s5  }
0xe: {  	[smem:$0x3FB2] =	sst s6  }
0xf: {  	[smem:$0x3FB3] =	sst s7  }
0x10: {  	[smem:$0x3FB4] =	sst s8  }
0x11: {  	[smem:$0x3FB5] =	sst s9;
	s0 =	simm.s32 @!p0 $0x0  }
0x12: {  	s1 =	sld [smem:$0x3F9B];
	s0 =	simm.s32 @p0 $0x1  }
0x13: {  	[smem:$0x3FB6] =	sst s0;
	s0 =	simm.s32 @!p1 $0x0  }
0x14: {  	s2 =	sld [smem:$0x3F9A];
	s0 =	simm.s32 @p1 $0x1  }
0x15: {  	[smem:$0x3FB7] =	sst s0;
	s0 =	simm.s32 @!p2 $0x0  }
0x16: {  	s3 =	sld [smem:$0x3FDB];
	s0 =	simm.s32 @p2 $0x1  }
0x17: {  	s4 =	simm.s32 $0x1BF5;
	[smem:$0x3FB9] =	sst s0  }
0x18: {  	s0 =	sld [smem:$0x3F9C];
	_ =	swait.ge [sflag:s4], $0x0  }
0x19: {  	s7 =	sld [smem:$0x3F9D]  }
0x1a: {  	s8 =	sadd.s32 $0xFFFFE003, lr  }
0x1b: {  	s9 =	sadd.s32 $0xFFFFFEF7, lr;
	s5 =	simm.s32 $0xFFFFFFFF;
	p2 =	slt.u32 s8, $0xFFFFF086  }
0x1c: {  	p1 =	slt.u32 s9, $0xF7A;
	s5 =	simm.s32 @!p2 $0x0  }
0x1d: {  	s5 =	simm.s32 @p1 $0x1;
	p0 =	seq.s32 s7, s2  }
0x1e: {  	s7 =	smul.u32 @!p0 $0xF7A, s2;
	p2 =	seq.s32 @!p0 s5, $0x0  }
0x1f: {  	s9 =	smul.u32 $0xF7A, s1;
	s8 =	simm.s32 @!p0 $0x1BF5;
	p2 =	por !p2, p0  }
0x20: {  	[sflag:s8] =	ssyncset.s32 @!p0 $0xFFFFF086;
	s6 =	sadd.s32 @!p0 s3, s7;
	s7 =	simm.s32 @!p0 $0x108  }
0x21: {  	s3 =	sadd.s32 s3, s9;
	s6 =	sadd.s32 @!p0 $0x88, s6;
	s7 =	simm.s32 @p2 $0x1082  }
0x22: {  	[simem:s7], [sflag:s8] =	dma.local @!p0 [hbm:s6], $0xF7A  }
0x23: {  	s9 =	sor.u32 $0xD0000000, s2;
	s6 =	simm.s32 $0x108;
	_ =	swait.ge @!p0 [sflag:s8], $0x0  }
0x24: {  	s3 =	sadd.s32 $0x88, s3;
	s6 =	simm.s32 @!p1 $0x1082;
	[sflag:s4] =	ssyncset.s32 $0xFFFFF086  }
0x25: {  	[simem:s6], [sflag:s4] =	dma.local [hbm:s3], $0xF7A  }
0x26: {  	[smem:$0x3F9D] =	sst s1;
	(tag) =	ssettag s2;
	_ =	strace s9  }
0x27: {  	s1 =	sld [smem:$0x3FAD]  }
0x28: {  	s2 =	sld [smem:$0x3FAE]  }
0x29: {  	s4 =	sld [smem:$0x3FB0]  }
0x2a: {  	p0 =	seq.s32 s5, $0x0;
	s5 =	sld [smem:$0x3FB1]  }
0x2b: {  	s6 =	sld [smem:$0x3FB2]  }
0x2c: {  	s7 =	sld [smem:$0x3FB3]  }
0x2d: {  	s3 =	simm.s32 $0x108;
	s8 =	sld [smem:$0x3FB4]  }
0x2e: {  	s3 =	simm.s32 @!p0 $0x1082;
	s9 =	sld [smem:$0x3FB5]  }
0x2f: {  	lr =	sadd.s32 s0, s3;
	s0 =	sld [smem:$0x3FAC]  }
0x30: {  	s3 =	sld [smem:$0x3FAF]  }
0x31: {  	[smem:$0x3FB8] =	sst s10  }
0x32: {  	s10 =	sld [smem:$0x3FB6];
	_ =	sdelay $0x3  }
0x33: {  	p0 =	seq.s32 s10, $0x1;
	s10 =	sld [smem:$0x3FB8];
	_ =	sdelay $0x3  }
0x34: {  	[smem:$0x3FB8] =	sst s10  }
0x35: {  	s10 =	sld [smem:$0x3FB7];
	_ =	sdelay $0x3  }
0x36: {  	p1 =	seq.s32 s10, $0x1;
	s10 =	sld [smem:$0x3FB8];
	_ =	sdelay $0x3  }
0x37: {  	[smem:$0x3FB8] =	sst s10  }
0x38: {  	s10 =	sld [smem:$0x3FB9]  }
0x39: {  	_ = 	snop;
	(pc) =	sbr.ind lr, $3  }
0x3a: {  	_ = 	snop  }
0x3b: {  	_ = 	snop  }
0x3c: {  	p2 =	seq.s32 s10, $0x1;
	s10 =	sld [smem:$0x3FB8]  }
0x3d: {  	_ =	shalt  }
0x3e: {  	_ =	shalt  }
0x3f: {  	_ =	shalt  }
0x40: {  	_ =	shalt  }
0x41: {  	_ =	shalt  }
0x42: {  	_ =	shalt  }
0x43: {  	_ =	shalt  }
0x44: {  	_ =	shalt  }
0x45: {  	_ =	shalt  }
0x46: {  	_ =	shalt  }
0x47: {  	_ =	shalt  }
0x48: {  	_ =	shalt  }
0x49: {  	_ =	shalt  }
0x4a: {  	_ =	shalt  }
0x4b: {  	_ =	shalt  }
0x4c: {  	_ =	shalt  }
0x4d: {  	_ =	shalt  }
0x4e: {  	_ =	shalt  }
0x4f: {  	_ =	shalt  }
0x50: {  	_ =	shalt  }
0x51: {  	_ =	shalt  }
0x52: {  	_ =	shalt  }
0x53: {  	_ =	shalt  }
0x54: {  	_ =	shalt  }
0x55: {  	_ =	shalt  }
0x56: {  	_ =	shalt  }
0x57: {  	_ =	shalt  }
0x58: {  	_ =	shalt  }
0x59: {  	_ =	shalt  }
0x5a: {  	_ =	shalt  }
0x5b: {  	_ =	shalt  }
0x5c: {  	_ =	shalt  }
0x5d: {  	_ =	shalt  }
0x5e: {  	_ =	shalt  }
0x5f: {  	_ =	shalt  }
0x60: {  	_ =	shalt  }
0x61: {  	_ =	shalt  }
0x62: {  	_ =	shalt  }
0x63: {  	_ =	shalt  }
0x64: {  	_ =	shalt  }
0x65: {  	_ =	shalt  }
0x66: {  	_ =	shalt  }
0x67: {  	_ =	shalt  }
0x68: {  	_ =	shalt  }
0x69: {  	_ =	shalt  }
0x6a: {  	_ =	shalt  }
0x6b: {  	_ =	shalt  }
0x6c: {  	_ =	shalt  }
0x6d: {  	_ =	shalt  }
0x6e: {  	_ =	shalt  }
0x6f: {  	_ =	shalt  }
0x70: {  	_ =	shalt  }
0x71: {  	_ =	shalt  }
0x72: {  	_ =	shalt  }
0x73: {  	_ =	shalt  }
0x74: {  	_ =	shalt  }
0x75: {  	_ =	shalt  }
0x76: {  	_ =	shalt  }
0x77: {  	_ =	shalt  }
0x78: {  	_ =	shalt  }
0x79: {  	_ =	shalt  }
0x7a: {  	_ =	shalt  }
0x7b: {  	_ =	shalt  }
0x7c: {  	_ =	shalt  }
0x7d: {  	_ =	shalt  }
0x7e: {  	_ =	shalt  }
0x7f: {  	_ =	shalt  }
0x80: {  	_ =	shalt  }
0x81: {  	_ =	shalt  }
0x82: {  	_ =	shalt  }
0x83: {  	_ =	shalt  }
0x84: {  	_ =	shalt  }
0x85: {  	_ =	shalt  }
0x86: {  	_ =	shalt  }
0x87: {  	_ =	shalt  }
.Lfunc_end0:
.L_simem_size_0:
called_computation_lowered:
.L_overlay_start_0:
0x88: {  	s2 =	sld [smem:$0x3FD9]  }
0x89: {  	s3 =	sld [smem:$0x3FFE];
	_ =	sdelay $0x1  }
0x8a: {  	s1 =	srdreg.scid  }
0x8b: {  	s0 =	sand.u32 $0x1, s1  }
0x8c: {  	s17 =	sshll.u32 s0, $0xA;
	s2 =	sadd.s32 s3, s2  }
0x8d: {  	s2 =	sadd.s32 s2, s17  }
0x8e: {  	[smem:$0x3FC4] =	sst s2  }
0x8f: {  	_ = 	snop  }
0x90: {  	s2 =	sld [smem:$0x3FD0];
	(tm) =	ssettm $0x1  }
0x91: {  	s18 =	sld [smem:$0x3FFB];
	_ =	sdelay $0x3  }
0x92: {  	_ =	strace s18  }
0x93: {  	s3 =	sld [smem:$0x3FFC];
	_ =	sdelay $0x3  }
0x94: {  	_ =	strace s3  }
0x95: {  	s3 =	sld [smem:$0x3FFD];
	_ =	sdelay $0x3  }
0x96: {  	_ =	strace s3  }
0x97: {  	_ =	strace $0x8FFFFFFF  }
0x98: {  	s19 =	sld [smem:$0x3FDB];
	_ =	sdelay $0x1  }
0x99: {  	s4 =	simm.s32 $_scs_section_size  }
0x9a: {  	s5 =	simm.s32 $_size__tile_overlayer_lowered;
	s6 =	simm.s32 $_tile_overlayer_lowered  }
0x9b: {  	s22 =	simm.s32 $0x1BFF;
	s21 =	sshll.u32 s6, $0x1;
	s3 =	sadd.s32 s4, s19  }
0x9c: {  	s7 =	simm.s32 $0x0;
	s20 =	sshll.u32 s5, $0x1;
	s5 =	sadd.s32 s21, s3  }
0x9d: {  	[timem:s7], [sflag:s22] =	dma.local [hbm:s5], s20  }
0x9e: {  	_ =	swait.ge [sflag:s22], s20  }
0x9f: {  	s4 =	ssub.s32 $0x0, s20;
	[sflag:s22] =	ssyncset.done $0x0  }
0xa0: {  	[sflag:s22] =	ssyncadd.s32 s4;
	_ =	sdelay $0x1  }
0xa1: {  	s23 =	simm.s32 $0x1B8B  }
0xa2: {  	_ =	swait.ge [sflag:s23], $0x1  }
0xa3: {  	[sflag:s23] =	ssyncset.done $0x0  }
0xa4: {  	s25 =	simm.s32 $0x1B8E;
	s24 =	sld [smem:$0x3FFE];
	[sflag:s23] =	ssyncadd.s32 $0xFFFFFFFF  }
0xa5: {  	s26 =	simm.s32 $execute0_lowered;
	[smem:$0x3FD2] =	sst s25  }
0xa6: {  	s5 =	sshll.u32 s26, $0x1;
	_ =	strace $0x80000046;
	[dreg:$0x1] =	wrdreg $0xFFFFFFFF  }
0xa7: {  	s28 =	simm.s32 $_size_execute0_lowered;
	s3 =	sadd.s32 s3, s5;
	[dreg:$0x0] =	wrdreg $0x0  }
0xa8: {  	s5 =	sshll.u32 s28, $0x1;
	[dreg:$0x2] =	wrdreg s3  }
0xa9: {  	[dreg:$0x3] =	wrdreg s5  }
0xaa: {  	[dreg:$0x4] =	wrdreg $0xC0  }
0xab: {  	_ =	task [dreg:s7], $0x5FFFF  }
0xac: {  	[dreg:$0x1] =	wrdreg $0xFFFFFFFF  }
0xad: {  	[dreg:$0x0] =	wrdreg $0x60  }
0xae: {  	[dreg:$0x2] =	wrdreg s2  }
0xaf: {  	[dreg:$0x3] =	wrdreg s24  }
0xb0: {  	[dreg:$0x4] =	wrdreg $0x0  }
0xb1: {  	[dreg:$0x5] =	wrdreg $0x9  }
0xb2: {  	_ =	task.clear_ibuf [dreg:s7], $0x6FFFF;
	_ =	strace $0x90000046  }
0xb3: {  	s29 =	simm.s32 $0x9;
	_ =	strace $0x80000048  }
0xb4: {  	_ =	swait.ge [sflag:s29], $0x1  }
0xb5: {  	[sflag:s29] =	ssyncadd.s32 $0xFFFFFFFF  }
0xb6: {  	_ =	strace $0x90000048  }
0xb7: {  	_ =	sfence  }
0xb8: {  	s30 =	sld [smem:$0x0];
	_ =	sdelay $0x2  }
0xb9: {  	s31 =	sshll.u32 s1, $0xD;
	s1 =	sshrl.u32 s1, $0x2  }
0xba: {  	s3 =	sand.u32 $0x4000, s31;
	s1 =	sadd.s32 s1, s30  }
0xbb: {  	s0 =	sor.u32 s3, s0;
	s1 =	sshll.u32 s1, $0x11  }
0xbc: {  	s0 =	sor.u32 s1, s0  }
0xbd: {  	s0 =	sadd.s32 $0x8F2B, s0  }
0xbe: {  	[sflag:s0] =	ssyncadd.remote.s32 $0x1  }
0xbf: {  	_ =	sfence.sel $0xFFFF  }
0xc0: {  	[dreg:$0x0] =	wrdreg $0xFFFFFFFF;
	(pc) =	sbr.abs _section_cstart, $3  }
0xc1: {  	[dreg:$0x1] =	wrdreg $0xFFFFFFFF  }
0xc2: {  	_ =	task.clear_ibuf [dreg:s7], $0x2FFFF;
	_ =	strace $0x9FFFFFFF  }
0xc3: {  	(tm) =	ssettm $0x7FFFFFFF  }
tec
execute0_lowered:
.L_overlay_start_1:
0x0: {  	(tag) =	ssettag $0x1  }
0x1: {  	s5 =	rddreg [dreg:$0x0]  }
0x2: {  	s7 =	rddreg [dreg:$0x1]  }
0x3: {  	s2 =	rddreg [dreg:$0x2]  }
0x4: {  	s0 =	rddreg [dreg:$0x3];
	s3 =	simm.s32 $0x0;
	s1 =	stileid.u32  }
0x5: {  	s4 =	srdreg.scid;
	s17 =	simm.s32 $0x80;
	s18 =	simm.s32 $0x1  }
0x6: {  	s19 =	simm.s32 $0x0;
	[smem:$0x7FF] =	sst s3;
	s8 =	smul.u32 $0x2700, s1  }
0x7: {  	s6 =	sand.u32 $0x1, s4;
	s4 =	sadd.s32 $0x1600, s7;
	s12 =	sadd.s32 $0x6800, s7  }
0x8: {  	s16 =	sadd.s32 $0x27000, s2;
	p0 =	sne.s32 s1, $0xF;
	s31 =	sshll.u32 s1, $0x6  }
0x9: {  	_ =	strace $0x80000047;
	s9 =	sshll.u32 s6, $0x4;
	s11 =	ssub.s32 $0x2, s6  }
0xa: {  	s14 =	smul.u32 $0x27100, s6;
	s16 =	sshrl.u32 @!p0 s16, $0x3;
	s10 =	sshrl.u32 s8, $0x3  }
0xb: {  	s9 =	sor.u32 s1, s9;
	s13 =	sshrl.u32 s11, $0x1;
	s15 =	sadd.s32 s8, s2  }
0xc: {  	s10 =	sadd.s32 s10, s7;
	s9 =	smul.u32 $0x4F0, s9;
	s11 =	ssub.s32 s11, s13  }
0xd: {  	s8 =	sadd.s32 s8, s14;
	s30 =	sshrl.u32 s14, $0x3;
	s7 =	sadd.s32 $0x6600, s7  }
0xe: {  	s13 =	simm.s32 $0x2F18;
	s14 =	sor.u32 $0x1C02, s31;
	s15 =	sshrl.u32 s15, $0x3  }
0xf: {  	s6 =	sadd.s32 $0x1800, s10;
	s8 =	sshrl.u32 s8, $0x3;
	s10 =	smax.u32 s11, $0x1  }
0x10: {  	s11 =	simm.s32 $0x2718;
	s5 =	sadd.s32 s5, s9;
	s9 =	sadd.s32 s12, s30  }
0x11: {  	s8 =	sadd.s32 s12, s8;
	s12 =	simm.s32 $0x2;
	s9 =	sadd.s32 $0x4E00, s9  }
.LBB2_1:
0x12: {  	[tilespmem:s11], [sflag:$0x2] =	stream.linear.gather [hbm4b:s4+s3], $0x800, $0x38;
	[tilespmem:$0x5698] =	vst v63  }
0x13: {  	_ =	swait.ge [sflag:s12], $0x800  }
0x14: {  	[sflag:s12] =	ssyncset.done $0x0  }
0x15: {  	[sflag:s12] =	ssyncadd.s32 $0xFFFFF800  }
0x16: {  	[tilespmem:s13], [sflag:$0x2] =	stream.linear.gather [hbm4b:s5+s3], $0x2780, $0x38;
	[tilespmem:$0x5698] =	vst v63  }
0x17: {  	_ =	swait.ge [sflag:s12], $0x2780  }
0x18: {  	[sflag:s12] =	ssyncset.done $0x0  }
0x19: {  	[sflag:s12] =	ssyncadd.s32 $0xFFFFD880  }
0x1a: {  	[spmem:s15], [sflag:s14] =	dma.local [hbm:s6], $0x4E0  }
0x1b: {  	_ =	swait.ge [sflag:s12], $0x4E0  }
0x1c: {  	[sflag:s12] =	ssyncset.done $0x0  }
0x1d: {  	s20 =	simm.s32 @!p0 $0x2;
	[sflag:s12] =	ssyncadd.s32 $0xFFFFFB20  }
0x1e: {  	[spmem:s16], [sflag:s14] =	dma.local @!p0 [hbm:s7], $0x20  }
0x1f: {  	_ =	swait.ge @!p0 [sflag:s20], $0x20  }
0x20: {  	[sflag:s20] =	ssyncset.done @!p0 $0x0  }
0x21: {  	[sflag:s20] =	ssyncadd.s32 @!p0 $0xFFFFFFE0  }
0x22: {  	s20 =	simm.s32 $0x0;
	[bflag:$0x0] =	sbarrier.arrive $0xFFFF  }
.LBB2_2:
0x23: {  	p1 =	sne.s32 s20, $0x9C00  }
.Ltmp0:
0x24: {  	_ = 	snop;
	(pc) =	sbr.rel @p1 .LBB2_2-.Ltmp0, $4  }
0x25: {  	_ = 	snop  }
0x26: {  	s21 =	sshra.s32 s20, $0x2  }
0x27: {  	s20 =	sadd.s32 $0x200, s20;
	s21 =	sadd.s32 $0x2F18, s21  }
0x28: {  	[spmem:s2] =	stream.indirect.scatter.add.f32 [tilespmem:s11], [sflag:$0x1], $0x10, s21, s17, $0xb8;
	[tilespmem:$0x5698] =	vst v63  }
0x29: {  	_ =	swait.ge [sflag:s18], $0x800  }
0x2a: {  	s20 =	simm.s32 $0x4E;
	[sflag:s18] =	ssyncset.done $0x0  }
.LBB2_4:
0x2b: {  	p1 =	sne.s32 s20, $0x1;
	s20 =	sadd.s32 $0xFFFFFFFF, s20;
	[sflag:s18] =	ssyncadd.s32 $0xFFFFF800  }
.Ltmp1:
0x2c: {  	(pc) =	sbr.rel @p1 .LBB2_4-.Ltmp1, $3  }
0x2d: {  	_ =	sdelay $0x1  }
0x2e: {  	_ =	swait.ge [sflag:s18], $0x800  }
0x2f: {  	[sflag:s18] =	ssyncset.done $0x0  }
0x30: {  	[sflag:s18] =	ssyncadd.s32 $0xFFFFF800  }
0x31: {  	[bflag:$0x0] =	sbarrier.arrive $0xFFFF  }
0x32: {  	[hbm:s8], [sflag:s14] =	dma.local [spmem:s15], $0x4E0  }
0x33: {  	s19 =	sadd.s32 $0x1, s19;
	_ =	swait.ge [sflag:s12], $0x4E0  }
0x34: {  	p1 =	sne.s32 s19, s10;
	[sflag:s12] =	ssyncset.done $0x0  }
.Ltmp2:
0x35: {  	s20 =	simm.s32 @!p0 $0x2;
	[sflag:s12] =	ssyncadd.s32 $0xFFFFFB20;
	(pc) =	sbr.rel @p1 .LBB2_1-.Ltmp2, $4  }
0x36: {  	[hbm:s9], [sflag:s14] =	dma.local @!p0 [spmem:s16], $0x20  }
0x37: {  	_ =	swait.ge @!p0 [sflag:s20], $0x20  }
0x38: {  	[sflag:s20] =	ssyncset.done @!p0 $0x0  }
0x39: {  	[sflag:s20] =	ssyncadd.s32 @!p0 $0xFFFFFFE0  }
0x3a: {  	_ =	sfence.sel $0x180000  }
0x3b: {  	[bflag:$0x0] =	sbarrier.arrive $0xFFFF  }
0x3c: {  	p0 =	sne.s32 s1, $0x0;
	_ =	strace $0x90000047  }
0x3d: {  	s0 =	sadd.s32 @!p0 $0x100000, s0;
	[bflag:$0x2] =	sbarrier.arrive $0xFFFF  }
0x3e: {  	[sflag:s0] =	ssyncadd.tile.s32 @!p0 $0x1;
	_ =	shalt  }
.Lfunc_end2:
_tile_overlayer_lowered:
.L_overlay_start_2:
0x3f: {  	(tag) =	ssettag $0x2  }
0x40: {  	s0 =	rddreg [dreg:$0x0];
	s2 =	stileid.u32  }
0x41: {  	s1 =	rddreg [dreg:$0x1];
	p0 =	sne.s32 s2, $0x0  }
0x42: {  	s3 =	rddreg [dreg:$0x2];
	[bflag:$0x3] =	sbarrier.arrive $0xFFFF;
	s2 =	simm.s32 @!p0 $0x1C02  }
0x43: {  	[timem:s3], [sflag:s2] =	dma.local @!p0 [hbm:s0], s1  }
0x44: {  	s0 =	simm.s32 @!p0 $0x2  }
0x45: {  	_ =	swait.ge @!p0 [sflag:s0], s1  }
0x46: {  	s1 =	ssub.s32 @!p0 $0x0, s1;
	[sflag:s0] =	ssyncset.done @!p0 $0x0  }
0x47: {  	[sflag:s0] =	ssyncadd.s32 @!p0 s1  }
0x48: {  	[bflag:$0x3] =	sbarrier.arrive $0xFFFF  }
0x49: {  	_ =	shalt  }

// kernel: kernel.9.cloned.1.call-start
scs
__scs_entry_jumppad:
0x0: {  	(pc) =	sbr.rel $0x88, $3  }
0x1: {  	(tag) =	ssettag $0x0;
	lr =	simm.s32 $0x1  }
0x2: {  	[smem:$0x3F9D] =	sst lr;
	_ =	strace $0xD0000000  }
0x3: {  	_ = 	snop  }
0x4: {  	_ = 	snop  }
0x5: {  	_ = 	snop  }
0x6: {  	_ = 	snop  }
0x7: {  	_ = 	snop  }
__scs_overlays_trampoline_lowered:
0x8: {  	[smem:$0x3FAC] =	sst s0  }
0x9: {  	[smem:$0x3FAD] =	sst s1  }
0xa: {  	[smem:$0x3FAE] =	sst s2  }
0xb: {  	[smem:$0x3FAF] =	sst s3  }
0xc: {  	[smem:$0x3FB0] =	sst s4  }
0xd: {  	[smem:$0x3FB1] =	sst s5  }
0xe: {  	[smem:$0x3FB2] =	sst s6  }
0xf: {  	[smem:$0x3FB3] =	sst s7  }
0x10: {  	[smem:$0x3FB4] =	sst s8  }
0x11: {  	[smem:$0x3FB5] =	sst s9;
	s0 =	simm.s32 @!p0 $0x0  }
0x12: {  	s1 =	sld [smem:$0x3F9B];
	s0 =	simm.s32 @p0 $0x1  }
0x13: {  	[smem:$0x3FB6] =	sst s0;
	s0 =	simm.s32 @!p1 $0x0  }
0x14: {  	s2 =	sld [smem:$0x3F9A];
	s0 =	simm.s32 @p1 $0x1  }
0x15: {  	[smem:$0x3FB7] =	sst s0;
	s0 =	simm.s32 @!p2 $0x0  }
0x16: {  	s3 =	sld [smem:$0x3FDB];
	s0 =	simm.s32 @p2 $0x1  }
0x17: {  	s4 =	simm.s32 $0x1BF5;
	[smem:$0x3FB9] =	sst s0  }
0x18: {  	s0 =	sld [smem:$0x3F9C];
	_ =	swait.ge [sflag:s4], $0x0  }
0x19: {  	s7 =	sld [smem:$0x3F9D]  }
0x1a: {  	s8 =	sadd.s32 $0xFFFFE003, lr  }
0x1b: {  	s9 =	sadd.s32 $0xFFFFFEF7, lr;
	s5 =	simm.s32 $0xFFFFFFFF;
	p2 =	slt.u32 s8, $0xFFFFF086  }
0x1c: {  	p1 =	slt.u32 s9, $0xF7A;
	s5 =	simm.s32 @!p2 $0x0  }
0x1d: {  	s5 =	simm.s32 @p1 $0x1;
	p0 =	seq.s32 s7, s2  }
0x1e: {  	s7 =	smul.u32 @!p0 $0xF7A, s2;
	p2 =	seq.s32 @!p0 s5, $0x0  }
0x1f: {  	s9 =	smul.u32 $0xF7A, s1;
	s8 =	simm.s32 @!p0 $0x1BF5;
	p2 =	por !p2, p0  }
0x20: {  	[sflag:s8] =	ssyncset.s32 @!p0 $0xFFFFF086;
	s6 =	sadd.s32 @!p0 s3, s7;
	s7 =	simm.s32 @!p0 $0x108  }
0x21: {  	s3 =	sadd.s32 s3, s9;
	s6 =	sadd.s32 @!p0 $0x88, s6;
	s7 =	simm.s32 @p2 $0x1082  }
0x22: {  	[simem:s7], [sflag:s8] =	dma.local @!p0 [hbm:s6], $0xF7A  }
0x23: {  	s9 =	sor.u32 $0xD0000000, s2;
	s6 =	simm.s32 $0x108;
	_ =	swait.ge @!p0 [sflag:s8], $0x0  }
0x24: {  	s3 =	sadd.s32 $0x88, s3;
	s6 =	simm.s32 @!p1 $0x1082;
	[sflag:s4] =	ssyncset.s32 $0xFFFFF086  }
0x25: {  	[simem:s6], [sflag:s4] =	dma.local [hbm:s3], $0xF7A  }
0x26: {  	[smem:$0x3F9D] =	sst s1;
	(tag) =	ssettag s2;
	_ =	strace s9  }
0x27: {  	s1 =	sld [smem:$0x3FAD]  }
0x28: {  	s2 =	sld [smem:$0x3FAE]  }
0x29: {  	s4 =	sld [smem:$0x3FB0]  }
0x2a: {  	p0 =	seq.s32 s5, $0x0;
	s5 =	sld [smem:$0x3FB1]  }
0x2b: {  	s6 =	sld [smem:$0x3FB2]  }
0x2c: {  	s7 =	sld [smem:$0x3FB3]  }
0x2d: {  	s3 =	simm.s32 $0x108;
	s8 =	sld [smem:$0x3FB4]  }
0x2e: {  	s3 =	simm.s32 @!p0 $0x1082;
	s9 =	sld [smem:$0x3FB5]  }
0x2f: {  	lr =	sadd.s32 s0, s3;
	s0 =	sld [smem:$0x3FAC]  }
0x30: {  	s3 =	sld [smem:$0x3FAF]  }
0x31: {  	[smem:$0x3FB8] =	sst s10  }
0x32: {  	s10 =	sld [smem:$0x3FB6];
	_ =	sdelay $0x3  }
0x33: {  	p0 =	seq.s32 s10, $0x1;
	s10 =	sld [smem:$0x3FB8];
	_ =	sdelay $0x3  }
0x34: {  	[smem:$0x3FB8] =	sst s10  }
0x35: {  	s10 =	sld [smem:$0x3FB7];
	_ =	sdelay $0x3  }
0x36: {  	p1 =	seq.s32 s10, $0x1;
	s10 =	sld [smem:$0x3FB8];
	_ =	sdelay $0x3  }
0x37: {  	[smem:$0x3FB8] =	sst s10  }
0x38: {  	s10 =	sld [smem:$0x3FB9]  }
0x39: {  	_ = 	snop;
	(pc) =	sbr.ind lr, $3  }
0x3a: {  	_ = 	snop  }
0x3b: {  	_ = 	snop  }
0x3c: {  	p2 =	seq.s32 s10, $0x1;
	s10 =	sld [smem:$0x3FB8]  }
0x3d: {  	_ =	shalt  }
0x3e: {  	_ =	shalt  }
0x3f: {  	_ =	shalt  }
0x40: {  	_ =	shalt  }
0x41: {  	_ =	shalt  }
0x42: {  	_ =	shalt  }
0x43: {  	_ =	shalt  }
0x44: {  	_ =	shalt  }
0x45: {  	_ =	shalt  }
0x46: {  	_ =	shalt  }
0x47: {  	_ =	shalt  }
0x48: {  	_ =	shalt  }
0x49: {  	_ =	shalt  }
0x4a: {  	_ =	shalt  }
0x4b: {  	_ =	shalt  }
0x4c: {  	_ =	shalt  }
0x4d: {  	_ =	shalt  }
0x4e: {  	_ =	shalt  }
0x4f: {  	_ =	shalt  }
0x50: {  	_ =	shalt  }
0x51: {  	_ =	shalt  }
0x52: {  	_ =	shalt  }
0x53: {  	_ =	shalt  }
0x54: {  	_ =	shalt  }
0x55: {  	_ =	shalt  }
0x56: {  	_ =	shalt  }
0x57: {  	_ =	shalt  }
0x58: {  	_ =	shalt  }
0x59: {  	_ =	shalt  }
0x5a: {  	_ =	shalt  }
0x5b: {  	_ =	shalt  }
0x5c: {  	_ =	shalt  }
0x5d: {  	_ =	shalt  }
0x5e: {  	_ =	shalt  }
0x5f: {  	_ =	shalt  }
0x60: {  	_ =	shalt  }
0x61: {  	_ =	shalt  }
0x62: {  	_ =	shalt  }
0x63: {  	_ =	shalt  }
0x64: {  	_ =	shalt  }
0x65: {  	_ =	shalt  }
0x66: {  	_ =	shalt  }
0x67: {  	_ =	shalt  }
0x68: {  	_ =	shalt  }
0x69: {  	_ =	shalt  }
0x6a: {  	_ =	shalt  }
0x6b: {  	_ =	shalt  }
0x6c: {  	_ =	shalt  }
0x6d: {  	_ =	shalt  }
0x6e: {  	_ =	shalt  }
0x6f: {  	_ =	shalt  }
0x70: {  	_ =	shalt  }
0x71: {  	_ =	shalt  }
0x72: {  	_ =	shalt  }
0x73: {  	_ =	shalt  }
0x74: {  	_ =	shalt  }
0x75: {  	_ =	shalt  }
0x76: {  	_ =	shalt  }
0x77: {  	_ =	shalt  }
0x78: {  	_ =	shalt  }
0x79: {  	_ =	shalt  }
0x7a: {  	_ =	shalt  }
0x7b: {  	_ =	shalt  }
0x7c: {  	_ =	shalt  }
0x7d: {  	_ =	shalt  }
0x7e: {  	_ =	shalt  }
0x7f: {  	_ =	shalt  }
0x80: {  	_ =	shalt  }
0x81: {  	_ =	shalt  }
0x82: {  	_ =	shalt  }
0x83: {  	_ =	shalt  }
0x84: {  	_ =	shalt  }
0x85: {  	_ =	shalt  }
0x86: {  	_ =	shalt  }
0x87: {  	_ =	shalt  }
.Lfunc_end0:
.L_simem_size_0:
called_computation.1_lowered:
.L_overlay_start_0:
0x88: {  	s2 =	sld [smem:$0x3FD9]  }
0x89: {  	s3 =	sld [smem:$0x3FFE];
	_ =	sdelay $0x1  }
0x8a: {  	s1 =	srdreg.scid  }
0x8b: {  	s0 =	sand.u32 $0x1, s1  }
0x8c: {  	s17 =	sshll.u32 s0, $0xA;
	s2 =	sadd.s32 s3, s2  }
0x8d: {  	s2 =	sadd.s32 s2, s17  }
0x8e: {  	[smem:$0x3FC4] =	sst s2  }
0x8f: {  	_ = 	snop  }
0x90: {  	s2 =	sld [smem:$0x3FD0];
	(tm) =	ssettm $0x1  }
0x91: {  	s18 =	sld [smem:$0x3FFB];
	_ =	sdelay $0x3  }
0x92: {  	_ =	strace s18  }
0x93: {  	s3 =	sld [smem:$0x3FFC];
	_ =	sdelay $0x3  }
0x94: {  	_ =	strace s3  }
0x95: {  	s3 =	sld [smem:$0x3FFD];
	_ =	sdelay $0x3  }
0x96: {  	_ =	strace s3  }
0x97: {  	_ =	strace $0x8FFFFFFF  }
0x98: {  	s19 =	sld [smem:$0x3FDB];
	_ =	sdelay $0x1  }
0x99: {  	s4 =	simm.s32 $_scs_section_size  }
0x9a: {  	s5 =	simm.s32 $_size__tile_overlayer_lowered;
	s6 =	simm.s32 $_tile_overlayer_lowered  }
0x9b: {  	s22 =	simm.s32 $0x1BFF;
	s21 =	sshll.u32 s6, $0x1;
	s3 =	sadd.s32 s4, s19  }
0x9c: {  	s7 =	simm.s32 $0x0;
	s20 =	sshll.u32 s5, $0x1;
	s5 =	sadd.s32 s21, s3  }
0x9d: {  	[timem:s7], [sflag:s22] =	dma.local [hbm:s5], s20  }
0x9e: {  	_ =	swait.ge [sflag:s22], s20  }
0x9f: {  	s4 =	ssub.s32 $0x0, s20;
	[sflag:s22] =	ssyncset.done $0x0  }
0xa0: {  	[sflag:s22] =	ssyncadd.s32 s4;
	_ =	sdelay $0x1  }
0xa1: {  	s23 =	simm.s32 $0x1B8B  }
0xa2: {  	_ =	swait.ge [sflag:s23], $0x1  }
0xa3: {  	[sflag:s23] =	ssyncset.done $0x0  }
0xa4: {  	s25 =	simm.s32 $0x1B8E;
	s24 =	sld [smem:$0x3FFE];
	[sflag:s23] =	ssyncadd.s32 $0xFFFFFFFF  }
0xa5: {  	s26 =	simm.s32 $execute0_lowered;
	[smem:$0x3FD2] =	sst s25  }
0xa6: {  	s5 =	sshll.u32 s26, $0x1;
	_ =	strace $0x80000049;
	[dreg:$0x1] =	wrdreg $0xFFFFFFFF  }
0xa7: {  	s28 =	simm.s32 $_size_execute0_lowered;
	s3 =	sadd.s32 s3, s5;
	[dreg:$0x0] =	wrdreg $0x0  }
0xa8: {  	s5 =	sshll.u32 s28, $0x1;
	[dreg:$0x2] =	wrdreg s3  }
0xa9: {  	[dreg:$0x3] =	wrdreg s5  }
0xaa: {  	[dreg:$0x4] =	wrdreg $0xC0  }
0xab: {  	_ =	task [dreg:s7], $0x5FFFF  }
0xac: {  	[dreg:$0x1] =	wrdreg $0xFFFFFFFF  }
0xad: {  	[dreg:$0x0] =	wrdreg $0x60  }
0xae: {  	[dreg:$0x2] =	wrdreg s24  }
0xaf: {  	[dreg:$0x3] =	wrdreg s2  }
0xb0: {  	[dreg:$0x4] =	wrdreg $0x0  }
0xb1: {  	[dreg:$0x5] =	wrdreg $0x9  }
0xb2: {  	_ =	task.clear_ibuf [dreg:s7], $0x6FFFF;
	_ =	strace $0x90000049  }
0xb3: {  	s29 =	simm.s32 $0x9;
	_ =	strace $0x8000004B  }
0xb4: {  	_ =	swait.ge [sflag:s29], $0x1  }
0xb5: {  	[sflag:s29] =	ssyncadd.s32 $0xFFFFFFFF  }
0xb6: {  	_ =	strace $0x9000004B  }
0xb7: {  	_ =	sfence  }
0xb8: {  	s30 =	sld [smem:$0x0];
	_ =	sdelay $0x2  }
0xb9: {  	s31 =	sshll.u32 s1, $0xD;
	s1 =	sshrl.u32 s1, $0x2  }
0xba: {  	s3 =	sand.u32 $0x4000, s31;
	s1 =	sadd.s32 s1, s30  }
0xbb: {  	s0 =	sor.u32 s3, s0;
	s1 =	sshll.u32 s1, $0x11  }
0xbc: {  	s0 =	sor.u32 s1, s0  }
0xbd: {  	s0 =	sadd.s32 $0x8F2B, s0  }
0xbe: {  	[sflag:s0] =	ssyncadd.remote.s32 $0x1  }
0xbf: {  	_ =	sfence.sel $0xFFFF  }
0xc0: {  	[dreg:$0x0] =	wrdreg $0xFFFFFFFF;
	(pc) =	sbr.abs _section_cstart, $3  }
0xc1: {  	[dreg:$0x1] =	wrdreg $0xFFFFFFFF  }
0xc2: {  	_ =	task.clear_ibuf [dreg:s7], $0x2FFFF;
	_ =	strace $0x9FFFFFFF  }
0xc3: {  	(tm) =	ssettm $0x7FFFFFFF  }
tec
execute0_lowered:
.L_overlay_start_1:
0x0: {  	(tag) =	ssettag $0x1  }
0x1: {  	s0 =	rddreg [dreg:$0x0]  }
0x2: {  	s1 =	rddreg [dreg:$0x1]  }
0x3: {  	s2 =	rddreg [dreg:$0x2];
	s3 =	simm.s32 $0x0;
	s4 =	srdreg.scid  }
0x4: {  	s19 =	stileid.u32;
	s5 =	simm.s32 $0x40;
	[smem:$0x7FF] =	sst s3  }
0x5: {  	s4 =	sand.u32 $0x1, s4;
	s8 =	sadd.s32 $0x10600, s0;
	s9 =	smul.u32 $0x74, s19  }
0x6: {  	s10 =	smul.u32 $0x13800, s19;
	s11 =	sadd.s32 $0x24200, s0;
	_ =	strace $0x8000004A  }
0x7: {  	s6 =	ssub.s32 $0x2, s4;
	p0 =	seq.s32 s4, $0x0;
	s4 =	smul.u32 $0x138C00, s4  }
0x8: {  	s7 =	sshrl.u32 s6, $0x1;
	s5 =	simm.s32 @!p0 $0x74;
	s12 =	sadd.s32 $0x400, s9  }
0x9: {  	s13 =	sadd.s32 $0x3400, s10;
	s28 =	sshrl.u32 s10, $0x3;
	s15 =	sadd.s32 $0x9C00, s10  }
0xa: {  	s16 =	sadd.s32 $0xD000, s10;
	s17 =	sadd.s32 $0x10400, s10;
	s0 =	ssub.s32 s6, s7  }
0xb: {  	s6 =	sshll.u32 s19, $0x6;
	s29 =	sshrl.u32 s13, $0x3;
	s7 =	sadd.s32 s10, s2  }
0xc: {  	s9 =	sadd.s32 s13, s2;
	s31 =	sadd.s32 $0xFFFFFFFF, s5;
	s20 =	sadd.s32 s4, s13  }
0xd: {  	s24 =	sadd.s32 s4, s15;
	s26 =	sadd.s32 s4, s16;
	s13 =	simm.s32 $0x13A10  }
0xe: {  	s12 =	smov.u32 @p0 s6;
	s6 =	sadd.s32 s1, s28;
	s30 =	sadd.s32 s1, s29  }
0xf: {  	[dreg:$0x4] =	wrdreg s31;
	s21 =	sshrl.u32 s20, $0x3;
	s25 =	sshrl.u32 s24, $0x3  }
0x10: {  	s28 =	sshrl.u32 s26, $0x3;
	s29 =	sadd.s32 s4, s17;
	[dreg:$0x7] =	wrdreg s13  }
0x11: {  	s31 =	simm.s32 $0x13930;
	s20 =	simm.s32 $0x13BD0;
	[dreg:$0x1c] =	wrdreg s9  }
0x12: {  	s24 =	sshrl.u32 s16, $0x3;
	s0 =	smax.u32 s0, $0x1;
	[dreg:$0xa] =	wrdreg s6  }
0x13: {  	p0 =	sne.s32 s19, $0xF;
	s13 =	simm.s32 $0x5;
	[dreg:$0xb] =	wrdreg s30  }
0x14: {  	s6 =	sadd.s32 $0x6800, s10;
	s14 =	smul.u32 $0xE0, s12;
	[dreg:$0x5] =	wrdreg s31  }
0x15: {  	s12 =	smul.u32 $0x1C, s12;
	s10 =	sadd.s32 s10, s4;
	[dreg:$0x9] =	wrdreg s20  }
0x16: {  	s30 =	sshrl.u32 s29, $0x3;
	[dreg:$0x1a] =	wrdreg s0;
	s31 =	sshrl.u32 s5, $0x2  }
0x17: {  	s10 =	sshrl.u32 s10, $0x3;
	s22 =	sadd.s32 s4, s6;
	s4 =	sshrl.u32 s4, $0x3  }
0x18: {  	[dreg:$0x1d] =	wrdreg s31;
	s14 =	sshrl.u32 s14, $0x3;
	s10 =	sadd.s32 s11, s10  }
0x19: {  	s18 =	sadd.s32 s8, s12;
	s23 =	sshrl.u32 s22, $0x3;
	[dreg:$0xd] =	wrdreg s10  }
0x1a: {  	s8 =	sadd.s32 s8, s14;
	s14 =	sadd.s32 $0xFFFFFFFE, s5;
	[dreg:$0xc] =	wrdreg s18  }
0x1b: {  	s4 =	sadd.s32 s11, s4;
	s10 =	sadd.s32 s11, s21;
	[dreg:$0x6] =	wrdreg s14  }
0x1c: {  	s22 =	sshrl.u32 s15, $0x3;
	s4 =	sadd.s32 $0x27000, s4;
	[dreg:$0xe] =	wrdreg s10  }
0x1d: {  	s12 =	sadd.s32 s15, s2;
	s10 =	sadd.s32 s11, s23;
	[dreg:$0x19] =	wrdreg s4  }
0x1e: {  	s15 =	simm.s32 $0x17440;
	s14 =	simm.s32 $0x13AF0;
	[dreg:$0xf] =	wrdreg s10  }
0x1f: {  	s21 =	sshrl.u32 s6, $0x3;
	s23 =	sadd.s32 s1, s22;
	[dreg:$0x8] =	wrdreg s14  }
0x20: {  	s29 =	sadd.s32 $0x38, s8;
	s4 =	sadd.s32 $0x54, s18;
	[dreg:$0x14] =	wrdreg s23  }
0x21: {  	s10 =	sadd.s32 s11, s25;
	s25 =	sshrl.u32 s17, $0x3;
	[dreg:$0x18] =	wrdreg s29  }
0x22: {  	s23 =	sadd.s32 s16, s2;
	[dreg:$0x10] =	wrdreg s10;
	s10 =	sadd.s32 s11, s28  }
0x23: {  	s14 =	simm.s32 $0x6;
	s26 =	sadd.s32 s1, s25;
	[dreg:$0x11] =	wrdreg s10  }
0x24: {  	s16 =	simm.s32 $0x0;
	s28 =	sadd.s32 $0x1C, s8;
	[dreg:$0x16] =	wrdreg s26  }
0x25: {  	s25 =	sadd.s32 s17, s2;
	s10 =	sadd.s32 s11, s30;
	[dreg:$0x17] =	wrdreg s28  }
0x26: {  	s8 =	simm.s32 $0x7;
	s11 =	sadd.s32 s1, s21;
	[dreg:$0x12] =	wrdreg s10  }
0x27: {  	s30 =	sadd.s32 $0x27000, s1;
	s26 =	sadd.s32 $0x138000, s2;
	[dreg:$0x13] =	wrdreg s11  }
0x28: {  	s11 =	sadd.s32 s6, s2;
	s6 =	sadd.s32 s1, s24;
	[dreg:$0x1b] =	wrdreg s30  }
0x29: {  	s10 =	simm.s32 $0x70;
	[dreg:$0x15] =	wrdreg s6;
	s6 =	simm.s32 $0x13C40  }
.LBB2_1:
0x2a: {  	s0 =	rddreg [dreg:$0xa]  }
0x2b: {  	[tilespmem:s6], [sflag:$0x7] =	stream.linear.gather [hbm4b:s0+s3], $0x3400, $0x38;
	[tilespmem:$0x1AC40] =	vst v63  }
0x2c: {  	_ =	swait.ge [sflag:s8], $0x3400  }
0x2d: {  	[sflag:s8] =	ssyncset.done $0x0  }
0x2e: {  	[sflag:s8] =	ssyncadd.s32 $0xFFFFCC00  }
0x2f: {  	[spmem:s7] =	stream.linear.scatter [tilespmem:s6], [sflag:$0x7], $0x3400, $0x38;
	[tilespmem:$0x1AC40] =	vst v63  }
0x30: {  	_ =	swait.ge [sflag:s8], $0x3400  }
0x31: {  	[sflag:s8] =	ssyncset.done $0x0  }
0x32: {  	s24 =	rddreg [dreg:$0xb];
	[sflag:s8] =	ssyncadd.s32 $0xFFFFCC00  }
0x33: {  	[tilespmem:s6], [sflag:$0x7] =	stream.linear.gather [hbm4b:s24+s3], $0x3400, $0x38;
	[tilespmem:$0x1AC40] =	vst v63  }
0x34: {  	_ =	swait.ge [sflag:s8], $0x3400  }
0x35: {  	[sflag:s8] =	ssyncset.done $0x0  }
0x36: {  	[sflag:s8] =	ssyncadd.s32 $0xFFFFCC00  }
0x37: {  	[spmem:s9] =	stream.linear.scatter [tilespmem:s6], [sflag:$0x7], $0x3400, $0x38;
	[tilespmem:$0x1AC40] =	vst v63  }
0x38: {  	_ =	swait.ge [sflag:s8], $0x3400  }
0x39: {  	[sflag:s8] =	ssyncset.done $0x0  }
0x3a: {  	s29 =	rddreg [dreg:$0x13];
	[sflag:s8] =	ssyncadd.s32 $0xFFFFCC00  }
0x3b: {  	[tilespmem:s6], [sflag:$0x7] =	stream.linear.gather [hbm4b:s29+s3], $0x3400, $0x38;
	[tilespmem:$0x1AC40] =	vst v63  }
0x3c: {  	_ =	swait.ge [sflag:s8], $0x3400  }
0x3d: {  	[sflag:s8] =	ssyncset.done $0x0  }
0x3e: {  	[sflag:s8] =	ssyncadd.s32 $0xFFFFCC00  }
0x3f: {  	[spmem:s11] =	stream.linear.scatter [tilespmem:s6], [sflag:$0x7], $0x3400, $0x38;
	[tilespmem:$0x1AC40] =	vst v63  }
0x40: {  	_ =	swait.ge [sflag:s8], $0x3400  }
0x41: {  	[sflag:s8] =	ssyncset.done $0x0  }
0x42: {  	s30 =	rddreg [dreg:$0x14];
	[sflag:s8] =	ssyncadd.s32 $0xFFFFCC00  }
0x43: {  	[tilespmem:s6], [sflag:$0x7] =	stream.linear.gather [hbm4b:s30+s3], $0x3400, $0x38;
	[tilespmem:$0x1AC40] =	vst v63  }
0x44: {  	_ =	swait.ge [sflag:s8], $0x3400  }
0x45: {  	[sflag:s8] =	ssyncset.done $0x0  }
0x46: {  	[sflag:s8] =	ssyncadd.s32 $0xFFFFCC00  }
0x47: {  	[spmem:s12] =	stream.linear.scatter [tilespmem:s6], [sflag:$0x7], $0x3400, $0x38;
	[tilespmem:$0x1AC40] =	vst v63  }
0x48: {  	_ =	swait.ge [sflag:s8], $0x3400  }
0x49: {  	[sflag:s8] =	ssyncset.done $0x0  }
0x4a: {  	s19 =	smov.u32 s7;
	s7 =	rddreg [dreg:$0x15];
	[sflag:s8] =	ssyncadd.s32 $0xFFFFCC00  }
0x4b: {  	[tilespmem:s6], [sflag:$0x7] =	stream.linear.gather [hbm4b:s7+s3], $0x3400, $0x38;
	[tilespmem:$0x1AC40] =	vst v63  }
0x4c: {  	_ =	swait.ge [sflag:s8], $0x3400  }
0x4d: {  	[sflag:s8] =	ssyncset.done $0x0  }
0x4e: {  	[sflag:s8] =	ssyncadd.s32 $0xFFFFCC00  }
0x4f: {  	[spmem:s23] =	stream.linear.scatter [tilespmem:s6], [sflag:$0x7], $0x3400, $0x38;
	[tilespmem:$0x1AC40] =	vst v63  }
0x50: {  	_ =	swait.ge [sflag:s8], $0x3400  }
0x51: {  	[sflag:s8] =	ssyncset.done $0x0  }
0x52: {  	s9 =	rddreg [dreg:$0x16];
	[sflag:s8] =	ssyncadd.s32 $0xFFFFCC00  }
0x53: {  	[tilespmem:s6], [sflag:$0x7] =	stream.linear.gather [hbm4b:s9+s3], $0x3400, $0x38;
	[tilespmem:$0x1AC40] =	vst v63  }
0x54: {  	_ =	swait.ge [sflag:s8], $0x3400  }
0x55: {  	[sflag:s8] =	ssyncset.done $0x0  }
0x56: {  	[sflag:s8] =	ssyncadd.s32 $0xFFFFCC00  }
0x57: {  	[spmem:s25] =	stream.linear.scatter [tilespmem:s6], [sflag:$0x7], $0x3400, $0x38;
	[tilespmem:$0x1AC40] =	vst v63  }
0x58: {  	_ =	swait.ge [sflag:s8], $0x3400  }
0x59: {  	s21 =	simm.s32 @!p0 $0x13C40;
	s17 =	simm.s32 @!p0 $0x7;
	[sflag:s8] =	ssyncset.done $0x0  }
0x5a: {  	s7 =	simm.s32 @!p0 $0x0;
	s0 =	rddreg [dreg:$0x1b];
	[sflag:s8] =	ssyncadd.s32 $0xFFFFCC00  }
0x5b: {  	[tilespmem:s21], [sflag:$0x7] =	stream.linear.gather @!p0 [hbm4b:s0+s7], $0x800, $0x38;
	[tilespmem:$0x1AC40] =	vst v63  }
0x5c: {  	_ =	swait.ge @!p0 [sflag:s17], $0x800  }
0x5d: {  	[sflag:s17] =	ssyncset.done @!p0 $0x0  }
0x5e: {  	[sflag:s17] =	ssyncadd.s32 @!p0 $0xFFFFF800  }
0x5f: {  	[spmem:s26] =	stream.linear.scatter @!p0 [tilespmem:s21], [sflag:$0x7], $0x800, $0x38;
	[tilespmem:$0x1AC40] =	vst v63  }
0x60: {  	_ =	swait.ge @!p0 [sflag:s17], $0x800  }
0x61: {  	[sflag:s17] =	ssyncset.done @!p0 $0x0  }
0x62: {  	s20 =	smov.u32 s11;
	[sflag:s17] =	ssyncadd.s32 @!p0 $0xFFFFF800  }
0x63: {  	s22 =	smov.u32 s12;
	s31 =	smov.u32 s25;
	[bflag:$0x0] =	sbarrier.arrive $0xFFFF  }
0x64: {  	s18 =	smov.u32 s26;
	s12 =	simm.s32 $0x138C0;
	s11 =	rddreg [dreg:$0xc]  }
0x65: {  	[tilespmem:s12], [sflag:$0x1] =	stream.linear.gather [hbm4b:s11+s3], $0xE0, $0x38;
	[tilespmem:$0x1AC40] =	vst v63  }
0x66: {  	s24 =	smov.u32 s23;
	s25 =	simm.s32 $0x139A0;
	s23 =	rddreg [dreg:$0x17]  }
0x67: {  	[tilespmem:s25], [sflag:$0x2] =	stream.linear.gather [hbm4b:s23+s3], $0xE0, $0x38;
	[tilespmem:$0x1AC40] =	vst v63  }
0x68: {  	s29 =	simm.s32 $0x13A80;
	s30 =	simm.s32 $0x1;
	s26 =	rddreg [dreg:$0x18]  }
0x69: {  	[tilespmem:s29], [sflag:$0x3] =	stream.linear.gather [hbm4b:s26+s3], $0xE0, $0x38;
	[tilespmem:$0x1AC40] =	vst v63  }
0x6a: {  	_ =	swait.ge [sflag:s30], $0xE0  }
0x6b: {  	[sflag:s30] =	ssyncset.done $0x0  }
0x6c: {  	[sflag:s30] =	ssyncadd.s32 $0xFFFFFF20  }
0x6d: {  	[tilespmem:s6], [sflag:$0x5] =	stream.indirect.gather [hbm4b:s1+s10], $0x80, s12, s10, $0xb8;
	[tilespmem:$0x1AC40] =	vst v63  }
0x6e: {  	_ =	swait.ge [sflag:s13], $0x3800  }
0x6f: {  	s0 =	rddreg [dreg:$0x4]  }
0x70: {  	[sflag:s13] =	ssyncset.done $0x0;
	p2 =	sle.u32 s0, $0x0  }
0x71: {  	[sflag:s13] =	ssyncadd.s32 $0xFFFFC800;
	s11 =	simm.s32 @!p2 $0x2  }
0x72: {  	_ =	swait.ge @!p2 [sflag:s11], $0xE0  }
0x73: {  	p1 =	sle.u32 s5, $0x3;
	s23 =	simm.s32 @!p2 $0x17440;
	[sflag:s11] =	ssyncset.done @!p2 $0x0  }
0x74: {  	s25 =	simm.s32 @!p2 $0x70;
	[sflag:s11] =	ssyncadd.s32 @!p2 $0xFFFFFF20;
	s11 =	simm.s32 @!p2 $0x139A0  }
0x75: {  	[tilespmem:s23], [sflag:$0x6] =	stream.indirect.gather @!p2 [hbm4b:s1+s25], $0x80, s11, s25, $0xb8;
	[tilespmem:$0x1AC40] =	vst v63  }
0x76: {  	s11 =	simm.s32 @!p1 $0x0;
	s23 =	simm.s32 @!p1 $0x13B60  }
0x77: {  	[tilespmem:s23], [sflag:$0x4] =	stream.linear.gather @!p1 [hbm4b:s4+s11], $0xE0, $0x38;
	[tilespmem:$0x1AC40] =	vst v63  }
0x78: {  	s7 =	rddreg [dreg:$0x5]  }
0x79: {  	[spmem:s2] =	stream.indirect.scatter.add.f32 [tilespmem:s6], [sflag:$0x7], $0x80, s7, s10, $0xb8;
	[tilespmem:$0x1AC40] =	vst v63  }
0x7a: {  	_ =	swait.ge [sflag:s8], $0x3800  }
0x7b: {  	[sflag:s8] =	ssyncset.done $0x0  }
0x7c: {  	[sflag:s8] =	ssyncadd.s32 $0xFFFFC800  }
0x7d: {  	_ =	swait.ge [sflag:s14], $0x3800  }
0x7e: {  	s9 =	rddreg [dreg:$0x6]  }
0x7f: {  	[sflag:s14] =	ssyncset.done $0x0;
	p3 =	sle.u32 s9, $0x0  }
0x80: {  	[sflag:s14] =	ssyncadd.s32 $0xFFFFC800;
	s11 =	simm.s32 @!p3 $0x3  }
0x81: {  	_ =	swait.ge @!p3 [sflag:s11], $0xE0  }
0x82: {  	p2 =	sle.u32 s5, $0x4;
	s25 =	simm.s32 @!p3 $0x13C40;
	[sflag:s11] =	ssyncset.done @!p3 $0x0  }
0x83: {  	s26 =	simm.s32 @!p3 $0x70;
	[sflag:s11] =	ssyncadd.s32 @!p3 $0xFFFFFF20;
	s11 =	simm.s32 @!p3 $0x13A80  }
0x84: {  	[tilespmem:s25], [sflag:$0x5] =	stream.indirect.gather @!p3 [hbm4b:s1+s26], $0x80, s11, s26, $0xb8;
	[tilespmem:$0x1AC40] =	vst v63  }
0x85: {  	s28 =	sadd.s32 @!p2 $0x1C, s4;
	s11 =	simm.s32 @!p2 $0x0;
	s25 =	simm.s32 @!p2 $0x138C0  }
0x86: {  	[tilespmem:s25], [sflag:$0x1] =	stream.linear.gather @!p2 [hbm4b:s28+s11], $0xE0, $0x38;
	[tilespmem:$0x1AC40] =	vst v63  }
0x87: {  	s12 =	rddreg [dreg:$0x7]  }
0x88: {  	[spmem:s2] =	stream.indirect.scatter.add.f32 [tilespmem:s15], [sflag:$0x7], $0x80, s12, s10, $0xb8;
	[tilespmem:$0x1AC40] =	vst v63  }
0x89: {  	_ =	swait.ge [sflag:s8], $0x3800  }
0x8a: {  	[sflag:s8] =	ssyncset.done $0x0  }
0x8b: {  	[sflag:s8] =	ssyncadd.s32 $0xFFFFC800  }
0x8c: {  	_ =	swait.ge [sflag:s13], $0x3800  }
0x8d: {  	[sflag:s13] =	ssyncset.done $0x0  }
0x8e: {  	s11 =	simm.s32 @!p1 $0x4;
	[sflag:s13] =	ssyncadd.s32 $0xFFFFC800  }
0x8f: {  	_ =	swait.ge @!p1 [sflag:s11], $0xE0  }
0x90: {  	s26 =	simm.s32 @!p1 $0x70;
	[sflag:s11] =	ssyncset.done @!p1 $0x0  }
0x91: {  	p3 =	sle.u32 s5, $0x5;
	s28 =	simm.s32 @!p1 $0x17440;
	[sflag:s11] =	ssyncadd.s32 @!p1 $0xFFFFFF20  }
0x92: {  	[tilespmem:s28], [sflag:$0x6] =	stream.indirect.gather @!p1 [hbm4b:s1+s26], $0x80, s23, s26, $0xb8;
	[tilespmem:$0x1AC40] =	vst v63  }
0x93: {  	s23 =	sadd.s32 @!p3 $0x38, s4;
	s26 =	simm.s32 @!p3 $0x0;
	s28 =	simm.s32 @!p3 $0x139A0  }
0x94: {  	[tilespmem:s28], [sflag:$0x2] =	stream.linear.gather @!p3 [hbm4b:s23+s26], $0xE0, $0x38;
	[tilespmem:$0x1AC40] =	vst v63  }
0x95: {  	s29 =	rddreg [dreg:$0x8]  }
0x96: {  	[spmem:s2] =	stream.indirect.scatter.add.f32 [tilespmem:s6], [sflag:$0x7], $0x80, s29, s10, $0xb8;
	[tilespmem:$0x1AC40] =	vst v63  }
0x97: {  	_ =	swait.ge [sflag:s8], $0x3800  }
0x98: {  	[sflag:s8] =	ssyncset.done $0x0  }
0x99: {  	[sflag:s8] =	ssyncadd.s32 $0xFFFFC800  }
0x9a: {  	_ =	swait.ge [sflag:s14], $0x3800  }
0x9b: {  	[sflag:s14] =	ssyncset.done $0x0  }
0x9c: {  	s11 =	simm.s32 @!p2 $0x1;
	[sflag:s14] =	ssyncadd.s32 $0xFFFFC800  }
0x9d: {  	p1 =	sle.u32 s5, $0x6;
	_ =	swait.ge @!p2 [sflag:s11], $0xE0  }
0x9e: {  	s26 =	simm.s32 @!p2 $0x70;
	s30 =	rddreg [dreg:$0x1d];
	[sflag:s11] =	ssyncset.done @!p2 $0x0  }
0x9f: {  	s23 =	sadd.s32 $0xFFFFFFFF, s30;
	[sflag:s11] =	ssyncadd.s32 @!p2 $0xFFFFFF20;
	s11 =	simm.s32 @!p2 $0x13C40  }
0xa0: {  	[tilespmem:s11], [sflag:$0x5] =	stream.indirect.gather @!p2 [hbm4b:s1+s26], $0x80, s25, s26, $0xb8;
	[tilespmem:$0x1AC40] =	vst v63  }
0xa1: {  	s11 =	sadd.s32 @!p1 $0x54, s4;
	s25 =	simm.s32 @!p1 $0x0;
	s26 =	simm.s32 @!p1 $0x13A80  }
0xa2: {  	[tilespmem:s26], [sflag:$0x3] =	stream.linear.gather @!p1 [hbm4b:s11+s25], $0xE0, $0x38;
	[tilespmem:$0x1AC40] =	vst v63  }
0xa3: {  	p1 =	sne.s32 s23, $0x0  }
.Ltmp0:
0xa4: {  	_ = 	snop;
	(pc) =	sbr.rel @!p1 .LBB2_3-.Ltmp0, $2  }
0xa5: {  	_ =	sdelay $0x2  }
0xa6: {  	s28 =	rddreg [dreg:$0x9];
	s25 =	simm.s32 $0x4;
	s26 =	sadd.s32 $0x70, s4  }
.LBB2_2:
0xa7: {  	[spmem:s2] =	stream.indirect.scatter.add.f32 [tilespmem:s15], [sflag:$0x7], $0x80, s28, s10, $0xb8;
	[tilespmem:$0x1AC40] =	vst v63  }
0xa8: {  	_ =	swait.ge [sflag:s8], $0x3800  }
0xa9: {  	[sflag:s8] =	ssyncset.done $0x0  }
0xaa: {  	[sflag:s8] =	ssyncadd.s32 $0xFFFFC800  }
0xab: {  	_ =	swait.ge [sflag:s13], $0x3800  }
0xac: {  	s11 =	rddreg [dreg:$0x4]  }
0xad: {  	[sflag:s13] =	ssyncset.done $0x0;
	p3 =	sge.u32 s25, s11  }
0xae: {  	[sflag:s13] =	ssyncadd.s32 $0xFFFFC800;
	s11 =	simm.s32 @!p3 $0x2  }
0xaf: {  	s30 =	sadd.s32 $0x3, s25;
	_ =	swait.ge @!p3 [sflag:s11], $0xE0  }
0xb0: {  	p2 =	sge.u32 s30, s5;
	s29 =	simm.s32 @!p3 $0x17440;
	[sflag:s11] =	ssyncset.done @!p3 $0x0  }
0xb1: {  	s0 =	simm.s32 @!p3 $0x70;
	[sflag:s11] =	ssyncadd.s32 @!p3 $0xFFFFFF20;
	s11 =	simm.s32 @!p3 $0x139A0  }
0xb2: {  	[tilespmem:s29], [sflag:$0x6] =	stream.indirect.gather @!p3 [hbm4b:s1+s0], $0x80, s11, s0, $0xb8;
	[tilespmem:$0x1AC40] =	vst v63  }
0xb3: {  	s0 =	simm.s32 @!p2 $0x0;
	s29 =	simm.s32 @!p2 $0x13B60  }
0xb4: {  	[tilespmem:s29], [sflag:$0x4] =	stream.linear.gather @!p2 [hbm4b:s26+s0], $0xE0, $0x38;
	[tilespmem:$0x1AC40] =	vst v63  }
0xb5: {  	s9 =	rddreg [dreg:$0x5]  }
0xb6: {  	[spmem:s2] =	stream.indirect.scatter.add.f32 [tilespmem:s6], [sflag:$0x7], $0x80, s9, s10, $0xb8;
	[tilespmem:$0x1AC40] =	vst v63  }
0xb7: {  	_ =	swait.ge [sflag:s8], $0x3800  }
0xb8: {  	[sflag:s8] =	ssyncset.done $0x0  }
0xb9: {  	[sflag:s8] =	ssyncadd.s32 $0xFFFFC800  }
0xba: {  	_ =	swait.ge [sflag:s14], $0x3800  }
0xbb: {  	s28 =	smov.u32 s25;
	s12 =	rddreg [dreg:$0x6]  }
0xbc: {  	[sflag:s14] =	ssyncset.done $0x0;
	p4 =	sge.u32 s28, s12  }
0xbd: {  	[sflag:s14] =	ssyncadd.s32 $0xFFFFC800;
	s0 =	simm.s32 @!p4 $0x3  }
0xbe: {  	s25 =	sadd.s32 $0x4, s25;
	_ =	swait.ge @!p4 [sflag:s0], $0xE0  }
0xbf: {  	p3 =	sge.u32 s25, s5;
	s11 =	simm.s32 @!p4 $0x13C40;
	[sflag:s0] =	ssyncset.done @!p4 $0x0  }
0xc0: {  	s30 =	simm.s32 @!p4 $0x70;
	[sflag:s0] =	ssyncadd.s32 @!p4 $0xFFFFFF20;
	s0 =	simm.s32 @!p4 $0x13A80  }
0xc1: {  	[tilespmem:s11], [sflag:$0x5] =	stream.indirect.gather @!p4 [hbm4b:s1+s30], $0x80, s0, s30, $0xb8;
	[tilespmem:$0x1AC40] =	vst v63  }
0xc2: {  	s7 =	simm.s32 @!p3 $0x0;
	s12 =	sadd.s32 @!p3 $0x1C, s26;
	s11 =	simm.s32 @!p3 $0x138C0  }
0xc3: {  	[tilespmem:s11], [sflag:$0x1] =	stream.linear.gather @!p3 [hbm4b:s12+s7], $0xE0, $0x38;
	[tilespmem:$0x1AC40] =	vst v63  }
0xc4: {  	s30 =	rddreg [dreg:$0x7]  }
0xc5: {  	[spmem:s2] =	stream.indirect.scatter.add.f32 [tilespmem:s15], [sflag:$0x7], $0x80, s30, s10, $0xb8;
	[tilespmem:$0x1AC40] =	vst v63  }
0xc6: {  	_ =	swait.ge [sflag:s8], $0x3800  }
0xc7: {  	[sflag:s8] =	ssyncset.done $0x0  }
0xc8: {  	[sflag:s8] =	ssyncadd.s32 $0xFFFFC800  }
0xc9: {  	_ =	swait.ge [sflag:s13], $0x3800  }
0xca: {  	[sflag:s13] =	ssyncset.done $0x0  }
0xcb: {  	s0 =	simm.s32 @!p2 $0x4;
	[sflag:s13] =	ssyncadd.s32 $0xFFFFC800  }
0xcc: {  	s9 =	sadd.s32 $0x5, s28;
	_ =	swait.ge @!p2 [sflag:s0], $0xE0  }
0xcd: {  	p4 =	sge.u32 s9, s5;
	[sflag:s0] =	ssyncset.done @!p2 $0x0  }
0xce: {  	s12 =	simm.s32 @!p2 $0x70;
	s30 =	simm.s32 @!p2 $0x17440;
	[sflag:s0] =	ssyncadd.s32 @!p2 $0xFFFFFF20  }
0xcf: {  	[tilespmem:s30], [sflag:$0x6] =	stream.indirect.gather @!p2 [hbm4b:s1+s12], $0x80, s29, s12, $0xb8;
	[tilespmem:$0x1AC40] =	vst v63  }
0xd0: {  	s9 =	simm.s32 @!p4 $0x0;
	s0 =	sadd.s32 @!p4 $0x38, s26;
	s12 =	simm.s32 @!p4 $0x139A0  }
0xd1: {  	[tilespmem:s12], [sflag:$0x2] =	stream.linear.gather @!p4 [hbm4b:s0+s9], $0xE0, $0x38;
	[tilespmem:$0x1AC40] =	vst v63  }
0xd2: {  	s7 =	rddreg [dreg:$0x8]  }
0xd3: {  	[spmem:s2] =	stream.indirect.scatter.add.f32 [tilespmem:s6], [sflag:$0x7], $0x80, s7, s10, $0xb8;
	[tilespmem:$0x1AC40] =	vst v63  }
0xd4: {  	_ =	swait.ge [sflag:s8], $0x3800  }
0xd5: {  	[sflag:s8] =	ssyncset.done $0x0  }
0xd6: {  	[sflag:s8] =	ssyncadd.s32 $0xFFFFC800  }
0xd7: {  	s23 =	sadd.s32 $0xFFFFFFFF, s23;
	_ =	swait.ge [sflag:s14], $0x3800  }
0xd8: {  	p1 =	sne.s32 s23, $0x0;
	[sflag:s14] =	ssyncset.done $0x0  }
0xd9: {  	s30 =	sadd.s32 $0x6, s28;
	s0 =	simm.s32 @!p3 $0x1;
	[sflag:s14] =	ssyncadd.s32 $0xFFFFC800  }
0xda: {  	p2 =	sge.u32 s30, s5;
	s9 =	simm.s32 @!p3 $0x13C40;
	_ =	swait.ge @!p3 [sflag:s0], $0xE0  }
.Ltmp1:
0xdb: {  	s12 =	simm.s32 @!p2 $0x0;
	[sflag:s0] =	ssyncset.done @!p3 $0x0;
	(pc) =	sbr.rel @p1 .LBB2_2-.Ltmp1, $4  }
0xdc: {  	s29 =	simm.s32 @!p2 $0x13A80;
	s7 =	simm.s32 @!p3 $0x70;
	[sflag:s0] =	ssyncadd.s32 @!p3 $0xFFFFFF20  }
0xdd: {  	[tilespmem:s9], [sflag:$0x5] =	stream.indirect.gather @!p3 [hbm4b:s1+s7], $0x80, s11, s7, $0xb8;
	[tilespmem:$0x1AC40] =	vst v63  }
0xde: {  	s28 =	rddreg [dreg:$0x9];
	s0 =	sadd.s32 @!p2 $0x54, s26;
	s26 =	sadd.s32 $0x70, s26  }
0xdf: {  	[tilespmem:s29], [sflag:$0x3] =	stream.linear.gather @!p2 [hbm4b:s0+s12], $0xE0, $0x38;
	[tilespmem:$0x1AC40] =	vst v63  }
.LBB2_3:
0xe0: {  	[spmem:s2] =	stream.indirect.scatter.add.f32 [tilespmem:s15], [sflag:$0x7], $0x80, s28, s10, $0xb8;
	[tilespmem:$0x1AC40] =	vst v63  }
0xe1: {  	_ =	swait.ge [sflag:s8], $0x3800  }
0xe2: {  	[sflag:s8] =	ssyncset.done $0x0  }
0xe3: {  	[sflag:s8] =	ssyncadd.s32 $0xFFFFC800  }
0xe4: {  	[bflag:$0x0] =	sbarrier.arrive $0xFFFF  }
0xe5: {  	[tilespmem:s6], [sflag:$0x7] =	stream.linear.gather [spmem:s19], $0x3400, $0x38;
	[tilespmem:$0x1AC40] =	vst v63  }
0xe6: {  	_ =	swait.ge [sflag:s8], $0x3400  }
0xe7: {  	[sflag:s8] =	ssyncset.done $0x0  }
0xe8: {  	s0 =	rddreg [dreg:$0xd];
	[sflag:s8] =	ssyncadd.s32 $0xFFFFCC00  }
0xe9: {  	[hbm4b:s0+s3] =	stream.linear.scatter [tilespmem:s6], [sflag:$0x7], $0x3400, $0x38;
	[tilespmem:$0x1AC40] =	vst v63  }
0xea: {  	_ =	swait.ge [sflag:s8], $0x3400  }
0xeb: {  	[sflag:s8] =	ssyncset.done $0x0  }
0xec: {  	s9 =	rddreg [dreg:$0x1c];
	[sflag:s8] =	ssyncadd.s32 $0xFFFFCC00  }
0xed: {  	[tilespmem:s6], [sflag:$0x7] =	stream.linear.gather [spmem:s9], $0x3400, $0x38;
	[tilespmem:$0x1AC40] =	vst v63  }
0xee: {  	_ =	swait.ge [sflag:s8], $0x3400  }
0xef: {  	[sflag:s8] =	ssyncset.done $0x0  }
0xf0: {  	s25 =	rddreg [dreg:$0xe];
	[sflag:s8] =	ssyncadd.s32 $0xFFFFCC00  }
0xf1: {  	[hbm4b:s25+s3] =	stream.linear.scatter [tilespmem:s6], [sflag:$0x7], $0x3400, $0x38;
	[tilespmem:$0x1AC40] =	vst v63  }
0xf2: {  	_ =	swait.ge [sflag:s8], $0x3400  }
0xf3: {  	[sflag:s8] =	ssyncset.done $0x0  }
0xf4: {  	[sflag:s8] =	ssyncadd.s32 $0xFFFFCC00  }
0xf5: {  	[tilespmem:s6], [sflag:$0x7] =	stream.linear.gather [spmem:s20], $0x3400, $0x38;
	[tilespmem:$0x1AC40] =	vst v63  }
0xf6: {  	_ =	swait.ge [sflag:s8], $0x3400  }
0xf7: {  	[sflag:s8] =	ssyncset.done $0x0  }
0xf8: {  	s26 =	rddreg [dreg:$0xf];
	[sflag:s8] =	ssyncadd.s32 $0xFFFFCC00  }
0xf9: {  	[hbm4b:s26+s3] =	stream.linear.scatter [tilespmem:s6], [sflag:$0x7], $0x3400, $0x38;
	[tilespmem:$0x1AC40] =	vst v63  }
0xfa: {  	_ =	swait.ge [sflag:s8], $0x3400  }
0xfb: {  	[sflag:s8] =	ssyncset.done $0x0  }
0xfc: {  	[sflag:s8] =	ssyncadd.s32 $0xFFFFCC00  }
0xfd: {  	[tilespmem:s6], [sflag:$0x7] =	stream.linear.gather [spmem:s22], $0x3400, $0x38;
	[tilespmem:$0x1AC40] =	vst v63  }
0xfe: {  	_ =	swait.ge [sflag:s8], $0x3400  }
0xff: {  	[sflag:s8] =	ssyncset.done $0x0  }
0x100: {  	s28 =	rddreg [dreg:$0x10];
	[sflag:s8] =	ssyncadd.s32 $0xFFFFCC00  }
0x101: {  	[hbm4b:s28+s3] =	stream.linear.scatter [tilespmem:s6], [sflag:$0x7], $0x3400, $0x38;
	[tilespmem:$0x1AC40] =	vst v63  }
0x102: {  	_ =	swait.ge [sflag:s8], $0x3400  }
0x103: {  	[sflag:s8] =	ssyncset.done $0x0  }
0x104: {  	[sflag:s8] =	ssyncadd.s32 $0xFFFFCC00  }
0x105: {  	[tilespmem:s6], [sflag:$0x7] =	stream.linear.gather [spmem:s24], $0x3400, $0x38;
	[tilespmem:$0x1AC40] =	vst v63  }
0x106: {  	_ =	swait.ge [sflag:s8], $0x3400  }
0x107: {  	[sflag:s8] =	ssyncset.done $0x0  }
0x108: {  	s29 =	rddreg [dreg:$0x11];
	[sflag:s8] =	ssyncadd.s32 $0xFFFFCC00  }
0x109: {  	[hbm4b:s29+s3] =	stream.linear.scatter [tilespmem:s6], [sflag:$0x7], $0x3400, $0x38;
	[tilespmem:$0x1AC40] =	vst v63  }
0x10a: {  	_ =	swait.ge [sflag:s8], $0x3400  }
0x10b: {  	[sflag:s8] =	ssyncset.done $0x0  }
0x10c: {  	[sflag:s8] =	ssyncadd.s32 $0xFFFFCC00  }
0x10d: {  	[tilespmem:s6], [sflag:$0x7] =	stream.linear.gather [spmem:s31], $0x3400, $0x38;
	[tilespmem:$0x1AC40] =	vst v63  }
0x10e: {  	_ =	swait.ge [sflag:s8], $0x3400  }
0x10f: {  	[sflag:s8] =	ssyncset.done $0x0  }
0x110: {  	s30 =	rddreg [dreg:$0x12];
	[sflag:s8] =	ssyncadd.s32 $0xFFFFCC00  }
0x111: {  	[hbm4b:s30+s3] =	stream.linear.scatter [tilespmem:s6], [sflag:$0x7], $0x3400, $0x38;
	[tilespmem:$0x1AC40] =	vst v63  }
0x112: {  	_ =	swait.ge [sflag:s8], $0x3400  }
0x113: {  	[sflag:s8] =	ssyncset.done $0x0  }
0x114: {  	[sflag:s8] =	ssyncadd.s32 $0xFFFFCC00  }
0x115: {  	[tilespmem:s21], [sflag:$0x7] =	stream.linear.gather @!p0 [spmem:s18], $0xC00, $0x38;
	[tilespmem:$0x1AC40] =	vst v63  }
0x116: {  	_ =	swait.ge @!p0 [sflag:s17], $0xC00  }
0x117: {  	s26 =	smov.u32 s18;
	[sflag:s17] =	ssyncset.done @!p0 $0x0  }
0x118: {  	s18 =	simm.s32 @!p0 $0x0;
	s0 =	rddreg [dreg:$0x19];
	[sflag:s17] =	ssyncadd.s32 @!p0 $0xFFFFF400  }
0x119: {  	[hbm4b:s0+s18] =	stream.linear.scatter @!p0 [tilespmem:s21], [sflag:$0x7], $0xC00, $0x38;
	[tilespmem:$0x1AC40] =	vst v63  }
0x11a: {  	_ =	swait.ge @!p0 [sflag:s17], $0xC00  }
0x11b: {  	s16 =	sadd.s32 $0x1, s16;
	s25 =	smov.u32 s31;
	s31 =	rddreg [dreg:$0x1a]  }
0x11c: {  	p1 =	sne.s32 s16, s31  }
.Ltmp2:
0x11d: {  	_ = 	snop;
	(pc) =	sbr.rel @p1 .LBB2_1-.Ltmp2, $3  }
0x11e: {  	_ =	sdelay $0x1  }
0x11f: {  	s7 =	smov.u32 s19;
	s11 =	smov.u32 s20;
	[sflag:s17] =	ssyncset.done @!p0 $0x0  }
0x120: {  	s12 =	smov.u32 s22;
	s23 =	smov.u32 s24;
	[sflag:s17] =	ssyncadd.s32 @!p0 $0xFFFFF400  }
0x121: {  	_ =	sfence.sel $0x180000  }
0x122: {  	[bflag:$0x0] =	sbarrier.arrive $0xFFFF  }
0x123: {  	_ =	strace $0x9000004A  }
0x124: {  	s0 =	stileid.u32;
	[bflag:$0x2] =	sbarrier.arrive $0xFFFF  }
0x125: {  	p0 =	sne.s32 s0, $0x0;
	s0 =	rddreg [dreg:$0x3]  }
0x126: {  	s0 =	sadd.s32 @!p0 $0x100000, s0  }
0x127: {  	[sflag:s0] =	ssyncadd.tile.s32 @!p0 $0x1;
	_ =	shalt  }
.Lfunc_end2:
_tile_overlayer_lowered:
.L_overlay_start_2:
0x128: {  	(tag) =	ssettag $0x2  }
0x129: {  	s0 =	rddreg [dreg:$0x0];
	s2 =	stileid.u32  }
0x12a: {  	s1 =	rddreg [dreg:$0x1];
	p0 =	sne.s32 s2, $0x0  }
0x12b: {  	s3 =	rddreg [dreg:$0x2];
	[bflag:$0x3] =	sbarrier.arrive $0xFFFF;
	s2 =	simm.s32 @!p0 $0x1C07  }
0x12c: {  	[timem:s3], [sflag:s2] =	dma.local @!p0 [hbm:s0], s1  }
0x12d: {  	s0 =	simm.s32 @!p0 $0x7  }
0x12e: {  	_ =	swait.ge @!p0 [sflag:s0], s1  }
0x12f: {  	s1 =	ssub.s32 @!p0 $0x0, s1;
	[sflag:s0] =	ssyncset.done @!p0 $0x0  }
0x130: {  	[sflag:s0] =	ssyncadd.s32 @!p0 s1  }
0x131: {  	[bflag:$0x3] =	sbarrier.arrive $0xFFFF  }
0x132: {  	_ =	shalt  }

</sc_bundles>
